<compile_context>
chip_gen: v7x
topology: tpu7x:2x2x1
jax: 0.10.2.dev20260603
libtpu: 0.0.44.dev20260713+nightly
codegen_flags: <defaults>
</compile_context>

<pallas_src>
import functools

import jax
import jax.numpy as jnp
from jax import lax
from jax.experimental import pallas as pl
from jax.experimental.pallas import tpu as pltpu
from jax.experimental.pallas import tpu_sc as plsc

N = 10000
NP = 10240
D_IN = 128
H = 16
C = 7
E = 320000
CHUNK = 128
NW = 32
RPW = 80
R = RPW * NW
EP = R * CHUNK
ROWS_PER_TILE = NP // 16


def _deg_body(src_hbm, dst_hbm, deg_o_hbm, deg_i_hbm,
              idx_v, ones_v, z_v, deg_o_sp, deg_i_sp, sem):
    c = lax.axis_index("c")
    s = lax.axis_index("s")
    wid = c * 16 + s

    for i in range(CHUNK // 16):
        ones_v[pl.ds(i * 16, 16)] = jnp.ones((16,), jnp.float32)
    for i in range(ROWS_PER_TILE // 16):
        z_v[pl.ds(i * 16, 16)] = jnp.zeros((16,), jnp.float32)
    pltpu.sync_copy(z_v, deg_o_sp.at[pl.ds(s * ROWS_PER_TILE, ROWS_PER_TILE)])
    pltpu.sync_copy(z_v, deg_i_sp.at[pl.ds(s * ROWS_PER_TILE, ROWS_PER_TILE)])
    plsc.subcore_barrier()

    pltpu.sync_copy(src_hbm.at[pl.ds(wid * RPW, RPW)], idx_v)

    def add_src(j, carry):
        pltpu.sync_copy(ones_v, deg_o_sp.at[idx_v.at[j]], add=True)
        return carry

    lax.fori_loop(0, RPW, add_src, 0)

    pltpu.sync_copy(dst_hbm.at[pl.ds(wid * RPW, RPW)], idx_v)

    def add_dst(j, carry):
        pltpu.sync_copy(ones_v, deg_i_sp.at[idx_v.at[j]], add=True)
        return carry

    lax.fori_loop(0, RPW, add_dst, 0)
    plsc.subcore_barrier()

    sl = pl.ds(s * ROWS_PER_TILE, ROWS_PER_TILE)
    pltpu.sync_copy(deg_o_sp.at[sl], deg_o_hbm.at[c].at[sl])
    pltpu.sync_copy(deg_i_sp.at[sl], deg_i_hbm.at[c].at[sl])


_SC_PARAMS = pltpu.CompilerParams(use_tc_tiling_on_sc=False)

_deg_call = functools.partial(
    pl.kernel,
    out_type=(jax.ShapeDtypeStruct((2, NP), jnp.float32),
              jax.ShapeDtypeStruct((2, NP), jnp.float32)),
    mesh=plsc.VectorSubcoreMesh(core_axis_name="c", subcore_axis_name="s"),
    compiler_params=_SC_PARAMS,
    scratch_types=(
        pltpu.VMEM((RPW, CHUNK), jnp.int32),
        pltpu.VMEM((CHUNK,), jnp.float32),
        pltpu.VMEM((ROWS_PER_TILE,), jnp.float32),
        pltpu.VMEM_SHARED((NP,), jnp.float32),
        pltpu.VMEM_SHARED((NP,), jnp.float32),
        pltpu.SemaphoreType.DMA,
    ),
)(_deg_body)


def _gs_body(src_hbm, dst_hbm, h_hbm, out_hbm,
             srcv, dstv, rows_v, z_v, agg_sp, sem):
    c = lax.axis_index("c")
    s = lax.axis_index("s")
    wid = c * 16 + s

    for i in range(64):
        z_v[i, :] = jnp.zeros((16,), jnp.float32)

    def zero_tile(t, carry):
        pltpu.sync_copy(z_v, agg_sp.at[pl.ds(s * ROWS_PER_TILE + t * 64, 64)])
        return carry

    lax.fori_loop(0, ROWS_PER_TILE // 64, zero_tile, 0)
    plsc.subcore_barrier()

    pltpu.sync_copy(src_hbm.at[pl.ds(wid * RPW, RPW)], srcv)
    pltpu.sync_copy(dst_hbm.at[pl.ds(wid * RPW, RPW)], dstv)

    def chunk(j, carry):
        pltpu.async_copy(h_hbm.at[srcv.at[j]], rows_v, sem).wait()
        pltpu.sync_copy(rows_v, agg_sp.at[dstv.at[j]], add=True)
        return carry

    lax.fori_loop(0, RPW, chunk, 0)
    plsc.subcore_barrier()

    sl = pl.ds(s * ROWS_PER_TILE, ROWS_PER_TILE)
    pltpu.sync_copy(agg_sp.at[sl], out_hbm.at[c].at[sl])


_gs_call = functools.partial(
    pl.kernel,
    out_type=jax.ShapeDtypeStruct((2, NP, H), jnp.float32),
    mesh=plsc.VectorSubcoreMesh(core_axis_name="c", subcore_axis_name="s"),
    compiler_params=_SC_PARAMS,
    scratch_types=(
        pltpu.VMEM((RPW, CHUNK), jnp.int32),
        pltpu.VMEM((RPW, CHUNK), jnp.int32),
        pltpu.VMEM((CHUNK, H), jnp.float32),
        pltpu.VMEM((64, H), jnp.float32),
        pltpu.VMEM_SHARED((NP, H), jnp.float32),
        pltpu.SemaphoreType.DMA,
    ),
)(_gs_body)


_BLK = 1024
_GRID = NP // _BLK


def _k1_body(feat_ref, w1_ref, dgo_ref, dgi_ref, h1s_ref, ns_ref, nd_ref):
    deg_o = dgo_ref[0] + dgo_ref[1]
    deg_i = dgi_ref[0] + dgi_ref[1]
    ns = lax.rsqrt(jnp.maximum(deg_o, 1.0))
    nd = lax.rsqrt(jnp.maximum(deg_i, 1.0))
    h = jnp.dot(feat_ref[...], w1_ref[...], preferred_element_type=jnp.float32)
    h1s_ref[...] = h * ns[:, None]
    ns_ref[...] = ns
    nd_ref[...] = nd


def _k1(feat_p, w1, deg_o, deg_i):
    return pl.pallas_call(
        _k1_body,
        grid=(_GRID,),
        in_specs=[
            pl.BlockSpec((_BLK, D_IN), lambda i: (i, 0)),
            pl.BlockSpec((D_IN, H), lambda i: (0, 0)),
            pl.BlockSpec((2, _BLK), lambda i: (0, i)),
            pl.BlockSpec((2, _BLK), lambda i: (0, i)),
        ],
        out_specs=[
            pl.BlockSpec((_BLK, H), lambda i: (i, 0)),
            pl.BlockSpec((_BLK,), lambda i: (i,)),
            pl.BlockSpec((_BLK,), lambda i: (i,)),
        ],
        out_shape=[
            jax.ShapeDtypeStruct((NP, H), jnp.float32),
            jax.ShapeDtypeStruct((NP,), jnp.float32),
            jax.ShapeDtypeStruct((NP,), jnp.float32),
        ],
    )(feat_p, w1, deg_o, deg_i)


def _k2_body(p_ref, nd_ref, ns_ref, b1_ref, w2_ref, out_ref):
    agg = p_ref[0] + p_ref[1]
    x1 = jnp.maximum(agg * nd_ref[...][:, None] + b1_ref[...], 0.0)
    h2 = jnp.dot(x1, w2_ref[...], preferred_element_type=jnp.float32)
    out_ref[...] = h2 * ns_ref[...][:, None]


def _k2(parts, nd, ns, b1, w2p):
    return pl.pallas_call(
        _k2_body,
        grid=(_GRID,),
        in_specs=[
            pl.BlockSpec((2, _BLK, H), lambda i: (0, i, 0)),
            pl.BlockSpec((_BLK,), lambda i: (i,)),
            pl.BlockSpec((_BLK,), lambda i: (i,)),
            pl.BlockSpec((1, H), lambda i: (0, 0)),
            pl.BlockSpec((H, H), lambda i: (0, 0)),
        ],
        out_specs=pl.BlockSpec((_BLK, H), lambda i: (i, 0)),
        out_shape=jax.ShapeDtypeStruct((NP, H), jnp.float32),
    )(parts, nd, ns, b1, w2p)


def _k3_body(p_ref, nd_ref, b2_ref, out_ref):
    agg = p_ref[0] + p_ref[1]
    out_ref[...] = agg * nd_ref[...][:, None] + b2_ref[...]


def _k3(parts, nd, b2p):
    return pl.pallas_call(
        _k3_body,
        grid=(_GRID,),
        in_specs=[
            pl.BlockSpec((2, _BLK, H), lambda i: (0, i, 0)),
            pl.BlockSpec((_BLK,), lambda i: (i,)),
            pl.BlockSpec((1, H), lambda i: (0, 0)),
        ],
        out_specs=pl.BlockSpec((_BLK, H), lambda i: (i, 0)),
        out_shape=jax.ShapeDtypeStruct((NP, H), jnp.float32),
    )(parts, nd, b2p)


def kernel(features, edge_index, W1, b1, W2, b2):
    src = edge_index[0]
    dst = edge_index[1]
    pad = jnp.full((EP - E,), N, dtype=jnp.int32)
    src_p = jnp.concatenate([src.astype(jnp.int32), pad]).reshape(R, CHUNK)
    dst_p = jnp.concatenate([dst.astype(jnp.int32), pad]).reshape(R, CHUNK)
    feat_p = jnp.pad(features, ((0, NP - N), (0, 0)))
    w2p = jnp.pad(W2, ((0, 0), (0, H - C)))
    b1r = b1.reshape(1, H)
    b2r = jnp.pad(b2, (0, H - C)).reshape(1, H)

    deg_o, deg_i = _deg_call(src_p, dst_p)
    h1s, ns, nd = _k1(feat_p, W1, deg_o, deg_i)
    agg1 = _gs_call(src_p, dst_p, h1s)
    h2s = _k2(agg1, nd, ns, b1r, w2p)
    agg2 = _gs_call(src_p, dst_p, h2s)
    out = _k3(agg2, nd, b2r)
    return out[:N, :C]

# --- scband reference (transcript-rebuilt; emitter-appended) ---
"""Pipeline reference for scband-net-sub-attack-2-68204080660483 (READ-ONLY COPY).

The authoritative reference and input builder live on the scoring server;
editing this copy changes nothing except your own understanding.
"""

import jax, jax.numpy as jnp
import numpy as np

N = 10000
E = 320000
D_IN = 128   # SUB_ATTACK_2_NODE_NUM (input feature dim)
H = 16       # hidden dim
C = 7        # LABEL_NUM


def setup_inputs(seed: int = 0) -> dict:
    key = jax.random.key(seed)
    k1, k2, k3, k4 = jax.random.split(key, 4)
    features = jax.random.normal(k1, (N, D_IN), dtype=jnp.float32)
    edge_index = jax.random.randint(k2, (2, E), 0, N, dtype=jnp.int32)
    # Glorot-style init for GraphConv weights (DGL default), zero bias
    W1 = jax.random.normal(k3, (D_IN, H), dtype=jnp.float32) * (1.0 / np.sqrt(D_IN))
    b1 = jnp.zeros((H,), dtype=jnp.float32)
    W2 = jax.random.normal(k4, (H, C), dtype=jnp.float32) * (1.0 / np.sqrt(H))
    b2 = jnp.zeros((C,), dtype=jnp.float32)
    return {"features": features, "edge_index": edge_index, "W1": W1, "b1": b1, "W2": W2, "b2": b2}


def _graph_conv(x, src, dst, W, b):
    # DGL GraphConv with norm='both':
    #   h = D_in^{-1/2} A D_out^{-1/2} x W + b
    ones = jnp.ones((src.shape[0],), dtype=jnp.float32)
    deg_out = jnp.zeros((N,), dtype=jnp.float32).at[src].add(ones)
    deg_in = jnp.zeros((N,), dtype=jnp.float32).at[dst].add(ones)
    norm_src = jax.lax.rsqrt(jnp.clip(deg_out, 1.0, None))
    norm_dst = jax.lax.rsqrt(jnp.clip(deg_in, 1.0, None))
    # project first (in_feats >= out_feats path in DGL), then aggregate
    h = x @ W
    m = jnp.take(h, src, axis=0) * norm_src[src][:, None]
    agg = jnp.zeros((N, h.shape[1]), dtype=jnp.float32).at[dst].add(m)
    return agg * norm_dst[:, None] + b


def reference(features, edge_index, W1, b1, W2, b2):
    src = edge_index[0]
    dst = edge_index[1]
    # layer0 has activation=relu inside GraphConv, and forward applies F.relu again
    x = jax.nn.relu(_graph_conv(features, src, dst, W1, b1))
    x = jax.nn.relu(x)  # outer F.relu (idempotent, kept for faithfulness)
    x = _graph_conv(x, src, dst, W2, b2)
    return x

if __name__ == "__main__":
    import jax
    _d = setup_inputs()
    print(jax.jit(kernel)(*tuple(_d.values())))

</pallas_src>

<mosaic_0001>
#map = affine_map<(d0, d1) -> (0, 0)>
module attributes {stable_mosaic.version = 14 : i64} {
  func.func @_deg_body(%arg0: i32, %arg1: i32, %arg2: memref<2560x128xi32, #tpu.memory_space<hbm>>, %arg3: memref<2560x128xi32, #tpu.memory_space<hbm>>, %arg4: memref<2x10240xf32, #tpu.memory_space<hbm>>, %arg5: memref<2x10240xf32, #tpu.memory_space<hbm>>, %arg6: memref<80x128xi32, #tpu.memory_space<vmem>>, %arg7: memref<128xf32, #tpu.memory_space<vmem>>, %arg8: memref<640xf32, #tpu.memory_space<vmem>>, %arg9: memref<10240xf32, #tpu.memory_space<vmem_shared>>, %arg10: memref<10240xf32, #tpu.memory_space<vmem_shared>>, %arg11: memref<!tpu.dma_semaphore, #tpu.memory_space<semaphore_mem>>) attributes {dimension_semantics = [#tpu.dimension_semantics<core_parallel>, #tpu.dimension_semantics<subcore_parallel>], iteration_bounds = array<i64: 2, 16>, scalar_prefetch = 0 : i64, scratch_operands = 6 : i64, tpu.core_type = #tpu.core_type<sc_vector_subcore>, window_params = [{transform_indices = #map}, {transform_indices = #map}, {transform_indices = #map}, {transform_indices = #map}]} {
    %mul3A = arith.constant 16 : i32
    %mul3A_0 = arith.muli %arg0, %mul3A : i32
    %add3A = arith.addi %mul3A_0, %arg1 : i32
    %broadcast_in_dim3A = arith.constant 1.000000e+00 : f32
    %broadcast_in_dim3A_1 = vector.broadcast %broadcast_in_dim3A : f32 to vector<16xf32>
    %swap3A = arith.constant 0 : index
    %swap3A_2 = tpu.vector_load %arg7[%swap3A] {strides = array<i32>} : memref<128xf32, #tpu.memory_space<vmem>>, vector<16xf32>,
    %swap3A_3 = vector.shape_cast %swap3A_2 : vector<16xf32> to vector<16xf32>
    %swap3A_4 = vector.shape_cast %broadcast_in_dim3A_1 : vector<16xf32> to vector<16xf32>
    tpu.vector_store %arg7[%swap3A], %swap3A_4 {strides = array<i32>} : memref<128xf32, #tpu.memory_space<vmem>>, vector<16xf32>,
    %broadcast_in_dim3A_5 = arith.constant 1.000000e+00 : f32
    %broadcast_in_dim3A_6 = vector.broadcast %broadcast_in_dim3A_5 : f32 to vector<16xf32>
    %swap3A_7 = arith.constant 16 : index
    %swap3A_8 = tpu.vector_load %arg7[%swap3A_7] {strides = array<i32>} : memref<128xf32, #tpu.memory_space<vmem>>, vector<16xf32>,
    %swap3A_9 = vector.shape_cast %swap3A_8 : vector<16xf32> to vector<16xf32>
    %swap3A_10 = vector.shape_cast %broadcast_in_dim3A_6 : vector<16xf32> to vector<16xf32>
    tpu.vector_store %arg7[%swap3A_7], %swap3A_10 {strides = array<i32>} : memref<128xf32, #tpu.memory_space<vmem>>, vector<16xf32>,
    %broadcast_in_dim3A_11 = arith.constant 1.000000e+00 : f32
    %broadcast_in_dim3A_12 = vector.broadcast %broadcast_in_dim3A_11 : f32 to vector<16xf32>
    %swap3A_13 = arith.constant 32 : index
    %swap3A_14 = tpu.vector_load %arg7[%swap3A_13] {strides = array<i32>} : memref<128xf32, #tpu.memory_space<vmem>>, vector<16xf32>,
    %swap3A_15 = vector.shape_cast %swap3A_14 : vector<16xf32> to vector<16xf32>
    %swap3A_16 = vector.shape_cast %broadcast_in_dim3A_12 : vector<16xf32> to vector<16xf32>
    tpu.vector_store %arg7[%swap3A_13], %swap3A_16 {strides = array<i32>} : memref<128xf32, #tpu.memory_space<vmem>>, vector<16xf32>,
    %broadcast_in_dim3A_17 = arith.constant 1.000000e+00 : f32
    %broadcast_in_dim3A_18 = vector.broadcast %broadcast_in_dim3A_17 : f32 to vector<16xf32>
    %swap3A_19 = arith.constant 48 : index
    %swap3A_20 = tpu.vector_load %arg7[%swap3A_19] {strides = array<i32>} : memref<128xf32, #tpu.memory_space<vmem>>, vector<16xf32>,
    %swap3A_21 = vector.shape_cast %swap3A_20 : vector<16xf32> to vector<16xf32>
    %swap3A_22 = vector.shape_cast %broadcast_in_dim3A_18 : vector<16xf32> to vector<16xf32>
    tpu.vector_store %arg7[%swap3A_19], %swap3A_22 {strides = array<i32>} : memref<128xf32, #tpu.memory_space<vmem>>, vector<16xf32>,
    %broadcast_in_dim3A_23 = arith.constant 1.000000e+00 : f32
    %broadcast_in_dim3A_24 = vector.broadcast %broadcast_in_dim3A_23 : f32 to vector<16xf32>
    %swap3A_25 = arith.constant 64 : index
    %swap3A_26 = tpu.vector_load %arg7[%swap3A_25] {strides = array<i32>} : memref<128xf32, #tpu.memory_space<vmem>>, vector<16xf32>,
    %swap3A_27 = vector.shape_cast %swap3A_26 : vector<16xf32> to vector<16xf32>
    %swap3A_28 = vector.shape_cast %broadcast_in_dim3A_24 : vector<16xf32> to vector<16xf32>
    tpu.vector_store %arg7[%swap3A_25], %swap3A_28 {strides = array<i32>} : memref<128xf32, #tpu.memory_space<vmem>>, vector<16xf32>,
    %broadcast_in_dim3A_29 = arith.constant 1.000000e+00 : f32
    %broadcast_in_dim3A_30 = vector.broadcast %broadcast_in_dim3A_29 : f32 to vector<16xf32>
    %swap3A_31 = arith.constant 80 : index
    %swap3A_32 = tpu.vector_load %arg7[%swap3A_31] {strides = array<i32>} : memref<128xf32, #tpu.memory_space<vmem>>, vector<16xf32>,
    %swap3A_33 = vector.shape_cast %swap3A_32 : vector<16xf32> to vector<16xf32>
    %swap3A_34 = vector.shape_cast %broadcast_in_dim3A_30 : vector<16xf32> to vector<16xf32>
    tpu.vector_store %arg7[%swap3A_31], %swap3A_34 {strides = array<i32>} : memref<128xf32, #tpu.memory_space<vmem>>, vector<16xf32>,
    %broadcast_in_dim3A_35 = arith.constant 1.000000e+00 : f32
    %broadcast_in_dim3A_36 = vector.broadcast %broadcast_in_dim3A_35 : f32 to vector<16xf32>
    %swap3A_37 = arith.constant 96 : index
    %swap3A_38 = tpu.vector_load %arg7[%swap3A_37] {strides = array<i32>} : memref<128xf32, #tpu.memory_space<vmem>>, vector<16xf32>,
    %swap3A_39 = vector.shape_cast %swap3A_38 : vector<16xf32> to vector<16xf32>
    %swap3A_40 = vector.shape_cast %broadcast_in_dim3A_36 : vector<16xf32> to vector<16xf32>
    tpu.vector_store %arg7[%swap3A_37], %swap3A_40 {strides = array<i32>} : memref<128xf32, #tpu.memory_space<vmem>>, vector<16xf32>,
    %broadcast_in_dim3A_41 = arith.constant 1.000000e+00 : f32
    %broadcast_in_dim3A_42 = vector.broadcast %broadcast_in_dim3A_41 : f32 to vector<16xf32>
    %swap3A_43 = arith.constant 112 : index
    %swap3A_44 = tpu.vector_load %arg7[%swap3A_43] {strides = array<i32>} : memref<128xf32, #tpu.memory_space<vmem>>, vector<16xf32>,
    %swap3A_45 = vector.shape_cast %swap3A_44 : vector<16xf32> to vector<16xf32>
    %swap3A_46 = vector.shape_cast %broadcast_in_dim3A_42 : vector<16xf32> to vector<16xf32>
    tpu.vector_store %arg7[%swap3A_43], %swap3A_46 {strides = array<i32>} : memref<128xf32, #tpu.memory_space<vmem>>, vector<16xf32>,
    %broadcast_in_dim3A_47 = arith.constant 0.000000e+00 : f32
    %broadcast_in_dim3A_48 = vector.broadcast %broadcast_in_dim3A_47 : f32 to vector<16xf32>
    %swap3A_49 = arith.constant 0 : index
    %swap3A_50 = tpu.vector_load %arg8[%swap3A_49] {strides = array<i32>} : memref<640xf32, #tpu.memory_space<vmem>>, vector<16xf32>,
    %swap3A_51 = vector.shape_cast %swap3A_50 : vector<16xf32> to vector<16xf32>
    %swap3A_52 = vector.shape_cast %broadcast_in_dim3A_48 : vector<16xf32> to vector<16xf32>
    tpu.vector_store %arg8[%swap3A_49], %swap3A_52 {strides = array<i32>} : memref<640xf32, #tpu.memory_space<vmem>>, vector<16xf32>,
    %broadcast_in_dim3A_53 = arith.constant 0.000000e+00 : f32
    %broadcast_in_dim3A_54 = vector.broadcast %broadcast_in_dim3A_53 : f32 to vector<16xf32>
    %swap3A_55 = arith.constant 16 : index
    %swap3A_56 = tpu.vector_load %arg8[%swap3A_55] {strides = array<i32>} : memref<640xf32, #tpu.memory_space<vmem>>, vector<16xf32>,
    %swap3A_57 = vector.shape_cast %swap3A_56 : vector<16xf32> to vector<16xf32>
    %swap3A_58 = vector.shape_cast %broadcast_in_dim3A_54 : vector<16xf32> to vector<16xf32>
    tpu.vector_store %arg8[%swap3A_55], %swap3A_58 {strides = array<i32>} : memref<640xf32, #tpu.memory_space<vmem>>, vector<16xf32>,
    %broadcast_in_dim3A_59 = arith.constant 0.000000e+00 : f32
    %broadcast_in_dim3A_60 = vector.broadcast %broadcast_in_dim3A_59 : f32 to vector<16xf32>
    %swap3A_61 = arith.constant 32 : index
    %swap3A_62 = tpu.vector_load %arg8[%swap3A_61] {strides = array<i32>} : memref<640xf32, #tpu.memory_space<vmem>>, vector<16xf32>,
    %swap3A_63 = vector.shape_cast %swap3A_62 : vector<16xf32> to vector<16xf32>
    %swap3A_64 = vector.shape_cast %broadcast_in_dim3A_60 : vector<16xf32> to vector<16xf32>
    tpu.vector_store %arg8[%swap3A_61], %swap3A_64 {strides = array<i32>} : memref<640xf32, #tpu.memory_space<vmem>>, vector<16xf32>,
    %broadcast_in_dim3A_65 = arith.constant 0.000000e+00 : f32
    %broadcast_in_dim3A_66 = vector.broadcast %broadcast_in_dim3A_65 : f32 to vector<16xf32>
    %swap3A_67 = arith.constant 48 : index
    %swap3A_68 = tpu.vector_load %arg8[%swap3A_67] {strides = array<i32>} : memref<640xf32, #tpu.memory_space<vmem>>, vector<16xf32>,
    %swap3A_69 = vector.shape_cast %swap3A_68 : vector<16xf32> to vector<16xf32>
    %swap3A_70 = vector.shape_cast %broadcast_in_dim3A_66 : vector<16xf32> to vector<16xf32>
    tpu.vector_store %arg8[%swap3A_67], %swap3A_70 {strides = array<i32>} : memref<640xf32, #tpu.memory_space<vmem>>, vector<16xf32>,
    %broadcast_in_dim3A_71 = arith.constant 0.000000e+00 : f32
    %broadcast_in_dim3A_72 = vector.broadcast %broadcast_in_dim3A_71 : f32 to vector<16xf32>
    %swap3A_73 = arith.constant 64 : index
    %swap3A_74 = tpu.vector_load %arg8[%swap3A_73] {strides = array<i32>} : memref<640xf32, #tpu.memory_space<vmem>>, vector<16xf32>,
    %swap3A_75 = vector.shape_cast %swap3A_74 : vector<16xf32> to vector<16xf32>
    %swap3A_76 = vector.shape_cast %broadcast_in_dim3A_72 : vector<16xf32> to vector<16xf32>
    tpu.vector_store %arg8[%swap3A_73], %swap3A_76 {strides = array<i32>} : memref<640xf32, #tpu.memory_space<vmem>>, vector<16xf32>,
    %broadcast_in_dim3A_77 = arith.constant 0.000000e+00 : f32
    %broadcast_in_dim3A_78 = vector.broadcast %broadcast_in_dim3A_77 : f32 to vector<16xf32>
    %swap3A_79 = arith.constant 80 : index
    %swap3A_80 = tpu.vector_load %arg8[%swap3A_79] {strides = array<i32>} : memref<640xf32, #tpu.memory_space<vmem>>, vector<16xf32>,
    %swap3A_81 = vector.shape_cast %swap3A_80 : vector<16xf32> to vector<16xf32>
    %swap3A_82 = vector.shape_cast %broadcast_in_dim3A_78 : vector<16xf32> to vector<16xf32>
    tpu.vector_store %arg8[%swap3A_79], %swap3A_82 {strides = array<i32>} : memref<640xf32, #tpu.memory_space<vmem>>, vector<16xf32>,
    %broadcast_in_dim3A_83 = arith.constant 0.000000e+00 : f32
    %broadcast_in_dim3A_84 = vector.broadcast %broadcast_in_dim3A_83 : f32 to vector<16xf32>
    %swap3A_85 = arith.constant 96 : index
    %swap3A_86 = tpu.vector_load %arg8[%swap3A_85] {strides = array<i32>} : memref<640xf32, #tpu.memory_space<vmem>>, vector<16xf32>,
    %swap3A_87 = vector.shape_cast %swap3A_86 : vector<16xf32> to vector<16xf32>
    %swap3A_88 = vector.shape_cast %broadcast_in_dim3A_84 : vector<16xf32> to vector<16xf32>
    tpu.vector_store %arg8[%swap3A_85], %swap3A_88 {strides = array<i32>} : memref<640xf32, #tpu.memory_space<vmem>>, vector<16xf32>,
    %broadcast_in_dim3A_89 = arith.constant 0.000000e+00 : f32
    %broadcast_in_dim3A_90 = vector.broadcast %broadcast_in_dim3A_89 : f32 to vector<16xf32>
    %swap3A_91 = arith.constant 112 : index
    %swap3A_92 = tpu.vector_load %arg8[%swap3A_91] {strides = array<i32>} : memref<640xf32, #tpu.memory_space<vmem>>, vector<16xf32>,
    %swap3A_93 = vector.shape_cast %swap3A_92 : vector<16xf32> to vector<16xf32>
    %swap3A_94 = vector.shape_cast %broadcast_in_dim3A_90 : vector<16xf32> to vector<16xf32>
    tpu.vector_store %arg8[%swap3A_91], %swap3A_94 {strides = array<i32>} : memref<640xf32, #tpu.memory_space<vmem>>, vector<16xf32>,
    %broadcast_in_dim3A_95 = arith.constant 0.000000e+00 : f32
    %broadcast_in_dim3A_96 = vector.broadcast %broadcast_in_dim3A_95 : f32 to vector<16xf32>
    %swap3A_97 = arith.constant 128 : index
    %swap3A_98 = tpu.vector_load %arg8[%swap3A_97] {strides = array<i32>} : memref<640xf32, #tpu.memory_space<vmem>>, vector<16xf32>,
    %swap3A_99 = vector.shape_cast %swap3A_98 : vector<16xf32> to vector<16xf32>
    %swap3A_100 = vector.shape_cast %broadcast_in_dim3A_96 : vector<16xf32> to vector<16xf32>
    tpu.vector_store %arg8[%swap3A_97], %swap3A_100 {strides = array<i32>} : memref<640xf32, #tpu.memory_space<vmem>>, vector<16xf32>,
    %broadcast_in_dim3A_101 = arith.constant 0.000000e+00 : f32
    %broadcast_in_dim3A_102 = vector.broadcast %broadcast_in_dim3A_101 : f32 to vector<16xf32>
    %swap3A_103 = arith.constant 144 : index
    %swap3A_104 = tpu.vector_load %arg8[%swap3A_103] {strides = array<i32>} : memref<640xf32, #tpu.memory_space<vmem>>, vector<16xf32>,
    %swap3A_105 = vector.shape_cast %swap3A_104 : vector<16xf32> to vector<16xf32>
    %swap3A_106 = vector.shape_cast %broadcast_in_dim3A_102 : vector<16xf32> to vector<16xf32>
    tpu.vector_store %arg8[%swap3A_103], %swap3A_106 {strides = array<i32>} : memref<640xf32, #tpu.memory_space<vmem>>, vector<16xf32>,
    %broadcast_in_dim3A_107 = arith.constant 0.000000e+00 : f32
    %broadcast_in_dim3A_108 = vector.broadcast %broadcast_in_dim3A_107 : f32 to vector<16xf32>
    %swap3A_109 = arith.constant 160 : index
    %swap3A_110 = tpu.vector_load %arg8[%swap3A_109] {strides = array<i32>} : memref<640xf32, #tpu.memory_space<vmem>>, vector<16xf32>,
    %swap3A_111 = vector.shape_cast %swap3A_110 : vector<16xf32> to vector<16xf32>
    %swap3A_112 = vector.shape_cast %broadcast_in_dim3A_108 : vector<16xf32> to vector<16xf32>
    tpu.vector_store %arg8[%swap3A_109], %swap3A_112 {strides = array<i32>} : memref<640xf32, #tpu.memory_space<vmem>>, vector<16xf32>,
    %broadcast_in_dim3A_113 = arith.constant 0.000000e+00 : f32
    %broadcast_in_dim3A_114 = vector.broadcast %broadcast_in_dim3A_113 : f32 to vector<16xf32>
    %swap3A_115 = arith.constant 176 : index
    %swap3A_116 = tpu.vector_load %arg8[%swap3A_115] {strides = array<i32>} : memref<640xf32, #tpu.memory_space<vmem>>, vector<16xf32>,
    %swap3A_117 = vector.shape_cast %swap3A_116 : vector<16xf32> to vector<16xf32>
    %swap3A_118 = vector.shape_cast %broadcast_in_dim3A_114 : vector<16xf32> to vector<16xf32>
    tpu.vector_store %arg8[%swap3A_115], %swap3A_118 {strides = array<i32>} : memref<640xf32, #tpu.memory_space<vmem>>, vector<16xf32>,
    %broadcast_in_dim3A_119 = arith.constant 0.000000e+00 : f32
    %broadcast_in_dim3A_120 = vector.broadcast %broadcast_in_dim3A_119 : f32 to vector<16xf32>
    %swap3A_121 = arith.constant 192 : index
    %swap3A_122 = tpu.vector_load %arg8[%swap3A_121] {strides = array<i32>} : memref<640xf32, #tpu.memory_space<vmem>>, vector<16xf32>,
    %swap3A_123 = vector.shape_cast %swap3A_122 : vector<16xf32> to vector<16xf32>
    %swap3A_124 = vector.shape_cast %broadcast_in_dim3A_120 : vector<16xf32> to vector<16xf32>
    tpu.vector_store %arg8[%swap3A_121], %swap3A_124 {strides = array<i32>} : memref<640xf32, #tpu.memory_space<vmem>>, vector<16xf32>,
    %broadcast_in_dim3A_125 = arith.constant 0.000000e+00 : f32
    %broadcast_in_dim3A_126 = vector.broadcast %broadcast_in_dim3A_125 : f32 to vector<16xf32>
    %swap3A_127 = arith.constant 208 : index
    %swap3A_128 = tpu.vector_load %arg8[%swap3A_127] {strides = array<i32>} : memref<640xf32, #tpu.memory_space<vmem>>, vector<16xf32>,
    %swap3A_129 = vector.shape_cast %swap3A_128 : vector<16xf32> to vector<16xf32>
    %swap3A_130 = vector.shape_cast %broadcast_in_dim3A_126 : vector<16xf32> to vector<16xf32>
    tpu.vector_store %arg8[%swap3A_127], %swap3A_130 {strides = array<i32>} : memref<640xf32, #tpu.memory_space<vmem>>, vector<16xf32>,
    %broadcast_in_dim3A_131 = arith.constant 0.000000e+00 : f32
    %broadcast_in_dim3A_132 = vector.broadcast %broadcast_in_dim3A_131 : f32 to vector<16xf32>
    %swap3A_133 = arith.constant 224 : index
    %swap3A_134 = tpu.vector_load %arg8[%swap3A_133] {strides = array<i32>} : memref<640xf32, #tpu.memory_space<vmem>>, vector<16xf32>,
    %swap3A_135 = vector.shape_cast %swap3A_134 : vector<16xf32> to vector<16xf32>
    %swap3A_136 = vector.shape_cast %broadcast_in_dim3A_132 : vector<16xf32> to vector<16xf32>
    tpu.vector_store %arg8[%swap3A_133], %swap3A_136 {strides = array<i32>} : memref<640xf32, #tpu.memory_space<vmem>>, vector<16xf32>,
    %broadcast_in_dim3A_137 = arith.constant 0.000000e+00 : f32
    %broadcast_in_dim3A_138 = vector.broadcast %broadcast_in_dim3A_137 : f32 to vector<16xf32>
    %swap3A_139 = arith.constant 240 : index
    %swap3A_140 = tpu.vector_load %arg8[%swap3A_139] {strides = array<i32>} : memref<640xf32, #tpu.memory_space<vmem>>, vector<16xf32>,
    %swap3A_141 = vector.shape_cast %swap3A_140 : vector<16xf32> to vector<16xf32>
    %swap3A_142 = vector.shape_cast %broadcast_in_dim3A_138 : vector<16xf32> to vector<16xf32>
    tpu.vector_store %arg8[%swap3A_139], %swap3A_142 {strides = array<i32>} : memref<640xf32, #tpu.memory_space<vmem>>, vector<16xf32>,
    %broadcast_in_dim3A_143 = arith.constant 0.000000e+00 : f32
    %broadcast_in_dim3A_144 = vector.broadcast %broadcast_in_dim3A_143 : f32 to vector<16xf32>
    %swap3A_145 = arith.constant 256 : index
    %swap3A_146 = tpu.vector_load %arg8[%swap3A_145] {strides = array<i32>} : memref<640xf32, #tpu.memory_space<vmem>>, vector<16xf32>,
    %swap3A_147 = vector.shape_cast %swap3A_146 : vector<16xf32> to vector<16xf32>
    %swap3A_148 = vector.shape_cast %broadcast_in_dim3A_144 : vector<16xf32> to vector<16xf32>
    tpu.vector_store %arg8[%swap3A_145], %swap3A_148 {strides = array<i32>} : memref<640xf32, #tpu.memory_space<vmem>>, vector<16xf32>,
    %broadcast_in_dim3A_149 = arith.constant 0.000000e+00 : f32
    %broadcast_in_dim3A_150 = vector.broadcast %broadcast_in_dim3A_149 : f32 to vector<16xf32>
    %swap3A_151 = arith.constant 272 : index
    %swap3A_152 = tpu.vector_load %arg8[%swap3A_151] {strides = array<i32>} : memref<640xf32, #tpu.memory_space<vmem>>, vector<16xf32>,
    %swap3A_153 = vector.shape_cast %swap3A_152 : vector<16xf32> to vector<16xf32>
    %swap3A_154 = vector.shape_cast %broadcast_in_dim3A_150 : vector<16xf32> to vector<16xf32>
    tpu.vector_store %arg8[%swap3A_151], %swap3A_154 {strides = array<i32>} : memref<640xf32, #tpu.memory_space<vmem>>, vector<16xf32>,
    %broadcast_in_dim3A_155 = arith.constant 0.000000e+00 : f32
    %broadcast_in_dim3A_156 = vector.broadcast %broadcast_in_dim3A_155 : f32 to vector<16xf32>
    %swap3A_157 = arith.constant 288 : index
    %swap3A_158 = tpu.vector_load %arg8[%swap3A_157] {strides = array<i32>} : memref<640xf32, #tpu.memory_space<vmem>>, vector<16xf32>,
    %swap3A_159 = vector.shape_cast %swap3A_158 : vector<16xf32> to vector<16xf32>
    %swap3A_160 = vector.shape_cast %broadcast_in_dim3A_156 : vector<16xf32> to vector<16xf32>
    tpu.vector_store %arg8[%swap3A_157], %swap3A_160 {strides = array<i32>} : memref<640xf32, #tpu.memory_space<vmem>>, vector<16xf32>,
    %broadcast_in_dim3A_161 = arith.constant 0.000000e+00 : f32
    %broadcast_in_dim3A_162 = vector.broadcast %broadcast_in_dim3A_161 : f32 to vector<16xf32>
    %swap3A_163 = arith.constant 304 : index
    %swap3A_164 = tpu.vector_load %arg8[%swap3A_163] {strides = array<i32>} : memref<640xf32, #tpu.memory_space<vmem>>, vector<16xf32>,
    %swap3A_165 = vector.shape_cast %swap3A_164 : vector<16xf32> to vector<16xf32>
    %swap3A_166 = vector.shape_cast %broadcast_in_dim3A_162 : vector<16xf32> to vector<16xf32>
    tpu.vector_store %arg8[%swap3A_163], %swap3A_166 {strides = array<i32>} : memref<640xf32, #tpu.memory_space<vmem>>, vector<16xf32>,
    %broadcast_in_dim3A_167 = arith.constant 0.000000e+00 : f32
    %broadcast_in_dim3A_168 = vector.broadcast %broadcast_in_dim3A_167 : f32 to vector<16xf32>
    %swap3A_169 = arith.constant 320 : index
    %swap3A_170 = tpu.vector_load %arg8[%swap3A_169] {strides = array<i32>} : memref<640xf32, #tpu.memory_space<vmem>>, vector<16xf32>,
    %swap3A_171 = vector.shape_cast %swap3A_170 : vector<16xf32> to vector<16xf32>
    %swap3A_172 = vector.shape_cast %broadcast_in_dim3A_168 : vector<16xf32> to vector<16xf32>
    tpu.vector_store %arg8[%swap3A_169], %swap3A_172 {strides = array<i32>} : memref<640xf32, #tpu.memory_space<vmem>>, vector<16xf32>,
    %broadcast_in_dim3A_173 = arith.constant 0.000000e+00 : f32
    %broadcast_in_dim3A_174 = vector.broadcast %broadcast_in_dim3A_173 : f32 to vector<16xf32>
    %swap3A_175 = arith.constant 336 : index
    %swap3A_176 = tpu.vector_load %arg8[%swap3A_175] {strides = array<i32>} : memref<640xf32, #tpu.memory_space<vmem>>, vector<16xf32>,
    %swap3A_177 = vector.shape_cast %swap3A_176 : vector<16xf32> to vector<16xf32>
    %swap3A_178 = vector.shape_cast %broadcast_in_dim3A_174 : vector<16xf32> to vector<16xf32>
    tpu.vector_store %arg8[%swap3A_175], %swap3A_178 {strides = array<i32>} : memref<640xf32, #tpu.memory_space<vmem>>, vector<16xf32>,
    %broadcast_in_dim3A_179 = arith.constant 0.000000e+00 : f32
    %broadcast_in_dim3A_180 = vector.broadcast %broadcast_in_dim3A_179 : f32 to vector<16xf32>
    %swap3A_181 = arith.constant 352 : index
    %swap3A_182 = tpu.vector_load %arg8[%swap3A_181] {strides = array<i32>} : memref<640xf32, #tpu.memory_space<vmem>>, vector<16xf32>,
    %swap3A_183 = vector.shape_cast %swap3A_182 : vector<16xf32> to vector<16xf32>
    %swap3A_184 = vector.shape_cast %broadcast_in_dim3A_180 : vector<16xf32> to vector<16xf32>
    tpu.vector_store %arg8[%swap3A_181], %swap3A_184 {strides = array<i32>} : memref<640xf32, #tpu.memory_space<vmem>>, vector<16xf32>,
    %broadcast_in_dim3A_185 = arith.constant 0.000000e+00 : f32
    %broadcast_in_dim3A_186 = vector.broadcast %broadcast_in_dim3A_185 : f32 to vector<16xf32>
    %swap3A_187 = arith.constant 368 : index
    %swap3A_188 = tpu.vector_load %arg8[%swap3A_187] {strides = array<i32>} : memref<640xf32, #tpu.memory_space<vmem>>, vector<16xf32>,
    %swap3A_189 = vector.shape_cast %swap3A_188 : vector<16xf32> to vector<16xf32>
    %swap3A_190 = vector.shape_cast %broadcast_in_dim3A_186 : vector<16xf32> to vector<16xf32>
    tpu.vector_store %arg8[%swap3A_187], %swap3A_190 {strides = array<i32>} : memref<640xf32, #tpu.memory_space<vmem>>, vector<16xf32>,
    %broadcast_in_dim3A_191 = arith.constant 0.000000e+00 : f32
    %broadcast_in_dim3A_192 = vector.broadcast %broadcast_in_dim3A_191 : f32 to vector<16xf32>
    %swap3A_193 = arith.constant 384 : index
    %swap3A_194 = tpu.vector_load %arg8[%swap3A_193] {strides = array<i32>} : memref<640xf32, #tpu.memory_space<vmem>>, vector<16xf32>,
    %swap3A_195 = vector.shape_cast %swap3A_194 : vector<16xf32> to vector<16xf32>
    %swap3A_196 = vector.shape_cast %broadcast_in_dim3A_192 : vector<16xf32> to vector<16xf32>
    tpu.vector_store %arg8[%swap3A_193], %swap3A_196 {strides = array<i32>} : memref<640xf32, #tpu.memory_space<vmem>>, vector<16xf32>,
    %broadcast_in_dim3A_197 = arith.constant 0.000000e+00 : f32
    %broadcast_in_dim3A_198 = vector.broadcast %broadcast_in_dim3A_197 : f32 to vector<16xf32>
    %swap3A_199 = arith.constant 400 : index
    %swap3A_200 = tpu.vector_load %arg8[%swap3A_199] {strides = array<i32>} : memref<640xf32, #tpu.memory_space<vmem>>, vector<16xf32>,
    %swap3A_201 = vector.shape_cast %swap3A_200 : vector<16xf32> to vector<16xf32>
    %swap3A_202 = vector.shape_cast %broadcast_in_dim3A_198 : vector<16xf32> to vector<16xf32>
    tpu.vector_store %arg8[%swap3A_199], %swap3A_202 {strides = array<i32>} : memref<640xf32, #tpu.memory_space<vmem>>, vector<16xf32>,
    %broadcast_in_dim3A_203 = arith.constant 0.000000e+00 : f32
    %broadcast_in_dim3A_204 = vector.broadcast %broadcast_in_dim3A_203 : f32 to vector<16xf32>
    %swap3A_205 = arith.constant 416 : index
    %swap3A_206 = tpu.vector_load %arg8[%swap3A_205] {strides = array<i32>} : memref<640xf32, #tpu.memory_space<vmem>>, vector<16xf32>,
    %swap3A_207 = vector.shape_cast %swap3A_206 : vector<16xf32> to vector<16xf32>
    %swap3A_208 = vector.shape_cast %broadcast_in_dim3A_204 : vector<16xf32> to vector<16xf32>
    tpu.vector_store %arg8[%swap3A_205], %swap3A_208 {strides = array<i32>} : memref<640xf32, #tpu.memory_space<vmem>>, vector<16xf32>,
    %broadcast_in_dim3A_209 = arith.constant 0.000000e+00 : f32
    %broadcast_in_dim3A_210 = vector.broadcast %broadcast_in_dim3A_209 : f32 to vector<16xf32>
    %swap3A_211 = arith.constant 432 : index
    %swap3A_212 = tpu.vector_load %arg8[%swap3A_211] {strides = array<i32>} : memref<640xf32, #tpu.memory_space<vmem>>, vector<16xf32>,
    %swap3A_213 = vector.shape_cast %swap3A_212 : vector<16xf32> to vector<16xf32>
    %swap3A_214 = vector.shape_cast %broadcast_in_dim3A_210 : vector<16xf32> to vector<16xf32>
    tpu.vector_store %arg8[%swap3A_211], %swap3A_214 {strides = array<i32>} : memref<640xf32, #tpu.memory_space<vmem>>, vector<16xf32>,
    %broadcast_in_dim3A_215 = arith.constant 0.000000e+00 : f32
    %broadcast_in_dim3A_216 = vector.broadcast %broadcast_in_dim3A_215 : f32 to vector<16xf32>
    %swap3A_217 = arith.constant 448 : index
    %swap3A_218 = tpu.vector_load %arg8[%swap3A_217] {strides = array<i32>} : memref<640xf32, #tpu.memory_space<vmem>>, vector<16xf32>,
    %swap3A_219 = vector.shape_cast %swap3A_218 : vector<16xf32> to vector<16xf32>
    %swap3A_220 = vector.shape_cast %broadcast_in_dim3A_216 : vector<16xf32> to vector<16xf32>
    tpu.vector_store %arg8[%swap3A_217], %swap3A_220 {strides = array<i32>} : memref<640xf32, #tpu.memory_space<vmem>>, vector<16xf32>,
    %broadcast_in_dim3A_221 = arith.constant 0.000000e+00 : f32
    %broadcast_in_dim3A_222 = vector.broadcast %broadcast_in_dim3A_221 : f32 to vector<16xf32>
    %swap3A_223 = arith.constant 464 : index
    %swap3A_224 = tpu.vector_load %arg8[%swap3A_223] {strides = array<i32>} : memref<640xf32, #tpu.memory_space<vmem>>, vector<16xf32>,
    %swap3A_225 = vector.shape_cast %swap3A_224 : vector<16xf32> to vector<16xf32>
    %swap3A_226 = vector.shape_cast %broadcast_in_dim3A_222 : vector<16xf32> to vector<16xf32>
    tpu.vector_store %arg8[%swap3A_223], %swap3A_226 {strides = array<i32>} : memref<640xf32, #tpu.memory_space<vmem>>, vector<16xf32>,
    %broadcast_in_dim3A_227 = arith.constant 0.000000e+00 : f32
    %broadcast_in_dim3A_228 = vector.broadcast %broadcast_in_dim3A_227 : f32 to vector<16xf32>
    %swap3A_229 = arith.constant 480 : index
    %swap3A_230 = tpu.vector_load %arg8[%swap3A_229] {strides = array<i32>} : memref<640xf32, #tpu.memory_space<vmem>>, vector<16xf32>,
    %swap3A_231 = vector.shape_cast %swap3A_230 : vector<16xf32> to vector<16xf32>
    %swap3A_232 = vector.shape_cast %broadcast_in_dim3A_228 : vector<16xf32> to vector<16xf32>
    tpu.vector_store %arg8[%swap3A_229], %swap3A_232 {strides = array<i32>} : memref<640xf32, #tpu.memory_space<vmem>>, vector<16xf32>,
    %broadcast_in_dim3A_233 = arith.constant 0.000000e+00 : f32
    %broadcast_in_dim3A_234 = vector.broadcast %broadcast_in_dim3A_233 : f32 to vector<16xf32>
    %swap3A_235 = arith.constant 496 : index
    %swap3A_236 = tpu.vector_load %arg8[%swap3A_235] {strides = array<i32>} : memref<640xf32, #tpu.memory_space<vmem>>, vector<16xf32>,
    %swap3A_237 = vector.shape_cast %swap3A_236 : vector<16xf32> to vector<16xf32>
    %swap3A_238 = vector.shape_cast %broadcast_in_dim3A_234 : vector<16xf32> to vector<16xf32>
    tpu.vector_store %arg8[%swap3A_235], %swap3A_238 {strides = array<i32>} : memref<640xf32, #tpu.memory_space<vmem>>, vector<16xf32>,
    %broadcast_in_dim3A_239 = arith.constant 0.000000e+00 : f32
    %broadcast_in_dim3A_240 = vector.broadcast %broadcast_in_dim3A_239 : f32 to vector<16xf32>
    %swap3A_241 = arith.constant 512 : index
    %swap3A_242 = tpu.vector_load %arg8[%swap3A_241] {strides = array<i32>} : memref<640xf32, #tpu.memory_space<vmem>>, vector<16xf32>,
    %swap3A_243 = vector.shape_cast %swap3A_242 : vector<16xf32> to vector<16xf32>
    %swap3A_244 = vector.shape_cast %broadcast_in_dim3A_240 : vector<16xf32> to vector<16xf32>
    tpu.vector_store %arg8[%swap3A_241], %swap3A_244 {strides = array<i32>} : memref<640xf32, #tpu.memory_space<vmem>>, vector<16xf32>,
    %broadcast_in_dim3A_245 = arith.constant 0.000000e+00 : f32
    %broadcast_in_dim3A_246 = vector.broadcast %broadcast_in_dim3A_245 : f32 to vector<16xf32>
    %swap3A_247 = arith.constant 528 : index
    %swap3A_248 = tpu.vector_load %arg8[%swap3A_247] {strides = array<i32>} : memref<640xf32, #tpu.memory_space<vmem>>, vector<16xf32>,
    %swap3A_249 = vector.shape_cast %swap3A_248 : vector<16xf32> to vector<16xf32>
    %swap3A_250 = vector.shape_cast %broadcast_in_dim3A_246 : vector<16xf32> to vector<16xf32>
    tpu.vector_store %arg8[%swap3A_247], %swap3A_250 {strides = array<i32>} : memref<640xf32, #tpu.memory_space<vmem>>, vector<16xf32>,
    %broadcast_in_dim3A_251 = arith.constant 0.000000e+00 : f32
    %broadcast_in_dim3A_252 = vector.broadcast %broadcast_in_dim3A_251 : f32 to vector<16xf32>
    %swap3A_253 = arith.constant 544 : index
    %swap3A_254 = tpu.vector_load %arg8[%swap3A_253] {strides = array<i32>} : memref<640xf32, #tpu.memory_space<vmem>>, vector<16xf32>,
    %swap3A_255 = vector.shape_cast %swap3A_254 : vector<16xf32> to vector<16xf32>
    %swap3A_256 = vector.shape_cast %broadcast_in_dim3A_252 : vector<16xf32> to vector<16xf32>
    tpu.vector_store %arg8[%swap3A_253], %swap3A_256 {strides = array<i32>} : memref<640xf32, #tpu.memory_space<vmem>>, vector<16xf32>,
    %broadcast_in_dim3A_257 = arith.constant 0.000000e+00 : f32
    %broadcast_in_dim3A_258 = vector.broadcast %broadcast_in_dim3A_257 : f32 to vector<16xf32>
    %swap3A_259 = arith.constant 560 : index
    %swap3A_260 = tpu.vector_load %arg8[%swap3A_259] {strides = array<i32>} : memref<640xf32, #tpu.memory_space<vmem>>, vector<16xf32>,
    %swap3A_261 = vector.shape_cast %swap3A_260 : vector<16xf32> to vector<16xf32>
    %swap3A_262 = vector.shape_cast %broadcast_in_dim3A_258 : vector<16xf32> to vector<16xf32>
    tpu.vector_store %arg8[%swap3A_259], %swap3A_262 {strides = array<i32>} : memref<640xf32, #tpu.memory_space<vmem>>, vector<16xf32>,
    %broadcast_in_dim3A_263 = arith.constant 0.000000e+00 : f32
    %broadcast_in_dim3A_264 = vector.broadcast %broadcast_in_dim3A_263 : f32 to vector<16xf32>
    %swap3A_265 = arith.constant 576 : index
    %swap3A_266 = tpu.vector_load %arg8[%swap3A_265] {strides = array<i32>} : memref<640xf32, #tpu.memory_space<vmem>>, vector<16xf32>,
    %swap3A_267 = vector.shape_cast %swap3A_266 : vector<16xf32> to vector<16xf32>
    %swap3A_268 = vector.shape_cast %broadcast_in_dim3A_264 : vector<16xf32> to vector<16xf32>
    tpu.vector_store %arg8[%swap3A_265], %swap3A_268 {strides = array<i32>} : memref<640xf32, #tpu.memory_space<vmem>>, vector<16xf32>,
    %broadcast_in_dim3A_269 = arith.constant 0.000000e+00 : f32
    %broadcast_in_dim3A_270 = vector.broadcast %broadcast_in_dim3A_269 : f32 to vector<16xf32>
    %swap3A_271 = arith.constant 592 : index
    %swap3A_272 = tpu.vector_load %arg8[%swap3A_271] {strides = array<i32>} : memref<640xf32, #tpu.memory_space<vmem>>, vector<16xf32>,
    %swap3A_273 = vector.shape_cast %swap3A_272 : vector<16xf32> to vector<16xf32>
    %swap3A_274 = vector.shape_cast %broadcast_in_dim3A_270 : vector<16xf32> to vector<16xf32>
    tpu.vector_store %arg8[%swap3A_271], %swap3A_274 {strides = array<i32>} : memref<640xf32, #tpu.memory_space<vmem>>, vector<16xf32>,
    %broadcast_in_dim3A_275 = arith.constant 0.000000e+00 : f32
    %broadcast_in_dim3A_276 = vector.broadcast %broadcast_in_dim3A_275 : f32 to vector<16xf32>
    %swap3A_277 = arith.constant 608 : index
    %swap3A_278 = tpu.vector_load %arg8[%swap3A_277] {strides = array<i32>} : memref<640xf32, #tpu.memory_space<vmem>>, vector<16xf32>,
    %swap3A_279 = vector.shape_cast %swap3A_278 : vector<16xf32> to vector<16xf32>
    %swap3A_280 = vector.shape_cast %broadcast_in_dim3A_276 : vector<16xf32> to vector<16xf32>
    tpu.vector_store %arg8[%swap3A_277], %swap3A_280 {strides = array<i32>} : memref<640xf32, #tpu.memory_space<vmem>>, vector<16xf32>,
    %broadcast_in_dim3A_281 = arith.constant 0.000000e+00 : f32
    %broadcast_in_dim3A_282 = vector.broadcast %broadcast_in_dim3A_281 : f32 to vector<16xf32>
    %swap3A_283 = arith.constant 624 : index
    %swap3A_284 = tpu.vector_load %arg8[%swap3A_283] {strides = array<i32>} : memref<640xf32, #tpu.memory_space<vmem>>, vector<16xf32>,
    %swap3A_285 = vector.shape_cast %swap3A_284 : vector<16xf32> to vector<16xf32>
    %swap3A_286 = vector.shape_cast %broadcast_in_dim3A_282 : vector<16xf32> to vector<16xf32>
    tpu.vector_store %arg8[%swap3A_283], %swap3A_286 {strides = array<i32>} : memref<640xf32, #tpu.memory_space<vmem>>, vector<16xf32>,
    %mul3A_287 = arith.constant 640 : i32
    %mul3A_288 = arith.muli %arg1, %mul3A_287 : i32
    "tpu.region"() ({
      %run_scoped3A = tpu.sem_alloc : memref<!tpu.dma_semaphore, #tpu.memory_space<semaphore_mem>>
      %dma_start3A = tpu.memref_slice %arg9[%mul3A_288] : memref<10240xf32, #tpu.memory_space<vmem_shared>> -> memref<640xf32, #tpu.memory_space<vmem_shared>>
      %dma_start3A_309 = tpu.memref_slice %arg9[%mul3A_288] : memref<10240xf32, #tpu.memory_space<vmem_shared>> -> memref<640xf32, #tpu.memory_space<vmem_shared>>
      tpu.enqueue_dma source(%arg8 : memref<640xf32, #tpu.memory_space<vmem>>) target(%dma_start3A_309 : memref<640xf32, #tpu.memory_space<vmem_shared>>) target_semaphore(%run_scoped3A : memref<!tpu.dma_semaphore, #tpu.memory_space<semaphore_mem>>)
      %dma_wait3A = tpu.memref_slice %arg9[%mul3A_288] : memref<10240xf32, #tpu.memory_space<vmem_shared>> -> memref<640xf32, #tpu.memory_space<vmem_shared>>
      %dma_wait3A_310 = tpu.memref_slice %arg9[%mul3A_288] : memref<10240xf32, #tpu.memory_space<vmem_shared>> -> memref<640xf32, #tpu.memory_space<vmem_shared>>
      tpu.wait_dma2 semaphore(%run_scoped3A : memref<!tpu.dma_semaphore, #tpu.memory_space<semaphore_mem>>) src(%arg8 : memref<640xf32, #tpu.memory_space<vmem>>) dst(%dma_wait3A_310 : memref<640xf32, #tpu.memory_space<vmem_shared>>)
      tpu.yield
    }) : () -> ()
    %mul3A_289 = arith.constant 640 : i32
    %mul3A_290 = arith.muli %arg1, %mul3A_289 : i32
    "tpu.region"() ({
      %run_scoped3A = tpu.sem_alloc : memref<!tpu.dma_semaphore, #tpu.memory_space<semaphore_mem>>
      %dma_start3A = tpu.memref_slice %arg10[%mul3A_290] : memref<10240xf32, #tpu.memory_space<vmem_shared>> -> memref<640xf32, #tpu.memory_space<vmem_shared>>
      %dma_start3A_309 = tpu.memref_slice %arg10[%mul3A_290] : memref<10240xf32, #tpu.memory_space<vmem_shared>> -> memref<640xf32, #tpu.memory_space<vmem_shared>>
      tpu.enqueue_dma source(%arg8 : memref<640xf32, #tpu.memory_space<vmem>>) target(%dma_start3A_309 : memref<640xf32, #tpu.memory_space<vmem_shared>>) target_semaphore(%run_scoped3A : memref<!tpu.dma_semaphore, #tpu.memory_space<semaphore_mem>>)
      %dma_wait3A = tpu.memref_slice %arg10[%mul3A_290] : memref<10240xf32, #tpu.memory_space<vmem_shared>> -> memref<640xf32, #tpu.memory_space<vmem_shared>>
      %dma_wait3A_310 = tpu.memref_slice %arg10[%mul3A_290] : memref<10240xf32, #tpu.memory_space<vmem_shared>> -> memref<640xf32, #tpu.memory_space<vmem_shared>>
      tpu.wait_dma2 semaphore(%run_scoped3A : memref<!tpu.dma_semaphore, #tpu.memory_space<semaphore_mem>>) src(%arg8 : memref<640xf32, #tpu.memory_space<vmem>>) dst(%dma_wait3A_310 : memref<640xf32, #tpu.memory_space<vmem_shared>>)
      tpu.yield
    }) : () -> ()
    %barrier3A = arith.constant 0 : index
    tpu.barrier barrier_id(%barrier3A)
    %mul3A_291 = arith.constant 80 : i32
    %mul3A_292 = arith.muli %add3A, %mul3A_291 : i32
    "tpu.region"() ({
      %run_scoped3A = tpu.sem_alloc : memref<!tpu.dma_semaphore, #tpu.memory_space<semaphore_mem>>
      %dma_start3A = arith.constant 0 : i32
      %dma_start3A_309 = tpu.memref_slice %arg2[%mul3A_292, %dma_start3A] : memref<2560x128xi32, #tpu.memory_space<hbm>> -> memref<80x128xi32, #tpu.memory_space<hbm>>
      %dma_start3A_310 = arith.constant 0 : i32
      %dma_start3A_311 = tpu.memref_slice %arg2[%mul3A_292, %dma_start3A_310] : memref<2560x128xi32, #tpu.memory_space<hbm>> -> memref<80x128xi32, #tpu.memory_space<hbm>>
      tpu.enqueue_dma source(%dma_start3A_311 : memref<80x128xi32, #tpu.memory_space<hbm>>) target(%arg6 : memref<80x128xi32, #tpu.memory_space<vmem>>) target_semaphore(%run_scoped3A : memref<!tpu.dma_semaphore, #tpu.memory_space<semaphore_mem>>)
      %dma_wait3A = arith.constant 0 : i32
      %dma_wait3A_312 = tpu.memref_slice %arg2[%mul3A_292, %dma_wait3A] : memref<2560x128xi32, #tpu.memory_space<hbm>> -> memref<80x128xi32, #tpu.memory_space<hbm>>
      %dma_wait3A_313 = arith.constant 0 : i32
      %dma_wait3A_314 = tpu.memref_slice %arg2[%mul3A_292, %dma_wait3A_313] : memref<2560x128xi32, #tpu.memory_space<hbm>> -> memref<80x128xi32, #tpu.memory_space<hbm>>
      tpu.wait_dma2 semaphore(%run_scoped3A : memref<!tpu.dma_semaphore, #tpu.memory_space<semaphore_mem>>) src(%dma_wait3A_314 : memref<80x128xi32, #tpu.memory_space<hbm>>) dst(%arg6 : memref<80x128xi32, #tpu.memory_space<vmem>>)
      tpu.yield
    }) : () -> ()
    %scan3A = arith.constant 0 : i32
    %scan3A_293 = arith.constant 0 : i32
    %scan3A_294 = arith.constant 80 : i32
    %scan3A_295 = arith.addi %scan3A_293, %scan3A_294 : i32
    %scan3A_296 = arith.constant 1 : i32
    scf.for %scan3A_309 = %scan3A_293 to %scan3A_295 step %scan3A_296  : i32 {
      "tpu.region"() ({
        %run_scoped3A = tpu.sem_alloc : memref<!tpu.dma_semaphore, #tpu.memory_space<semaphore_mem>>
        %dma_start3A = arith.constant 0 : i32
        %dma_start3A_310 = tpu.memref_slice %arg6[%scan3A_309, %dma_start3A] : memref<80x128xi32, #tpu.memory_space<vmem>> -> memref<1x128xi32, #tpu.memory_space<vmem>>
        %dma_start3A_311 = tpu.memref_squeeze %dma_start3A_310 : memref<1x128xi32, #tpu.memory_space<vmem>> -> memref<128xi32, #tpu.memory_space<vmem>>
        %dma_start3A_312 = arith.constant 0 : i32
        %dma_start3A_313 = tpu.memref_slice %arg9[%dma_start3A_312] : memref<10240xf32, #tpu.memory_space<vmem_shared>> -> memref<10240xf32, #tpu.memory_space<vmem_shared>>
        tpu.enqueue_indirect_dma source(%arg7 : memref<128xf32, #tpu.memory_space<vmem>>) target(%dma_start3A_313 : memref<10240xf32, #tpu.memory_space<vmem_shared>>) offsets(%dma_start3A_311 : memref<128xi32, #tpu.memory_space<vmem>>) semaphore(%run_scoped3A : memref<!tpu.dma_semaphore, #tpu.memory_space<semaphore_mem>>) {add = true}
        %dma_wait3A = arith.constant 0 : i32
        %dma_wait3A_314 = tpu.memref_slice %arg6[%scan3A_309, %dma_wait3A] : memref<80x128xi32, #tpu.memory_space<vmem>> -> memref<1x128xi32, #tpu.memory_space<vmem>>
        %dma_wait3A_315 = tpu.memref_squeeze %dma_wait3A_314 : memref<1x128xi32, #tpu.memory_space<vmem>> -> memref<128xi32, #tpu.memory_space<vmem>>
        %dma_wait3A_316 = arith.constant 0 : i32
        %dma_wait3A_317 = tpu.memref_slice %arg9[%dma_wait3A_316] : memref<10240xf32, #tpu.memory_space<vmem_shared>> -> memref<10240xf32, #tpu.memory_space<vmem_shared>>
        tpu.wait_indirect_dma semaphore(%run_scoped3A : memref<!tpu.dma_semaphore, #tpu.memory_space<semaphore_mem>>) src(%arg7 : memref<128xf32, #tpu.memory_space<vmem>>) dst(%dma_wait3A_317 : memref<10240xf32, #tpu.memory_space<vmem_shared>>)
        tpu.yield
      }) : () -> ()
    }
    %scan3A_297 = arith.constant 80 : i32
    %mul3A_298 = arith.constant 80 : i32
    %mul3A_299 = arith.muli %add3A, %mul3A_298 : i32
    "tpu.region"() ({
      %run_scoped3A = tpu.sem_alloc : memref<!tpu.dma_semaphore, #tpu.memory_space<semaphore_mem>>
      %dma_start3A = arith.constant 0 : i32
      %dma_start3A_309 = tpu.memref_slice %arg3[%mul3A_299, %dma_start3A] : memref<2560x128xi32, #tpu.memory_space<hbm>> -> memref<80x128xi32, #tpu.memory_space<hbm>>
      %dma_start3A_310 = arith.constant 0 : i32
      %dma_start3A_311 = tpu.memref_slice %arg3[%mul3A_299, %dma_start3A_310] : memref<2560x128xi32, #tpu.memory_space<hbm>> -> memref<80x128xi32, #tpu.memory_space<hbm>>
      tpu.enqueue_dma source(%dma_start3A_311 : memref<80x128xi32, #tpu.memory_space<hbm>>) target(%arg6 : memref<80x128xi32, #tpu.memory_space<vmem>>) target_semaphore(%run_scoped3A : memref<!tpu.dma_semaphore, #tpu.memory_space<semaphore_mem>>)
      %dma_wait3A = arith.constant 0 : i32
      %dma_wait3A_312 = tpu.memref_slice %arg3[%mul3A_299, %dma_wait3A] : memref<2560x128xi32, #tpu.memory_space<hbm>> -> memref<80x128xi32, #tpu.memory_space<hbm>>
      %dma_wait3A_313 = arith.constant 0 : i32
      %dma_wait3A_314 = tpu.memref_slice %arg3[%mul3A_299, %dma_wait3A_313] : memref<2560x128xi32, #tpu.memory_space<hbm>> -> memref<80x128xi32, #tpu.memory_space<hbm>>
      tpu.wait_dma2 semaphore(%run_scoped3A : memref<!tpu.dma_semaphore, #tpu.memory_space<semaphore_mem>>) src(%dma_wait3A_314 : memref<80x128xi32, #tpu.memory_space<hbm>>) dst(%arg6 : memref<80x128xi32, #tpu.memory_space<vmem>>)
      tpu.yield
    }) : () -> ()
    %scan3A_300 = arith.constant 0 : i32
    %scan3A_301 = arith.constant 0 : i32
    %scan3A_302 = arith.constant 80 : i32
    %scan3A_303 = arith.addi %scan3A_301, %scan3A_302 : i32
    %scan3A_304 = arith.constant 1 : i32
    scf.for %scan3A_309 = %scan3A_301 to %scan3A_303 step %scan3A_304  : i32 {
      "tpu.region"() ({
        %run_scoped3A = tpu.sem_alloc : memref<!tpu.dma_semaphore, #tpu.memory_space<semaphore_mem>>
        %dma_start3A = arith.constant 0 : i32
        %dma_start3A_310 = tpu.memref_slice %arg6[%scan3A_309, %dma_start3A] : memref<80x128xi32, #tpu.memory_space<vmem>> -> memref<1x128xi32, #tpu.memory_space<vmem>>
        %dma_start3A_311 = tpu.memref_squeeze %dma_start3A_310 : memref<1x128xi32, #tpu.memory_space<vmem>> -> memref<128xi32, #tpu.memory_space<vmem>>
        %dma_start3A_312 = arith.constant 0 : i32
        %dma_start3A_313 = tpu.memref_slice %arg10[%dma_start3A_312] : memref<10240xf32, #tpu.memory_space<vmem_shared>> -> memref<10240xf32, #tpu.memory_space<vmem_shared>>
        tpu.enqueue_indirect_dma source(%arg7 : memref<128xf32, #tpu.memory_space<vmem>>) target(%dma_start3A_313 : memref<10240xf32, #tpu.memory_space<vmem_shared>>) offsets(%dma_start3A_311 : memref<128xi32, #tpu.memory_space<vmem>>) semaphore(%run_scoped3A : memref<!tpu.dma_semaphore, #tpu.memory_space<semaphore_mem>>) {add = true}
        %dma_wait3A = arith.constant 0 : i32
        %dma_wait3A_314 = tpu.memref_slice %arg6[%scan3A_309, %dma_wait3A] : memref<80x128xi32, #tpu.memory_space<vmem>> -> memref<1x128xi32, #tpu.memory_space<vmem>>
        %dma_wait3A_315 = tpu.memref_squeeze %dma_wait3A_314 : memref<1x128xi32, #tpu.memory_space<vmem>> -> memref<128xi32, #tpu.memory_space<vmem>>
        %dma_wait3A_316 = arith.constant 0 : i32
        %dma_wait3A_317 = tpu.memref_slice %arg10[%dma_wait3A_316] : memref<10240xf32, #tpu.memory_space<vmem_shared>> -> memref<10240xf32, #tpu.memory_space<vmem_shared>>
        tpu.wait_indirect_dma semaphore(%run_scoped3A : memref<!tpu.dma_semaphore, #tpu.memory_space<semaphore_mem>>) src(%arg7 : memref<128xf32, #tpu.memory_space<vmem>>) dst(%dma_wait3A_317 : memref<10240xf32, #tpu.memory_space<vmem_shared>>)
        tpu.yield
      }) : () -> ()
    }
    %scan3A_305 = arith.constant 80 : i32
    %barrier3A_306 = arith.constant 0 : index
    tpu.barrier barrier_id(%barrier3A_306)
    %mul3A_307 = arith.constant 640 : i32
    %mul3A_308 = arith.muli %arg1, %mul3A_307 : i32
    "tpu.region"() ({
      %run_scoped3A = tpu.sem_alloc : memref<!tpu.dma_semaphore, #tpu.memory_space<semaphore_mem>>
      %dma_start3A = arith.constant 0 : i32
      %dma_start3A_309 = tpu.memref_slice %arg4[%arg0, %dma_start3A] : memref<2x10240xf32, #tpu.memory_space<hbm>> -> memref<1x10240xf32, #tpu.memory_space<hbm>>
      %dma_start3A_310 = tpu.memref_squeeze %dma_start3A_309 : memref<1x10240xf32, #tpu.memory_space<hbm>> -> memref<10240xf32, #tpu.memory_space<hbm>>
      %dma_start3A_311 = tpu.memref_slice %dma_start3A_310[%mul3A_308] : memref<10240xf32, #tpu.memory_space<hbm>> -> memref<640xf32, #tpu.memory_space<hbm>>
      %dma_start3A_312 = tpu.memref_slice %arg9[%mul3A_308] : memref<10240xf32, #tpu.memory_space<vmem_shared>> -> memref<640xf32, #tpu.memory_space<vmem_shared>>
      tpu.enqueue_dma source(%dma_start3A_312 : memref<640xf32, #tpu.memory_space<vmem_shared>>) target(%dma_start3A_311 : memref<640xf32, #tpu.memory_space<hbm>>) target_semaphore(%run_scoped3A : memref<!tpu.dma_semaphore, #tpu.memory_space<semaphore_mem>>)
      %dma_wait3A = arith.constant 0 : i32
      %dma_wait3A_313 = tpu.memref_slice %arg4[%arg0, %dma_wait3A] : memref<2x10240xf32, #tpu.memory_space<hbm>> -> memref<1x10240xf32, #tpu.memory_space<hbm>>
      %dma_wait3A_314 = tpu.memref_squeeze %dma_wait3A_313 : memref<1x10240xf32, #tpu.memory_space<hbm>> -> memref<10240xf32, #tpu.memory_space<hbm>>
      %dma_wait3A_315 = tpu.memref_slice %dma_wait3A_314[%mul3A_308] : memref<10240xf32, #tpu.memory_space<hbm>> -> memref<640xf32, #tpu.memory_space<hbm>>
      %dma_wait3A_316 = tpu.memref_slice %arg9[%mul3A_308] : memref<10240xf32, #tpu.memory_space<vmem_shared>> -> memref<640xf32, #tpu.memory_space<vmem_shared>>
      tpu.wait_dma2 semaphore(%run_scoped3A : memref<!tpu.dma_semaphore, #tpu.memory_space<semaphore_mem>>) src(%dma_wait3A_316 : memref<640xf32, #tpu.memory_space<vmem_shared>>) dst(%dma_wait3A_315 : memref<640xf32, #tpu.memory_space<hbm>>)
      tpu.yield
    }) : () -> ()
    "tpu.region"() ({
      %run_scoped3A = tpu.sem_alloc : memref<!tpu.dma_semaphore, #tpu.memory_space<semaphore_mem>>
      %dma_start3A = arith.constant 0 : i32
      %dma_start3A_309 = tpu.memref_slice %arg5[%arg0, %dma_start3A] : memref<2x10240xf32, #tpu.memory_space<hbm>> -> memref<1x10240xf32, #tpu.memory_space<hbm>>
      %dma_start3A_310 = tpu.memref_squeeze %dma_start3A_309 : memref<1x10240xf32, #tpu.memory_space<hbm>> -> memref<10240xf32, #tpu.memory_space<hbm>>
      %dma_start3A_311 = tpu.memref_slice %dma_start3A_310[%mul3A_308] : memref<10240xf32, #tpu.memory_space<hbm>> -> memref<640xf32, #tpu.memory_space<hbm>>
      %dma_start3A_312 = tpu.memref_slice %arg10[%mul3A_308] : memref<10240xf32, #tpu.memory_space<vmem_shared>> -> memref<640xf32, #tpu.memory_space<vmem_shared>>
      tpu.enqueue_dma source(%dma_start3A_312 : memref<640xf32, #tpu.memory_space<vmem_shared>>) target(%dma_start3A_311 : memref<640xf32, #tpu.memory_space<hbm>>) target_semaphore(%run_scoped3A : memref<!tpu.dma_semaphore, #tpu.memory_space<semaphore_mem>>)
      %dma_wait3A = arith.constant 0 : i32
      %dma_wait3A_313 = tpu.memref_slice %arg5[%arg0, %dma_wait3A] : memref<2x10240xf32, #tpu.memory_space<hbm>> -> memref<1x10240xf32, #tpu.memory_space<hbm>>
      %dma_wait3A_314 = tpu.memref_squeeze %dma_wait3A_313 : memref<1x10240xf32, #tpu.memory_space<hbm>> -> memref<10240xf32, #tpu.memory_space<hbm>>
      %dma_wait3A_315 = tpu.memref_slice %dma_wait3A_314[%mul3A_308] : memref<10240xf32, #tpu.memory_space<hbm>> -> memref<640xf32, #tpu.memory_space<hbm>>
      %dma_wait3A_316 = tpu.memref_slice %arg10[%mul3A_308] : memref<10240xf32, #tpu.memory_space<vmem_shared>> -> memref<640xf32, #tpu.memory_space<vmem_shared>>
      tpu.wait_dma2 semaphore(%run_scoped3A : memref<!tpu.dma_semaphore, #tpu.memory_space<semaphore_mem>>) src(%dma_wait3A_316 : memref<640xf32, #tpu.memory_space<vmem_shared>>) dst(%dma_wait3A_315 : memref<640xf32, #tpu.memory_space<hbm>>)
      tpu.yield
    }) : () -> ()
    return
  }
}

#map = affine_map<(d0, d1) -> (0, 0)>
#map1 = affine_map<(d0, d1) -> (0, 0, 0)>
module attributes {stable_mosaic.version = 14 : i64} {
  func.func @_gs_body(%arg0: i32, %arg1: i32, %arg2: memref<2560x128xi32, #tpu.memory_space<hbm>>, %arg3: memref<2560x128xi32, #tpu.memory_space<hbm>>, %arg4: memref<10240x16xf32, #tpu.memory_space<hbm>>, %arg5: memref<2x10240x16xf32, #tpu.memory_space<hbm>>, %arg6: memref<80x128xi32, #tpu.memory_space<vmem>>, %arg7: memref<80x128xi32, #tpu.memory_space<vmem>>, %arg8: memref<128x16xf32, #tpu.memory_space<vmem>>, %arg9: memref<64x16xf32, #tpu.memory_space<vmem>>, %arg10: memref<10240x16xf32, #tpu.memory_space<vmem_shared>>, %arg11: memref<!tpu.dma_semaphore, #tpu.memory_space<semaphore_mem>>) attributes {dimension_semantics = [#tpu.dimension_semantics<core_parallel>, #tpu.dimension_semantics<subcore_parallel>], iteration_bounds = array<i64: 2, 16>, scalar_prefetch = 0 : i64, scratch_operands = 6 : i64, tpu.core_type = #tpu.core_type<sc_vector_subcore>, window_params = [{transform_indices = #map}, {transform_indices = #map}, {transform_indices = #map}, {transform_indices = #map1}]} {
    %mul3A = arith.constant 16 : i32
    %mul3A_0 = arith.muli %arg0, %mul3A : i32
    %add3A = arith.addi %mul3A_0, %arg1 : i32
    %broadcast_in_dim3A = arith.constant 0.000000e+00 : f32
    %broadcast_in_dim3A_1 = vector.broadcast %broadcast_in_dim3A : f32 to vector<16xf32>
    %swap3A = arith.constant 0 : i32
    %swap3A_2 = arith.index_cast %swap3A : i32 to index
    %swap3A_3 = arith.constant 0 : index
    %swap3A_4 = tpu.vector_load %arg9[%swap3A_2, %swap3A_3] {strides = array<i32>} : memref<64x16xf32, #tpu.memory_space<vmem>>, vector<1x16xf32>,
    %swap3A_5 = vector.shape_cast %swap3A_4 : vector<1x16xf32> to vector<16xf32>
    %swap3A_6 = vector.shape_cast %broadcast_in_dim3A_1 : vector<16xf32> to vector<1x16xf32>
    tpu.vector_store %arg9[%swap3A_2, %swap3A_3], %swap3A_6 {strides = array<i32>} : memref<64x16xf32, #tpu.memory_space<vmem>>, vector<1x16xf32>,
    %broadcast_in_dim3A_7 = arith.constant 0.000000e+00 : f32
    %broadcast_in_dim3A_8 = vector.broadcast %broadcast_in_dim3A_7 : f32 to vector<16xf32>
    %swap3A_9 = arith.constant 1 : i32
    %swap3A_10 = arith.index_cast %swap3A_9 : i32 to index
    %swap3A_11 = arith.constant 0 : index
    %swap3A_12 = tpu.vector_load %arg9[%swap3A_10, %swap3A_11] {strides = array<i32>} : memref<64x16xf32, #tpu.memory_space<vmem>>, vector<1x16xf32>,
    %swap3A_13 = vector.shape_cast %swap3A_12 : vector<1x16xf32> to vector<16xf32>
    %swap3A_14 = vector.shape_cast %broadcast_in_dim3A_8 : vector<16xf32> to vector<1x16xf32>
    tpu.vector_store %arg9[%swap3A_10, %swap3A_11], %swap3A_14 {strides = array<i32>} : memref<64x16xf32, #tpu.memory_space<vmem>>, vector<1x16xf32>,
    %broadcast_in_dim3A_15 = arith.constant 0.000000e+00 : f32
    %broadcast_in_dim3A_16 = vector.broadcast %broadcast_in_dim3A_15 : f32 to vector<16xf32>
    %swap3A_17 = arith.constant 2 : i32
    %swap3A_18 = arith.index_cast %swap3A_17 : i32 to index
    %swap3A_19 = arith.constant 0 : index
    %swap3A_20 = tpu.vector_load %arg9[%swap3A_18, %swap3A_19] {strides = array<i32>} : memref<64x16xf32, #tpu.memory_space<vmem>>, vector<1x16xf32>,
    %swap3A_21 = vector.shape_cast %swap3A_20 : vector<1x16xf32> to vector<16xf32>
    %swap3A_22 = vector.shape_cast %broadcast_in_dim3A_16 : vector<16xf32> to vector<1x16xf32>
    tpu.vector_store %arg9[%swap3A_18, %swap3A_19], %swap3A_22 {strides = array<i32>} : memref<64x16xf32, #tpu.memory_space<vmem>>, vector<1x16xf32>,
    %broadcast_in_dim3A_23 = arith.constant 0.000000e+00 : f32
    %broadcast_in_dim3A_24 = vector.broadcast %broadcast_in_dim3A_23 : f32 to vector<16xf32>
    %swap3A_25 = arith.constant 3 : i32
    %swap3A_26 = arith.index_cast %swap3A_25 : i32 to index
    %swap3A_27 = arith.constant 0 : index
    %swap3A_28 = tpu.vector_load %arg9[%swap3A_26, %swap3A_27] {strides = array<i32>} : memref<64x16xf32, #tpu.memory_space<vmem>>, vector<1x16xf32>,
    %swap3A_29 = vector.shape_cast %swap3A_28 : vector<1x16xf32> to vector<16xf32>
    %swap3A_30 = vector.shape_cast %broadcast_in_dim3A_24 : vector<16xf32> to vector<1x16xf32>
    tpu.vector_store %arg9[%swap3A_26, %swap3A_27], %swap3A_30 {strides = array<i32>} : memref<64x16xf32, #tpu.memory_space<vmem>>, vector<1x16xf32>,
    %broadcast_in_dim3A_31 = arith.constant 0.000000e+00 : f32
    %broadcast_in_dim3A_32 = vector.broadcast %broadcast_in_dim3A_31 : f32 to vector<16xf32>
    %swap3A_33 = arith.constant 4 : i32
    %swap3A_34 = arith.index_cast %swap3A_33 : i32 to index
    %swap3A_35 = arith.constant 0 : index
    %swap3A_36 = tpu.vector_load %arg9[%swap3A_34, %swap3A_35] {strides = array<i32>} : memref<64x16xf32, #tpu.memory_space<vmem>>, vector<1x16xf32>,
    %swap3A_37 = vector.shape_cast %swap3A_36 : vector<1x16xf32> to vector<16xf32>
    %swap3A_38 = vector.shape_cast %broadcast_in_dim3A_32 : vector<16xf32> to vector<1x16xf32>
    tpu.vector_store %arg9[%swap3A_34, %swap3A_35], %swap3A_38 {strides = array<i32>} : memref<64x16xf32, #tpu.memory_space<vmem>>, vector<1x16xf32>,
    %broadcast_in_dim3A_39 = arith.constant 0.000000e+00 : f32
    %broadcast_in_dim3A_40 = vector.broadcast %broadcast_in_dim3A_39 : f32 to vector<16xf32>
    %swap3A_41 = arith.constant 5 : i32
    %swap3A_42 = arith.index_cast %swap3A_41 : i32 to index
    %swap3A_43 = arith.constant 0 : index
    %swap3A_44 = tpu.vector_load %arg9[%swap3A_42, %swap3A_43] {strides = array<i32>} : memref<64x16xf32, #tpu.memory_space<vmem>>, vector<1x16xf32>,
    %swap3A_45 = vector.shape_cast %swap3A_44 : vector<1x16xf32> to vector<16xf32>
    %swap3A_46 = vector.shape_cast %broadcast_in_dim3A_40 : vector<16xf32> to vector<1x16xf32>
    tpu.vector_store %arg9[%swap3A_42, %swap3A_43], %swap3A_46 {strides = array<i32>} : memref<64x16xf32, #tpu.memory_space<vmem>>, vector<1x16xf32>,
    %broadcast_in_dim3A_47 = arith.constant 0.000000e+00 : f32
    %broadcast_in_dim3A_48 = vector.broadcast %broadcast_in_dim3A_47 : f32 to vector<16xf32>
    %swap3A_49 = arith.constant 6 : i32
    %swap3A_50 = arith.index_cast %swap3A_49 : i32 to index
    %swap3A_51 = arith.constant 0 : index
    %swap3A_52 = tpu.vector_load %arg9[%swap3A_50, %swap3A_51] {strides = array<i32>} : memref<64x16xf32, #tpu.memory_space<vmem>>, vector<1x16xf32>,
    %swap3A_53 = vector.shape_cast %swap3A_52 : vector<1x16xf32> to vector<16xf32>
    %swap3A_54 = vector.shape_cast %broadcast_in_dim3A_48 : vector<16xf32> to vector<1x16xf32>
    tpu.vector_store %arg9[%swap3A_50, %swap3A_51], %swap3A_54 {strides = array<i32>} : memref<64x16xf32, #tpu.memory_space<vmem>>, vector<1x16xf32>,
    %broadcast_in_dim3A_55 = arith.constant 0.000000e+00 : f32
    %broadcast_in_dim3A_56 = vector.broadcast %broadcast_in_dim3A_55 : f32 to vector<16xf32>
    %swap3A_57 = arith.constant 7 : i32
    %swap3A_58 = arith.index_cast %swap3A_57 : i32 to index
    %swap3A_59 = arith.constant 0 : index
    %swap3A_60 = tpu.vector_load %arg9[%swap3A_58, %swap3A_59] {strides = array<i32>} : memref<64x16xf32, #tpu.memory_space<vmem>>, vector<1x16xf32>,
    %swap3A_61 = vector.shape_cast %swap3A_60 : vector<1x16xf32> to vector<16xf32>
    %swap3A_62 = vector.shape_cast %broadcast_in_dim3A_56 : vector<16xf32> to vector<1x16xf32>
    tpu.vector_store %arg9[%swap3A_58, %swap3A_59], %swap3A_62 {strides = array<i32>} : memref<64x16xf32, #tpu.memory_space<vmem>>, vector<1x16xf32>,
    %broadcast_in_dim3A_63 = arith.constant 0.000000e+00 : f32
    %broadcast_in_dim3A_64 = vector.broadcast %broadcast_in_dim3A_63 : f32 to vector<16xf32>
    %swap3A_65 = arith.constant 8 : i32
    %swap3A_66 = arith.index_cast %swap3A_65 : i32 to index
    %swap3A_67 = arith.constant 0 : index
    %swap3A_68 = tpu.vector_load %arg9[%swap3A_66, %swap3A_67] {strides = array<i32>} : memref<64x16xf32, #tpu.memory_space<vmem>>, vector<1x16xf32>,
    %swap3A_69 = vector.shape_cast %swap3A_68 : vector<1x16xf32> to vector<16xf32>
    %swap3A_70 = vector.shape_cast %broadcast_in_dim3A_64 : vector<16xf32> to vector<1x16xf32>
    tpu.vector_store %arg9[%swap3A_66, %swap3A_67], %swap3A_70 {strides = array<i32>} : memref<64x16xf32, #tpu.memory_space<vmem>>, vector<1x16xf32>,
    %broadcast_in_dim3A_71 = arith.constant 0.000000e+00 : f32
    %broadcast_in_dim3A_72 = vector.broadcast %broadcast_in_dim3A_71 : f32 to vector<16xf32>
    %swap3A_73 = arith.constant 9 : i32
    %swap3A_74 = arith.index_cast %swap3A_73 : i32 to index
    %swap3A_75 = arith.constant 0 : index
    %swap3A_76 = tpu.vector_load %arg9[%swap3A_74, %swap3A_75] {strides = array<i32>} : memref<64x16xf32, #tpu.memory_space<vmem>>, vector<1x16xf32>,
    %swap3A_77 = vector.shape_cast %swap3A_76 : vector<1x16xf32> to vector<16xf32>
    %swap3A_78 = vector.shape_cast %broadcast_in_dim3A_72 : vector<16xf32> to vector<1x16xf32>
    tpu.vector_store %arg9[%swap3A_74, %swap3A_75], %swap3A_78 {strides = array<i32>} : memref<64x16xf32, #tpu.memory_space<vmem>>, vector<1x16xf32>,
    %broadcast_in_dim3A_79 = arith.constant 0.000000e+00 : f32
    %broadcast_in_dim3A_80 = vector.broadcast %broadcast_in_dim3A_79 : f32 to vector<16xf32>
    %swap3A_81 = arith.constant 10 : i32
    %swap3A_82 = arith.index_cast %swap3A_81 : i32 to index
    %swap3A_83 = arith.constant 0 : index
    %swap3A_84 = tpu.vector_load %arg9[%swap3A_82, %swap3A_83] {strides = array<i32>} : memref<64x16xf32, #tpu.memory_space<vmem>>, vector<1x16xf32>,
    %swap3A_85 = vector.shape_cast %swap3A_84 : vector<1x16xf32> to vector<16xf32>
    %swap3A_86 = vector.shape_cast %broadcast_in_dim3A_80 : vector<16xf32> to vector<1x16xf32>
    tpu.vector_store %arg9[%swap3A_82, %swap3A_83], %swap3A_86 {strides = array<i32>} : memref<64x16xf32, #tpu.memory_space<vmem>>, vector<1x16xf32>,
    %broadcast_in_dim3A_87 = arith.constant 0.000000e+00 : f32
    %broadcast_in_dim3A_88 = vector.broadcast %broadcast_in_dim3A_87 : f32 to vector<16xf32>
    %swap3A_89 = arith.constant 11 : i32
    %swap3A_90 = arith.index_cast %swap3A_89 : i32 to index
    %swap3A_91 = arith.constant 0 : index
    %swap3A_92 = tpu.vector_load %arg9[%swap3A_90, %swap3A_91] {strides = array<i32>} : memref<64x16xf32, #tpu.memory_space<vmem>>, vector<1x16xf32>,
    %swap3A_93 = vector.shape_cast %swap3A_92 : vector<1x16xf32> to vector<16xf32>
    %swap3A_94 = vector.shape_cast %broadcast_in_dim3A_88 : vector<16xf32> to vector<1x16xf32>
    tpu.vector_store %arg9[%swap3A_90, %swap3A_91], %swap3A_94 {strides = array<i32>} : memref<64x16xf32, #tpu.memory_space<vmem>>, vector<1x16xf32>,
    %broadcast_in_dim3A_95 = arith.constant 0.000000e+00 : f32
    %broadcast_in_dim3A_96 = vector.broadcast %broadcast_in_dim3A_95 : f32 to vector<16xf32>
    %swap3A_97 = arith.constant 12 : i32
    %swap3A_98 = arith.index_cast %swap3A_97 : i32 to index
    %swap3A_99 = arith.constant 0 : index
    %swap3A_100 = tpu.vector_load %arg9[%swap3A_98, %swap3A_99] {strides = array<i32>} : memref<64x16xf32, #tpu.memory_space<vmem>>, vector<1x16xf32>,
    %swap3A_101 = vector.shape_cast %swap3A_100 : vector<1x16xf32> to vector<16xf32>
    %swap3A_102 = vector.shape_cast %broadcast_in_dim3A_96 : vector<16xf32> to vector<1x16xf32>
    tpu.vector_store %arg9[%swap3A_98, %swap3A_99], %swap3A_102 {strides = array<i32>} : memref<64x16xf32, #tpu.memory_space<vmem>>, vector<1x16xf32>,
    %broadcast_in_dim3A_103 = arith.constant 0.000000e+00 : f32
    %broadcast_in_dim3A_104 = vector.broadcast %broadcast_in_dim3A_103 : f32 to vector<16xf32>
    %swap3A_105 = arith.constant 13 : i32
    %swap3A_106 = arith.index_cast %swap3A_105 : i32 to index
    %swap3A_107 = arith.constant 0 : index
    %swap3A_108 = tpu.vector_load %arg9[%swap3A_106, %swap3A_107] {strides = array<i32>} : memref<64x16xf32, #tpu.memory_space<vmem>>, vector<1x16xf32>,
    %swap3A_109 = vector.shape_cast %swap3A_108 : vector<1x16xf32> to vector<16xf32>
    %swap3A_110 = vector.shape_cast %broadcast_in_dim3A_104 : vector<16xf32> to vector<1x16xf32>
    tpu.vector_store %arg9[%swap3A_106, %swap3A_107], %swap3A_110 {strides = array<i32>} : memref<64x16xf32, #tpu.memory_space<vmem>>, vector<1x16xf32>,
    %broadcast_in_dim3A_111 = arith.constant 0.000000e+00 : f32
    %broadcast_in_dim3A_112 = vector.broadcast %broadcast_in_dim3A_111 : f32 to vector<16xf32>
    %swap3A_113 = arith.constant 14 : i32
    %swap3A_114 = arith.index_cast %swap3A_113 : i32 to index
    %swap3A_115 = arith.constant 0 : index
    %swap3A_116 = tpu.vector_load %arg9[%swap3A_114, %swap3A_115] {strides = array<i32>} : memref<64x16xf32, #tpu.memory_space<vmem>>, vector<1x16xf32>,
    %swap3A_117 = vector.shape_cast %swap3A_116 : vector<1x16xf32> to vector<16xf32>
    %swap3A_118 = vector.shape_cast %broadcast_in_dim3A_112 : vector<16xf32> to vector<1x16xf32>
    tpu.vector_store %arg9[%swap3A_114, %swap3A_115], %swap3A_118 {strides = array<i32>} : memref<64x16xf32, #tpu.memory_space<vmem>>, vector<1x16xf32>,
    %broadcast_in_dim3A_119 = arith.constant 0.000000e+00 : f32
    %broadcast_in_dim3A_120 = vector.broadcast %broadcast_in_dim3A_119 : f32 to vector<16xf32>
    %swap3A_121 = arith.constant 15 : i32
    %swap3A_122 = arith.index_cast %swap3A_121 : i32 to index
    %swap3A_123 = arith.constant 0 : index
    %swap3A_124 = tpu.vector_load %arg9[%swap3A_122, %swap3A_123] {strides = array<i32>} : memref<64x16xf32, #tpu.memory_space<vmem>>, vector<1x16xf32>,
    %swap3A_125 = vector.shape_cast %swap3A_124 : vector<1x16xf32> to vector<16xf32>
    %swap3A_126 = vector.shape_cast %broadcast_in_dim3A_120 : vector<16xf32> to vector<1x16xf32>
    tpu.vector_store %arg9[%swap3A_122, %swap3A_123], %swap3A_126 {strides = array<i32>} : memref<64x16xf32, #tpu.memory_space<vmem>>, vector<1x16xf32>,
    %broadcast_in_dim3A_127 = arith.constant 0.000000e+00 : f32
    %broadcast_in_dim3A_128 = vector.broadcast %broadcast_in_dim3A_127 : f32 to vector<16xf32>
    %swap3A_129 = arith.constant 16 : i32
    %swap3A_130 = arith.index_cast %swap3A_129 : i32 to index
    %swap3A_131 = arith.constant 0 : index
    %swap3A_132 = tpu.vector_load %arg9[%swap3A_130, %swap3A_131] {strides = array<i32>} : memref<64x16xf32, #tpu.memory_space<vmem>>, vector<1x16xf32>,
    %swap3A_133 = vector.shape_cast %swap3A_132 : vector<1x16xf32> to vector<16xf32>
    %swap3A_134 = vector.shape_cast %broadcast_in_dim3A_128 : vector<16xf32> to vector<1x16xf32>
    tpu.vector_store %arg9[%swap3A_130, %swap3A_131], %swap3A_134 {strides = array<i32>} : memref<64x16xf32, #tpu.memory_space<vmem>>, vector<1x16xf32>,
    %broadcast_in_dim3A_135 = arith.constant 0.000000e+00 : f32
    %broadcast_in_dim3A_136 = vector.broadcast %broadcast_in_dim3A_135 : f32 to vector<16xf32>
    %swap3A_137 = arith.constant 17 : i32
    %swap3A_138 = arith.index_cast %swap3A_137 : i32 to index
    %swap3A_139 = arith.constant 0 : index
    %swap3A_140 = tpu.vector_load %arg9[%swap3A_138, %swap3A_139] {strides = array<i32>} : memref<64x16xf32, #tpu.memory_space<vmem>>, vector<1x16xf32>,
    %swap3A_141 = vector.shape_cast %swap3A_140 : vector<1x16xf32> to vector<16xf32>
    %swap3A_142 = vector.shape_cast %broadcast_in_dim3A_136 : vector<16xf32> to vector<1x16xf32>
    tpu.vector_store %arg9[%swap3A_138, %swap3A_139], %swap3A_142 {strides = array<i32>} : memref<64x16xf32, #tpu.memory_space<vmem>>, vector<1x16xf32>,
    %broadcast_in_dim3A_143 = arith.constant 0.000000e+00 : f32
    %broadcast_in_dim3A_144 = vector.broadcast %broadcast_in_dim3A_143 : f32 to vector<16xf32>
    %swap3A_145 = arith.constant 18 : i32
    %swap3A_146 = arith.index_cast %swap3A_145 : i32 to index
    %swap3A_147 = arith.constant 0 : index
    %swap3A_148 = tpu.vector_load %arg9[%swap3A_146, %swap3A_147] {strides = array<i32>} : memref<64x16xf32, #tpu.memory_space<vmem>>, vector<1x16xf32>,
    %swap3A_149 = vector.shape_cast %swap3A_148 : vector<1x16xf32> to vector<16xf32>
    %swap3A_150 = vector.shape_cast %broadcast_in_dim3A_144 : vector<16xf32> to vector<1x16xf32>
    tpu.vector_store %arg9[%swap3A_146, %swap3A_147], %swap3A_150 {strides = array<i32>} : memref<64x16xf32, #tpu.memory_space<vmem>>, vector<1x16xf32>,
    %broadcast_in_dim3A_151 = arith.constant 0.000000e+00 : f32
    %broadcast_in_dim3A_152 = vector.broadcast %broadcast_in_dim3A_151 : f32 to vector<16xf32>
    %swap3A_153 = arith.constant 19 : i32
    %swap3A_154 = arith.index_cast %swap3A_153 : i32 to index
    %swap3A_155 = arith.constant 0 : index
    %swap3A_156 = tpu.vector_load %arg9[%swap3A_154, %swap3A_155] {strides = array<i32>} : memref<64x16xf32, #tpu.memory_space<vmem>>, vector<1x16xf32>,
    %swap3A_157 = vector.shape_cast %swap3A_156 : vector<1x16xf32> to vector<16xf32>
    %swap3A_158 = vector.shape_cast %broadcast_in_dim3A_152 : vector<16xf32> to vector<1x16xf32>
    tpu.vector_store %arg9[%swap3A_154, %swap3A_155], %swap3A_158 {strides = array<i32>} : memref<64x16xf32, #tpu.memory_space<vmem>>, vector<1x16xf32>,
    %broadcast_in_dim3A_159 = arith.constant 0.000000e+00 : f32
    %broadcast_in_dim3A_160 = vector.broadcast %broadcast_in_dim3A_159 : f32 to vector<16xf32>
    %swap3A_161 = arith.constant 20 : i32
    %swap3A_162 = arith.index_cast %swap3A_161 : i32 to index
    %swap3A_163 = arith.constant 0 : index
    %swap3A_164 = tpu.vector_load %arg9[%swap3A_162, %swap3A_163] {strides = array<i32>} : memref<64x16xf32, #tpu.memory_space<vmem>>, vector<1x16xf32>,
    %swap3A_165 = vector.shape_cast %swap3A_164 : vector<1x16xf32> to vector<16xf32>
    %swap3A_166 = vector.shape_cast %broadcast_in_dim3A_160 : vector<16xf32> to vector<1x16xf32>
    tpu.vector_store %arg9[%swap3A_162, %swap3A_163], %swap3A_166 {strides = array<i32>} : memref<64x16xf32, #tpu.memory_space<vmem>>, vector<1x16xf32>,
    %broadcast_in_dim3A_167 = arith.constant 0.000000e+00 : f32
    %broadcast_in_dim3A_168 = vector.broadcast %broadcast_in_dim3A_167 : f32 to vector<16xf32>
    %swap3A_169 = arith.constant 21 : i32
    %swap3A_170 = arith.index_cast %swap3A_169 : i32 to index
    %swap3A_171 = arith.constant 0 : index
    %swap3A_172 = tpu.vector_load %arg9[%swap3A_170, %swap3A_171] {strides = array<i32>} : memref<64x16xf32, #tpu.memory_space<vmem>>, vector<1x16xf32>,
    %swap3A_173 = vector.shape_cast %swap3A_172 : vector<1x16xf32> to vector<16xf32>
    %swap3A_174 = vector.shape_cast %broadcast_in_dim3A_168 : vector<16xf32> to vector<1x16xf32>
    tpu.vector_store %arg9[%swap3A_170, %swap3A_171], %swap3A_174 {strides = array<i32>} : memref<64x16xf32, #tpu.memory_space<vmem>>, vector<1x16xf32>,
    %broadcast_in_dim3A_175 = arith.constant 0.000000e+00 : f32
    %broadcast_in_dim3A_176 = vector.broadcast %broadcast_in_dim3A_175 : f32 to vector<16xf32>
    %swap3A_177 = arith.constant 22 : i32
    %swap3A_178 = arith.index_cast %swap3A_177 : i32 to index
    %swap3A_179 = arith.constant 0 : index
    %swap3A_180 = tpu.vector_load %arg9[%swap3A_178, %swap3A_179] {strides = array<i32>} : memref<64x16xf32, #tpu.memory_space<vmem>>, vector<1x16xf32>,
    %swap3A_181 = vector.shape_cast %swap3A_180 : vector<1x16xf32> to vector<16xf32>
    %swap3A_182 = vector.shape_cast %broadcast_in_dim3A_176 : vector<16xf32> to vector<1x16xf32>
    tpu.vector_store %arg9[%swap3A_178, %swap3A_179], %swap3A_182 {strides = array<i32>} : memref<64x16xf32, #tpu.memory_space<vmem>>, vector<1x16xf32>,
    %broadcast_in_dim3A_183 = arith.constant 0.000000e+00 : f32
    %broadcast_in_dim3A_184 = vector.broadcast %broadcast_in_dim3A_183 : f32 to vector<16xf32>
    %swap3A_185 = arith.constant 23 : i32
    %swap3A_186 = arith.index_cast %swap3A_185 : i32 to index
    %swap3A_187 = arith.constant 0 : index
    %swap3A_188 = tpu.vector_load %arg9[%swap3A_186, %swap3A_187] {strides = array<i32>} : memref<64x16xf32, #tpu.memory_space<vmem>>, vector<1x16xf32>,
    %swap3A_189 = vector.shape_cast %swap3A_188 : vector<1x16xf32> to vector<16xf32>
    %swap3A_190 = vector.shape_cast %broadcast_in_dim3A_184 : vector<16xf32> to vector<1x16xf32>
    tpu.vector_store %arg9[%swap3A_186, %swap3A_187], %swap3A_190 {strides = array<i32>} : memref<64x16xf32, #tpu.memory_space<vmem>>, vector<1x16xf32>,
    %broadcast_in_dim3A_191 = arith.constant 0.000000e+00 : f32
    %broadcast_in_dim3A_192 = vector.broadcast %broadcast_in_dim3A_191 : f32 to vector<16xf32>
    %swap3A_193 = arith.constant 24 : i32
    %swap3A_194 = arith.index_cast %swap3A_193 : i32 to index
    %swap3A_195 = arith.constant 0 : index
    %swap3A_196 = tpu.vector_load %arg9[%swap3A_194, %swap3A_195] {strides = array<i32>} : memref<64x16xf32, #tpu.memory_space<vmem>>, vector<1x16xf32>,
    %swap3A_197 = vector.shape_cast %swap3A_196 : vector<1x16xf32> to vector<16xf32>
    %swap3A_198 = vector.shape_cast %broadcast_in_dim3A_192 : vector<16xf32> to vector<1x16xf32>
    tpu.vector_store %arg9[%swap3A_194, %swap3A_195], %swap3A_198 {strides = array<i32>} : memref<64x16xf32, #tpu.memory_space<vmem>>, vector<1x16xf32>,
    %broadcast_in_dim3A_199 = arith.constant 0.000000e+00 : f32
    %broadcast_in_dim3A_200 = vector.broadcast %broadcast_in_dim3A_199 : f32 to vector<16xf32>
    %swap3A_201 = arith.constant 25 : i32
    %swap3A_202 = arith.index_cast %swap3A_201 : i32 to index
    %swap3A_203 = arith.constant 0 : index
    %swap3A_204 = tpu.vector_load %arg9[%swap3A_202, %swap3A_203] {strides = array<i32>} : memref<64x16xf32, #tpu.memory_space<vmem>>, vector<1x16xf32>,
    %swap3A_205 = vector.shape_cast %swap3A_204 : vector<1x16xf32> to vector<16xf32>
    %swap3A_206 = vector.shape_cast %broadcast_in_dim3A_200 : vector<16xf32> to vector<1x16xf32>
    tpu.vector_store %arg9[%swap3A_202, %swap3A_203], %swap3A_206 {strides = array<i32>} : memref<64x16xf32, #tpu.memory_space<vmem>>, vector<1x16xf32>,
    %broadcast_in_dim3A_207 = arith.constant 0.000000e+00 : f32
    %broadcast_in_dim3A_208 = vector.broadcast %broadcast_in_dim3A_207 : f32 to vector<16xf32>
    %swap3A_209 = arith.constant 26 : i32
    %swap3A_210 = arith.index_cast %swap3A_209 : i32 to index
    %swap3A_211 = arith.constant 0 : index
    %swap3A_212 = tpu.vector_load %arg9[%swap3A_210, %swap3A_211] {strides = array<i32>} : memref<64x16xf32, #tpu.memory_space<vmem>>, vector<1x16xf32>,
    %swap3A_213 = vector.shape_cast %swap3A_212 : vector<1x16xf32> to vector<16xf32>
    %swap3A_214 = vector.shape_cast %broadcast_in_dim3A_208 : vector<16xf32> to vector<1x16xf32>
    tpu.vector_store %arg9[%swap3A_210, %swap3A_211], %swap3A_214 {strides = array<i32>} : memref<64x16xf32, #tpu.memory_space<vmem>>, vector<1x16xf32>,
    %broadcast_in_dim3A_215 = arith.constant 0.000000e+00 : f32
    %broadcast_in_dim3A_216 = vector.broadcast %broadcast_in_dim3A_215 : f32 to vector<16xf32>
    %swap3A_217 = arith.constant 27 : i32
    %swap3A_218 = arith.index_cast %swap3A_217 : i32 to index
    %swap3A_219 = arith.constant 0 : index
    %swap3A_220 = tpu.vector_load %arg9[%swap3A_218, %swap3A_219] {strides = array<i32>} : memref<64x16xf32, #tpu.memory_space<vmem>>, vector<1x16xf32>,
    %swap3A_221 = vector.shape_cast %swap3A_220 : vector<1x16xf32> to vector<16xf32>
    %swap3A_222 = vector.shape_cast %broadcast_in_dim3A_216 : vector<16xf32> to vector<1x16xf32>
    tpu.vector_store %arg9[%swap3A_218, %swap3A_219], %swap3A_222 {strides = array<i32>} : memref<64x16xf32, #tpu.memory_space<vmem>>, vector<1x16xf32>,
    %broadcast_in_dim3A_223 = arith.constant 0.000000e+00 : f32
    %broadcast_in_dim3A_224 = vector.broadcast %broadcast_in_dim3A_223 : f32 to vector<16xf32>
    %swap3A_225 = arith.constant 28 : i32
    %swap3A_226 = arith.index_cast %swap3A_225 : i32 to index
    %swap3A_227 = arith.constant 0 : index
    %swap3A_228 = tpu.vector_load %arg9[%swap3A_226, %swap3A_227] {strides = array<i32>} : memref<64x16xf32, #tpu.memory_space<vmem>>, vector<1x16xf32>,
    %swap3A_229 = vector.shape_cast %swap3A_228 : vector<1x16xf32> to vector<16xf32>
    %swap3A_230 = vector.shape_cast %broadcast_in_dim3A_224 : vector<16xf32> to vector<1x16xf32>
    tpu.vector_store %arg9[%swap3A_226, %swap3A_227], %swap3A_230 {strides = array<i32>} : memref<64x16xf32, #tpu.memory_space<vmem>>, vector<1x16xf32>,
    %broadcast_in_dim3A_231 = arith.constant 0.000000e+00 : f32
    %broadcast_in_dim3A_232 = vector.broadcast %broadcast_in_dim3A_231 : f32 to vector<16xf32>
    %swap3A_233 = arith.constant 29 : i32
    %swap3A_234 = arith.index_cast %swap3A_233 : i32 to index
    %swap3A_235 = arith.constant 0 : index
    %swap3A_236 = tpu.vector_load %arg9[%swap3A_234, %swap3A_235] {strides = array<i32>} : memref<64x16xf32, #tpu.memory_space<vmem>>, vector<1x16xf32>,
    %swap3A_237 = vector.shape_cast %swap3A_236 : vector<1x16xf32> to vector<16xf32>
    %swap3A_238 = vector.shape_cast %broadcast_in_dim3A_232 : vector<16xf32> to vector<1x16xf32>
    tpu.vector_store %arg9[%swap3A_234, %swap3A_235], %swap3A_238 {strides = array<i32>} : memref<64x16xf32, #tpu.memory_space<vmem>>, vector<1x16xf32>,
    %broadcast_in_dim3A_239 = arith.constant 0.000000e+00 : f32
    %broadcast_in_dim3A_240 = vector.broadcast %broadcast_in_dim3A_239 : f32 to vector<16xf32>
    %swap3A_241 = arith.constant 30 : i32
    %swap3A_242 = arith.index_cast %swap3A_241 : i32 to index
    %swap3A_243 = arith.constant 0 : index
    %swap3A_244 = tpu.vector_load %arg9[%swap3A_242, %swap3A_243] {strides = array<i32>} : memref<64x16xf32, #tpu.memory_space<vmem>>, vector<1x16xf32>,
    %swap3A_245 = vector.shape_cast %swap3A_244 : vector<1x16xf32> to vector<16xf32>
    %swap3A_246 = vector.shape_cast %broadcast_in_dim3A_240 : vector<16xf32> to vector<1x16xf32>
    tpu.vector_store %arg9[%swap3A_242, %swap3A_243], %swap3A_246 {strides = array<i32>} : memref<64x16xf32, #tpu.memory_space<vmem>>, vector<1x16xf32>,
    %broadcast_in_dim3A_247 = arith.constant 0.000000e+00 : f32
    %broadcast_in_dim3A_248 = vector.broadcast %broadcast_in_dim3A_247 : f32 to vector<16xf32>
    %swap3A_249 = arith.constant 31 : i32
    %swap3A_250 = arith.index_cast %swap3A_249 : i32 to index
    %swap3A_251 = arith.constant 0 : index
    %swap3A_252 = tpu.vector_load %arg9[%swap3A_250, %swap3A_251] {strides = array<i32>} : memref<64x16xf32, #tpu.memory_space<vmem>>, vector<1x16xf32>,
    %swap3A_253 = vector.shape_cast %swap3A_252 : vector<1x16xf32> to vector<16xf32>
    %swap3A_254 = vector.shape_cast %broadcast_in_dim3A_248 : vector<16xf32> to vector<1x16xf32>
    tpu.vector_store %arg9[%swap3A_250, %swap3A_251], %swap3A_254 {strides = array<i32>} : memref<64x16xf32, #tpu.memory_space<vmem>>, vector<1x16xf32>,
    %broadcast_in_dim3A_255 = arith.constant 0.000000e+00 : f32
    %broadcast_in_dim3A_256 = vector.broadcast %broadcast_in_dim3A_255 : f32 to vector<16xf32>
    %swap3A_257 = arith.constant 32 : i32
    %swap3A_258 = arith.index_cast %swap3A_257 : i32 to index
    %swap3A_259 = arith.constant 0 : index
    %swap3A_260 = tpu.vector_load %arg9[%swap3A_258, %swap3A_259] {strides = array<i32>} : memref<64x16xf32, #tpu.memory_space<vmem>>, vector<1x16xf32>,
    %swap3A_261 = vector.shape_cast %swap3A_260 : vector<1x16xf32> to vector<16xf32>
    %swap3A_262 = vector.shape_cast %broadcast_in_dim3A_256 : vector<16xf32> to vector<1x16xf32>
    tpu.vector_store %arg9[%swap3A_258, %swap3A_259], %swap3A_262 {strides = array<i32>} : memref<64x16xf32, #tpu.memory_space<vmem>>, vector<1x16xf32>,
    %broadcast_in_dim3A_263 = arith.constant 0.000000e+00 : f32
    %broadcast_in_dim3A_264 = vector.broadcast %broadcast_in_dim3A_263 : f32 to vector<16xf32>
    %swap3A_265 = arith.constant 33 : i32
    %swap3A_266 = arith.index_cast %swap3A_265 : i32 to index
    %swap3A_267 = arith.constant 0 : index
    %swap3A_268 = tpu.vector_load %arg9[%swap3A_266, %swap3A_267] {strides = array<i32>} : memref<64x16xf32, #tpu.memory_space<vmem>>, vector<1x16xf32>,
    %swap3A_269 = vector.shape_cast %swap3A_268 : vector<1x16xf32> to vector<16xf32>
    %swap3A_270 = vector.shape_cast %broadcast_in_dim3A_264 : vector<16xf32> to vector<1x16xf32>
    tpu.vector_store %arg9[%swap3A_266, %swap3A_267], %swap3A_270 {strides = array<i32>} : memref<64x16xf32, #tpu.memory_space<vmem>>, vector<1x16xf32>,
    %broadcast_in_dim3A_271 = arith.constant 0.000000e+00 : f32
    %broadcast_in_dim3A_272 = vector.broadcast %broadcast_in_dim3A_271 : f32 to vector<16xf32>
    %swap3A_273 = arith.constant 34 : i32
    %swap3A_274 = arith.index_cast %swap3A_273 : i32 to index
    %swap3A_275 = arith.constant 0 : index
    %swap3A_276 = tpu.vector_load %arg9[%swap3A_274, %swap3A_275] {strides = array<i32>} : memref<64x16xf32, #tpu.memory_space<vmem>>, vector<1x16xf32>,
    %swap3A_277 = vector.shape_cast %swap3A_276 : vector<1x16xf32> to vector<16xf32>
    %swap3A_278 = vector.shape_cast %broadcast_in_dim3A_272 : vector<16xf32> to vector<1x16xf32>
    tpu.vector_store %arg9[%swap3A_274, %swap3A_275], %swap3A_278 {strides = array<i32>} : memref<64x16xf32, #tpu.memory_space<vmem>>, vector<1x16xf32>,
    %broadcast_in_dim3A_279 = arith.constant 0.000000e+00 : f32
    %broadcast_in_dim3A_280 = vector.broadcast %broadcast_in_dim3A_279 : f32 to vector<16xf32>
    %swap3A_281 = arith.constant 35 : i32
    %swap3A_282 = arith.index_cast %swap3A_281 : i32 to index
    %swap3A_283 = arith.constant 0 : index
    %swap3A_284 = tpu.vector_load %arg9[%swap3A_282, %swap3A_283] {strides = array<i32>} : memref<64x16xf32, #tpu.memory_space<vmem>>, vector<1x16xf32>,
    %swap3A_285 = vector.shape_cast %swap3A_284 : vector<1x16xf32> to vector<16xf32>
    %swap3A_286 = vector.shape_cast %broadcast_in_dim3A_280 : vector<16xf32> to vector<1x16xf32>
    tpu.vector_store %arg9[%swap3A_282, %swap3A_283], %swap3A_286 {strides = array<i32>} : memref<64x16xf32, #tpu.memory_space<vmem>>, vector<1x16xf32>,
    %broadcast_in_dim3A_287 = arith.constant 0.000000e+00 : f32
    %broadcast_in_dim3A_288 = vector.broadcast %broadcast_in_dim3A_287 : f32 to vector<16xf32>
    %swap3A_289 = arith.constant 36 : i32
    %swap3A_290 = arith.index_cast %swap3A_289 : i32 to index
    %swap3A_291 = arith.constant 0 : index
    %swap3A_292 = tpu.vector_load %arg9[%swap3A_290, %swap3A_291] {strides = array<i32>} : memref<64x16xf32, #tpu.memory_space<vmem>>, vector<1x16xf32>,
    %swap3A_293 = vector.shape_cast %swap3A_292 : vector<1x16xf32> to vector<16xf32>
    %swap3A_294 = vector.shape_cast %broadcast_in_dim3A_288 : vector<16xf32> to vector<1x16xf32>
    tpu.vector_store %arg9[%swap3A_290, %swap3A_291], %swap3A_294 {strides = array<i32>} : memref<64x16xf32, #tpu.memory_space<vmem>>, vector<1x16xf32>,
    %broadcast_in_dim3A_295 = arith.constant 0.000000e+00 : f32
    %broadcast_in_dim3A_296 = vector.broadcast %broadcast_in_dim3A_295 : f32 to vector<16xf32>
    %swap3A_297 = arith.constant 37 : i32
    %swap3A_298 = arith.index_cast %swap3A_297 : i32 to index
    %swap3A_299 = arith.constant 0 : index
    %swap3A_300 = tpu.vector_load %arg9[%swap3A_298, %swap3A_299] {strides = array<i32>} : memref<64x16xf32, #tpu.memory_space<vmem>>, vector<1x16xf32>,
    %swap3A_301 = vector.shape_cast %swap3A_300 : vector<1x16xf32> to vector<16xf32>
    %swap3A_302 = vector.shape_cast %broadcast_in_dim3A_296 : vector<16xf32> to vector<1x16xf32>
    tpu.vector_store %arg9[%swap3A_298, %swap3A_299], %swap3A_302 {strides = array<i32>} : memref<64x16xf32, #tpu.memory_space<vmem>>, vector<1x16xf32>,
    %broadcast_in_dim3A_303 = arith.constant 0.000000e+00 : f32
    %broadcast_in_dim3A_304 = vector.broadcast %broadcast_in_dim3A_303 : f32 to vector<16xf32>
    %swap3A_305 = arith.constant 38 : i32
    %swap3A_306 = arith.index_cast %swap3A_305 : i32 to index
    %swap3A_307 = arith.constant 0 : index
    %swap3A_308 = tpu.vector_load %arg9[%swap3A_306, %swap3A_307] {strides = array<i32>} : memref<64x16xf32, #tpu.memory_space<vmem>>, vector<1x16xf32>,
    %swap3A_309 = vector.shape_cast %swap3A_308 : vector<1x16xf32> to vector<16xf32>
    %swap3A_310 = vector.shape_cast %broadcast_in_dim3A_304 : vector<16xf32> to vector<1x16xf32>
    tpu.vector_store %arg9[%swap3A_306, %swap3A_307], %swap3A_310 {strides = array<i32>} : memref<64x16xf32, #tpu.memory_space<vmem>>, vector<1x16xf32>,
    %broadcast_in_dim3A_311 = arith.constant 0.000000e+00 : f32
    %broadcast_in_dim3A_312 = vector.broadcast %broadcast_in_dim3A_311 : f32 to vector<16xf32>
    %swap3A_313 = arith.constant 39 : i32
    %swap3A_314 = arith.index_cast %swap3A_313 : i32 to index
    %swap3A_315 = arith.constant 0 : index
    %swap3A_316 = tpu.vector_load %arg9[%swap3A_314, %swap3A_315] {strides = array<i32>} : memref<64x16xf32, #tpu.memory_space<vmem>>, vector<1x16xf32>,
    %swap3A_317 = vector.shape_cast %swap3A_316 : vector<1x16xf32> to vector<16xf32>
    %swap3A_318 = vector.shape_cast %broadcast_in_dim3A_312 : vector<16xf32> to vector<1x16xf32>
    tpu.vector_store %arg9[%swap3A_314, %swap3A_315], %swap3A_318 {strides = array<i32>} : memref<64x16xf32, #tpu.memory_space<vmem>>, vector<1x16xf32>,
    %broadcast_in_dim3A_319 = arith.constant 0.000000e+00 : f32
    %broadcast_in_dim3A_320 = vector.broadcast %broadcast_in_dim3A_319 : f32 to vector<16xf32>
    %swap3A_321 = arith.constant 40 : i32
    %swap3A_322 = arith.index_cast %swap3A_321 : i32 to index
    %swap3A_323 = arith.constant 0 : index
    %swap3A_324 = tpu.vector_load %arg9[%swap3A_322, %swap3A_323] {strides = array<i32>} : memref<64x16xf32, #tpu.memory_space<vmem>>, vector<1x16xf32>,
    %swap3A_325 = vector.shape_cast %swap3A_324 : vector<1x16xf32> to vector<16xf32>
    %swap3A_326 = vector.shape_cast %broadcast_in_dim3A_320 : vector<16xf32> to vector<1x16xf32>
    tpu.vector_store %arg9[%swap3A_322, %swap3A_323], %swap3A_326 {strides = array<i32>} : memref<64x16xf32, #tpu.memory_space<vmem>>, vector<1x16xf32>,
    %broadcast_in_dim3A_327 = arith.constant 0.000000e+00 : f32
    %broadcast_in_dim3A_328 = vector.broadcast %broadcast_in_dim3A_327 : f32 to vector<16xf32>
    %swap3A_329 = arith.constant 41 : i32
    %swap3A_330 = arith.index_cast %swap3A_329 : i32 to index
    %swap3A_331 = arith.constant 0 : index
    %swap3A_332 = tpu.vector_load %arg9[%swap3A_330, %swap3A_331] {strides = array<i32>} : memref<64x16xf32, #tpu.memory_space<vmem>>, vector<1x16xf32>,
    %swap3A_333 = vector.shape_cast %swap3A_332 : vector<1x16xf32> to vector<16xf32>
    %swap3A_334 = vector.shape_cast %broadcast_in_dim3A_328 : vector<16xf32> to vector<1x16xf32>
    tpu.vector_store %arg9[%swap3A_330, %swap3A_331], %swap3A_334 {strides = array<i32>} : memref<64x16xf32, #tpu.memory_space<vmem>>, vector<1x16xf32>,
    %broadcast_in_dim3A_335 = arith.constant 0.000000e+00 : f32
    %broadcast_in_dim3A_336 = vector.broadcast %broadcast_in_dim3A_335 : f32 to vector<16xf32>
    %swap3A_337 = arith.constant 42 : i32
    %swap3A_338 = arith.index_cast %swap3A_337 : i32 to index
    %swap3A_339 = arith.constant 0 : index
    %swap3A_340 = tpu.vector_load %arg9[%swap3A_338, %swap3A_339] {strides = array<i32>} : memref<64x16xf32, #tpu.memory_space<vmem>>, vector<1x16xf32>,
    %swap3A_341 = vector.shape_cast %swap3A_340 : vector<1x16xf32> to vector<16xf32>
    %swap3A_342 = vector.shape_cast %broadcast_in_dim3A_336 : vector<16xf32> to vector<1x16xf32>
    tpu.vector_store %arg9[%swap3A_338, %swap3A_339], %swap3A_342 {strides = array<i32>} : memref<64x16xf32, #tpu.memory_space<vmem>>, vector<1x16xf32>,
    %broadcast_in_dim3A_343 = arith.constant 0.000000e+00 : f32
    %broadcast_in_dim3A_344 = vector.broadcast %broadcast_in_dim3A_343 : f32 to vector<16xf32>
    %swap3A_345 = arith.constant 43 : i32
    %swap3A_346 = arith.index_cast %swap3A_345 : i32 to index
    %swap3A_347 = arith.constant 0 : index
    %swap3A_348 = tpu.vector_load %arg9[%swap3A_346, %swap3A_347] {strides = array<i32>} : memref<64x16xf32, #tpu.memory_space<vmem>>, vector<1x16xf32>,
    %swap3A_349 = vector.shape_cast %swap3A_348 : vector<1x16xf32> to vector<16xf32>
    %swap3A_350 = vector.shape_cast %broadcast_in_dim3A_344 : vector<16xf32> to vector<1x16xf32>
    tpu.vector_store %arg9[%swap3A_346, %swap3A_347], %swap3A_350 {strides = array<i32>} : memref<64x16xf32, #tpu.memory_space<vmem>>, vector<1x16xf32>,
    %broadcast_in_dim3A_351 = arith.constant 0.000000e+00 : f32
    %broadcast_in_dim3A_352 = vector.broadcast %broadcast_in_dim3A_351 : f32 to vector<16xf32>
    %swap3A_353 = arith.constant 44 : i32
    %swap3A_354 = arith.index_cast %swap3A_353 : i32 to index
    %swap3A_355 = arith.constant 0 : index
    %swap3A_356 = tpu.vector_load %arg9[%swap3A_354, %swap3A_355] {strides = array<i32>} : memref<64x16xf32, #tpu.memory_space<vmem>>, vector<1x16xf32>,
    %swap3A_357 = vector.shape_cast %swap3A_356 : vector<1x16xf32> to vector<16xf32>
    %swap3A_358 = vector.shape_cast %broadcast_in_dim3A_352 : vector<16xf32> to vector<1x16xf32>
    tpu.vector_store %arg9[%swap3A_354, %swap3A_355], %swap3A_358 {strides = array<i32>} : memref<64x16xf32, #tpu.memory_space<vmem>>, vector<1x16xf32>,
    %broadcast_in_dim3A_359 = arith.constant 0.000000e+00 : f32
    %broadcast_in_dim3A_360 = vector.broadcast %broadcast_in_dim3A_359 : f32 to vector<16xf32>
    %swap3A_361 = arith.constant 45 : i32
    %swap3A_362 = arith.index_cast %swap3A_361 : i32 to index
    %swap3A_363 = arith.constant 0 : index
    %swap3A_364 = tpu.vector_load %arg9[%swap3A_362, %swap3A_363] {strides = array<i32>} : memref<64x16xf32, #tpu.memory_space<vmem>>, vector<1x16xf32>,
    %swap3A_365 = vector.shape_cast %swap3A_364 : vector<1x16xf32> to vector<16xf32>
    %swap3A_366 = vector.shape_cast %broadcast_in_dim3A_360 : vector<16xf32> to vector<1x16xf32>
    tpu.vector_store %arg9[%swap3A_362, %swap3A_363], %swap3A_366 {strides = array<i32>} : memref<64x16xf32, #tpu.memory_space<vmem>>, vector<1x16xf32>,
    %broadcast_in_dim3A_367 = arith.constant 0.000000e+00 : f32
    %broadcast_in_dim3A_368 = vector.broadcast %broadcast_in_dim3A_367 : f32 to vector<16xf32>
    %swap3A_369 = arith.constant 46 : i32
    %swap3A_370 = arith.index_cast %swap3A_369 : i32 to index
    %swap3A_371 = arith.constant 0 : index
    %swap3A_372 = tpu.vector_load %arg9[%swap3A_370, %swap3A_371] {strides = array<i32>} : memref<64x16xf32, #tpu.memory_space<vmem>>, vector<1x16xf32>,
    %swap3A_373 = vector.shape_cast %swap3A_372 : vector<1x16xf32> to vector<16xf32>
    %swap3A_374 = vector.shape_cast %broadcast_in_dim3A_368 : vector<16xf32> to vector<1x16xf32>
    tpu.vector_store %arg9[%swap3A_370, %swap3A_371], %swap3A_374 {strides = array<i32>} : memref<64x16xf32, #tpu.memory_space<vmem>>, vector<1x16xf32>,
    %broadcast_in_dim3A_375 = arith.constant 0.000000e+00 : f32
    %broadcast_in_dim3A_376 = vector.broadcast %broadcast_in_dim3A_375 : f32 to vector<16xf32>
    %swap3A_377 = arith.constant 47 : i32
    %swap3A_378 = arith.index_cast %swap3A_377 : i32 to index
    %swap3A_379 = arith.constant 0 : index
    %swap3A_380 = tpu.vector_load %arg9[%swap3A_378, %swap3A_379] {strides = array<i32>} : memref<64x16xf32, #tpu.memory_space<vmem>>, vector<1x16xf32>,
    %swap3A_381 = vector.shape_cast %swap3A_380 : vector<1x16xf32> to vector<16xf32>
    %swap3A_382 = vector.shape_cast %broadcast_in_dim3A_376 : vector<16xf32> to vector<1x16xf32>
    tpu.vector_store %arg9[%swap3A_378, %swap3A_379], %swap3A_382 {strides = array<i32>} : memref<64x16xf32, #tpu.memory_space<vmem>>, vector<1x16xf32>,
    %broadcast_in_dim3A_383 = arith.constant 0.000000e+00 : f32
    %broadcast_in_dim3A_384 = vector.broadcast %broadcast_in_dim3A_383 : f32 to vector<16xf32>
    %swap3A_385 = arith.constant 48 : i32
    %swap3A_386 = arith.index_cast %swap3A_385 : i32 to index
    %swap3A_387 = arith.constant 0 : index
    %swap3A_388 = tpu.vector_load %arg9[%swap3A_386, %swap3A_387] {strides = array<i32>} : memref<64x16xf32, #tpu.memory_space<vmem>>, vector<1x16xf32>,
    %swap3A_389 = vector.shape_cast %swap3A_388 : vector<1x16xf32> to vector<16xf32>
    %swap3A_390 = vector.shape_cast %broadcast_in_dim3A_384 : vector<16xf32> to vector<1x16xf32>
    tpu.vector_store %arg9[%swap3A_386, %swap3A_387], %swap3A_390 {strides = array<i32>} : memref<64x16xf32, #tpu.memory_space<vmem>>, vector<1x16xf32>,
    %broadcast_in_dim3A_391 = arith.constant 0.000000e+00 : f32
    %broadcast_in_dim3A_392 = vector.broadcast %broadcast_in_dim3A_391 : f32 to vector<16xf32>
    %swap3A_393 = arith.constant 49 : i32
    %swap3A_394 = arith.index_cast %swap3A_393 : i32 to index
    %swap3A_395 = arith.constant 0 : index
    %swap3A_396 = tpu.vector_load %arg9[%swap3A_394, %swap3A_395] {strides = array<i32>} : memref<64x16xf32, #tpu.memory_space<vmem>>, vector<1x16xf32>,
    %swap3A_397 = vector.shape_cast %swap3A_396 : vector<1x16xf32> to vector<16xf32>
    %swap3A_398 = vector.shape_cast %broadcast_in_dim3A_392 : vector<16xf32> to vector<1x16xf32>
    tpu.vector_store %arg9[%swap3A_394, %swap3A_395], %swap3A_398 {strides = array<i32>} : memref<64x16xf32, #tpu.memory_space<vmem>>, vector<1x16xf32>,
    %broadcast_in_dim3A_399 = arith.constant 0.000000e+00 : f32
    %broadcast_in_dim3A_400 = vector.broadcast %broadcast_in_dim3A_399 : f32 to vector<16xf32>
    %swap3A_401 = arith.constant 50 : i32
    %swap3A_402 = arith.index_cast %swap3A_401 : i32 to index
    %swap3A_403 = arith.constant 0 : index
    %swap3A_404 = tpu.vector_load %arg9[%swap3A_402, %swap3A_403] {strides = array<i32>} : memref<64x16xf32, #tpu.memory_space<vmem>>, vector<1x16xf32>,
    %swap3A_405 = vector.shape_cast %swap3A_404 : vector<1x16xf32> to vector<16xf32>
    %swap3A_406 = vector.shape_cast %broadcast_in_dim3A_400 : vector<16xf32> to vector<1x16xf32>
    tpu.vector_store %arg9[%swap3A_402, %swap3A_403], %swap3A_406 {strides = array<i32>} : memref<64x16xf32, #tpu.memory_space<vmem>>, vector<1x16xf32>,
    %broadcast_in_dim3A_407 = arith.constant 0.000000e+00 : f32
    %broadcast_in_dim3A_408 = vector.broadcast %broadcast_in_dim3A_407 : f32 to vector<16xf32>
    %swap3A_409 = arith.constant 51 : i32
    %swap3A_410 = arith.index_cast %swap3A_409 : i32 to index
    %swap3A_411 = arith.constant 0 : index
    %swap3A_412 = tpu.vector_load %arg9[%swap3A_410, %swap3A_411] {strides = array<i32>} : memref<64x16xf32, #tpu.memory_space<vmem>>, vector<1x16xf32>,
    %swap3A_413 = vector.shape_cast %swap3A_412 : vector<1x16xf32> to vector<16xf32>
    %swap3A_414 = vector.shape_cast %broadcast_in_dim3A_408 : vector<16xf32> to vector<1x16xf32>
    tpu.vector_store %arg9[%swap3A_410, %swap3A_411], %swap3A_414 {strides = array<i32>} : memref<64x16xf32, #tpu.memory_space<vmem>>, vector<1x16xf32>,
    %broadcast_in_dim3A_415 = arith.constant 0.000000e+00 : f32
    %broadcast_in_dim3A_416 = vector.broadcast %broadcast_in_dim3A_415 : f32 to vector<16xf32>
    %swap3A_417 = arith.constant 52 : i32
    %swap3A_418 = arith.index_cast %swap3A_417 : i32 to index
    %swap3A_419 = arith.constant 0 : index
    %swap3A_420 = tpu.vector_load %arg9[%swap3A_418, %swap3A_419] {strides = array<i32>} : memref<64x16xf32, #tpu.memory_space<vmem>>, vector<1x16xf32>,
    %swap3A_421 = vector.shape_cast %swap3A_420 : vector<1x16xf32> to vector<16xf32>
    %swap3A_422 = vector.shape_cast %broadcast_in_dim3A_416 : vector<16xf32> to vector<1x16xf32>
    tpu.vector_store %arg9[%swap3A_418, %swap3A_419], %swap3A_422 {strides = array<i32>} : memref<64x16xf32, #tpu.memory_space<vmem>>, vector<1x16xf32>,
    %broadcast_in_dim3A_423 = arith.constant 0.000000e+00 : f32
    %broadcast_in_dim3A_424 = vector.broadcast %broadcast_in_dim3A_423 : f32 to vector<16xf32>
    %swap3A_425 = arith.constant 53 : i32
    %swap3A_426 = arith.index_cast %swap3A_425 : i32 to index
    %swap3A_427 = arith.constant 0 : index
    %swap3A_428 = tpu.vector_load %arg9[%swap3A_426, %swap3A_427] {strides = array<i32>} : memref<64x16xf32, #tpu.memory_space<vmem>>, vector<1x16xf32>,
    %swap3A_429 = vector.shape_cast %swap3A_428 : vector<1x16xf32> to vector<16xf32>
    %swap3A_430 = vector.shape_cast %broadcast_in_dim3A_424 : vector<16xf32> to vector<1x16xf32>
    tpu.vector_store %arg9[%swap3A_426, %swap3A_427], %swap3A_430 {strides = array<i32>} : memref<64x16xf32, #tpu.memory_space<vmem>>, vector<1x16xf32>,
    %broadcast_in_dim3A_431 = arith.constant 0.000000e+00 : f32
    %broadcast_in_dim3A_432 = vector.broadcast %broadcast_in_dim3A_431 : f32 to vector<16xf32>
    %swap3A_433 = arith.constant 54 : i32
    %swap3A_434 = arith.index_cast %swap3A_433 : i32 to index
    %swap3A_435 = arith.constant 0 : index
    %swap3A_436 = tpu.vector_load %arg9[%swap3A_434, %swap3A_435] {strides = array<i32>} : memref<64x16xf32, #tpu.memory_space<vmem>>, vector<1x16xf32>,
    %swap3A_437 = vector.shape_cast %swap3A_436 : vector<1x16xf32> to vector<16xf32>
    %swap3A_438 = vector.shape_cast %broadcast_in_dim3A_432 : vector<16xf32> to vector<1x16xf32>
    tpu.vector_store %arg9[%swap3A_434, %swap3A_435], %swap3A_438 {strides = array<i32>} : memref<64x16xf32, #tpu.memory_space<vmem>>, vector<1x16xf32>,
    %broadcast_in_dim3A_439 = arith.constant 0.000000e+00 : f32
    %broadcast_in_dim3A_440 = vector.broadcast %broadcast_in_dim3A_439 : f32 to vector<16xf32>
    %swap3A_441 = arith.constant 55 : i32
    %swap3A_442 = arith.index_cast %swap3A_441 : i32 to index
    %swap3A_443 = arith.constant 0 : index
    %swap3A_444 = tpu.vector_load %arg9[%swap3A_442, %swap3A_443] {strides = array<i32>} : memref<64x16xf32, #tpu.memory_space<vmem>>, vector<1x16xf32>,
    %swap3A_445 = vector.shape_cast %swap3A_444 : vector<1x16xf32> to vector<16xf32>
    %swap3A_446 = vector.shape_cast %broadcast_in_dim3A_440 : vector<16xf32> to vector<1x16xf32>
    tpu.vector_store %arg9[%swap3A_442, %swap3A_443], %swap3A_446 {strides = array<i32>} : memref<64x16xf32, #tpu.memory_space<vmem>>, vector<1x16xf32>,
    %broadcast_in_dim3A_447 = arith.constant 0.000000e+00 : f32
    %broadcast_in_dim3A_448 = vector.broadcast %broadcast_in_dim3A_447 : f32 to vector<16xf32>
    %swap3A_449 = arith.constant 56 : i32
    %swap3A_450 = arith.index_cast %swap3A_449 : i32 to index
    %swap3A_451 = arith.constant 0 : index
    %swap3A_452 = tpu.vector_load %arg9[%swap3A_450, %swap3A_451] {strides = array<i32>} : memref<64x16xf32, #tpu.memory_space<vmem>>, vector<1x16xf32>,
    %swap3A_453 = vector.shape_cast %swap3A_452 : vector<1x16xf32> to vector<16xf32>
    %swap3A_454 = vector.shape_cast %broadcast_in_dim3A_448 : vector<16xf32> to vector<1x16xf32>
    tpu.vector_store %arg9[%swap3A_450, %swap3A_451], %swap3A_454 {strides = array<i32>} : memref<64x16xf32, #tpu.memory_space<vmem>>, vector<1x16xf32>,
    %broadcast_in_dim3A_455 = arith.constant 0.000000e+00 : f32
    %broadcast_in_dim3A_456 = vector.broadcast %broadcast_in_dim3A_455 : f32 to vector<16xf32>
    %swap3A_457 = arith.constant 57 : i32
    %swap3A_458 = arith.index_cast %swap3A_457 : i32 to index
    %swap3A_459 = arith.constant 0 : index
    %swap3A_460 = tpu.vector_load %arg9[%swap3A_458, %swap3A_459] {strides = array<i32>} : memref<64x16xf32, #tpu.memory_space<vmem>>, vector<1x16xf32>,
    %swap3A_461 = vector.shape_cast %swap3A_460 : vector<1x16xf32> to vector<16xf32>
    %swap3A_462 = vector.shape_cast %broadcast_in_dim3A_456 : vector<16xf32> to vector<1x16xf32>
    tpu.vector_store %arg9[%swap3A_458, %swap3A_459], %swap3A_462 {strides = array<i32>} : memref<64x16xf32, #tpu.memory_space<vmem>>, vector<1x16xf32>,
    %broadcast_in_dim3A_463 = arith.constant 0.000000e+00 : f32
    %broadcast_in_dim3A_464 = vector.broadcast %broadcast_in_dim3A_463 : f32 to vector<16xf32>
    %swap3A_465 = arith.constant 58 : i32
    %swap3A_466 = arith.index_cast %swap3A_465 : i32 to index
    %swap3A_467 = arith.constant 0 : index
    %swap3A_468 = tpu.vector_load %arg9[%swap3A_466, %swap3A_467] {strides = array<i32>} : memref<64x16xf32, #tpu.memory_space<vmem>>, vector<1x16xf32>,
    %swap3A_469 = vector.shape_cast %swap3A_468 : vector<1x16xf32> to vector<16xf32>
    %swap3A_470 = vector.shape_cast %broadcast_in_dim3A_464 : vector<16xf32> to vector<1x16xf32>
    tpu.vector_store %arg9[%swap3A_466, %swap3A_467], %swap3A_470 {strides = array<i32>} : memref<64x16xf32, #tpu.memory_space<vmem>>, vector<1x16xf32>,
    %broadcast_in_dim3A_471 = arith.constant 0.000000e+00 : f32
    %broadcast_in_dim3A_472 = vector.broadcast %broadcast_in_dim3A_471 : f32 to vector<16xf32>
    %swap3A_473 = arith.constant 59 : i32
    %swap3A_474 = arith.index_cast %swap3A_473 : i32 to index
    %swap3A_475 = arith.constant 0 : index
    %swap3A_476 = tpu.vector_load %arg9[%swap3A_474, %swap3A_475] {strides = array<i32>} : memref<64x16xf32, #tpu.memory_space<vmem>>, vector<1x16xf32>,
    %swap3A_477 = vector.shape_cast %swap3A_476 : vector<1x16xf32> to vector<16xf32>
    %swap3A_478 = vector.shape_cast %broadcast_in_dim3A_472 : vector<16xf32> to vector<1x16xf32>
    tpu.vector_store %arg9[%swap3A_474, %swap3A_475], %swap3A_478 {strides = array<i32>} : memref<64x16xf32, #tpu.memory_space<vmem>>, vector<1x16xf32>,
    %broadcast_in_dim3A_479 = arith.constant 0.000000e+00 : f32
    %broadcast_in_dim3A_480 = vector.broadcast %broadcast_in_dim3A_479 : f32 to vector<16xf32>
    %swap3A_481 = arith.constant 60 : i32
    %swap3A_482 = arith.index_cast %swap3A_481 : i32 to index
    %swap3A_483 = arith.constant 0 : index
    %swap3A_484 = tpu.vector_load %arg9[%swap3A_482, %swap3A_483] {strides = array<i32>} : memref<64x16xf32, #tpu.memory_space<vmem>>, vector<1x16xf32>,
    %swap3A_485 = vector.shape_cast %swap3A_484 : vector<1x16xf32> to vector<16xf32>
    %swap3A_486 = vector.shape_cast %broadcast_in_dim3A_480 : vector<16xf32> to vector<1x16xf32>
    tpu.vector_store %arg9[%swap3A_482, %swap3A_483], %swap3A_486 {strides = array<i32>} : memref<64x16xf32, #tpu.memory_space<vmem>>, vector<1x16xf32>,
    %broadcast_in_dim3A_487 = arith.constant 0.000000e+00 : f32
    %broadcast_in_dim3A_488 = vector.broadcast %broadcast_in_dim3A_487 : f32 to vector<16xf32>
    %swap3A_489 = arith.constant 61 : i32
    %swap3A_490 = arith.index_cast %swap3A_489 : i32 to index
    %swap3A_491 = arith.constant 0 : index
    %swap3A_492 = tpu.vector_load %arg9[%swap3A_490, %swap3A_491] {strides = array<i32>} : memref<64x16xf32, #tpu.memory_space<vmem>>, vector<1x16xf32>,
    %swap3A_493 = vector.shape_cast %swap3A_492 : vector<1x16xf32> to vector<16xf32>
    %swap3A_494 = vector.shape_cast %broadcast_in_dim3A_488 : vector<16xf32> to vector<1x16xf32>
    tpu.vector_store %arg9[%swap3A_490, %swap3A_491], %swap3A_494 {strides = array<i32>} : memref<64x16xf32, #tpu.memory_space<vmem>>, vector<1x16xf32>,
    %broadcast_in_dim3A_495 = arith.constant 0.000000e+00 : f32
    %broadcast_in_dim3A_496 = vector.broadcast %broadcast_in_dim3A_495 : f32 to vector<16xf32>
    %swap3A_497 = arith.constant 62 : i32
    %swap3A_498 = arith.index_cast %swap3A_497 : i32 to index
    %swap3A_499 = arith.constant 0 : index
    %swap3A_500 = tpu.vector_load %arg9[%swap3A_498, %swap3A_499] {strides = array<i32>} : memref<64x16xf32, #tpu.memory_space<vmem>>, vector<1x16xf32>,
    %swap3A_501 = vector.shape_cast %swap3A_500 : vector<1x16xf32> to vector<16xf32>
    %swap3A_502 = vector.shape_cast %broadcast_in_dim3A_496 : vector<16xf32> to vector<1x16xf32>
    tpu.vector_store %arg9[%swap3A_498, %swap3A_499], %swap3A_502 {strides = array<i32>} : memref<64x16xf32, #tpu.memory_space<vmem>>, vector<1x16xf32>,
    %broadcast_in_dim3A_503 = arith.constant 0.000000e+00 : f32
    %broadcast_in_dim3A_504 = vector.broadcast %broadcast_in_dim3A_503 : f32 to vector<16xf32>
    %swap3A_505 = arith.constant 63 : i32
    %swap3A_506 = arith.index_cast %swap3A_505 : i32 to index
    %swap3A_507 = arith.constant 0 : index
    %swap3A_508 = tpu.vector_load %arg9[%swap3A_506, %swap3A_507] {strides = array<i32>} : memref<64x16xf32, #tpu.memory_space<vmem>>, vector<1x16xf32>,
    %swap3A_509 = vector.shape_cast %swap3A_508 : vector<1x16xf32> to vector<16xf32>
    %swap3A_510 = vector.shape_cast %broadcast_in_dim3A_504 : vector<16xf32> to vector<1x16xf32>
    tpu.vector_store %arg9[%swap3A_506, %swap3A_507], %swap3A_510 {strides = array<i32>} : memref<64x16xf32, #tpu.memory_space<vmem>>, vector<1x16xf32>,
    %scan3A = arith.constant 0 : i32
    %scan3A_511 = arith.constant 0 : i32
    %scan3A_512 = arith.constant 10 : i32
    %scan3A_513 = arith.addi %scan3A_511, %scan3A_512 : i32
    %scan3A_514 = arith.constant 1 : i32
    scf.for %scan3A_529 = %scan3A_511 to %scan3A_513 step %scan3A_514  : i32 {
      %mul3A_530 = arith.constant 640 : i32
      %mul3A_531 = arith.muli %arg1, %mul3A_530 : i32
      %mul3A_532 = arith.constant 64 : i32
      %mul3A_533 = arith.muli %scan3A_529, %mul3A_532 : i32
      %add3A_534 = arith.addi %mul3A_531, %mul3A_533 : i32
      "tpu.region"() ({
        %run_scoped3A = tpu.sem_alloc : memref<!tpu.dma_semaphore, #tpu.memory_space<semaphore_mem>>
        %dma_start3A = arith.constant 0 : i32
        %dma_start3A_535 = tpu.memref_slice %arg10[%add3A_534, %dma_start3A] : memref<10240x16xf32, #tpu.memory_space<vmem_shared>> -> memref<64x16xf32, #tpu.memory_space<vmem_shared>>
        %dma_start3A_536 = arith.constant 0 : i32
        %dma_start3A_537 = tpu.memref_slice %arg10[%add3A_534, %dma_start3A_536] : memref<10240x16xf32, #tpu.memory_space<vmem_shared>> -> memref<64x16xf32, #tpu.memory_space<vmem_shared>>
        tpu.enqueue_dma source(%arg9 : memref<64x16xf32, #tpu.memory_space<vmem>>) target(%dma_start3A_537 : memref<64x16xf32, #tpu.memory_space<vmem_shared>>) target_semaphore(%run_scoped3A : memref<!tpu.dma_semaphore, #tpu.memory_space<semaphore_mem>>)
        %dma_wait3A = arith.constant 0 : i32
        %dma_wait3A_538 = tpu.memref_slice %arg10[%add3A_534, %dma_wait3A] : memref<10240x16xf32, #tpu.memory_space<vmem_shared>> -> memref<64x16xf32, #tpu.memory_space<vmem_shared>>
        %dma_wait3A_539 = arith.constant 0 : i32
        %dma_wait3A_540 = tpu.memref_slice %arg10[%add3A_534, %dma_wait3A_539] : memref<10240x16xf32, #tpu.memory_space<vmem_shared>> -> memref<64x16xf32, #tpu.memory_space<vmem_shared>>
        tpu.wait_dma2 semaphore(%run_scoped3A : memref<!tpu.dma_semaphore, #tpu.memory_space<semaphore_mem>>) src(%arg9 : memref<64x16xf32, #tpu.memory_space<vmem>>) dst(%dma_wait3A_540 : memref<64x16xf32, #tpu.memory_space<vmem_shared>>)
        tpu.yield
      }) : () -> ()
    }
    %scan3A_515 = arith.constant 10 : i32
    %barrier3A = arith.constant 0 : index
    tpu.barrier barrier_id(%barrier3A)
    %mul3A_516 = arith.constant 80 : i32
    %mul3A_517 = arith.muli %add3A, %mul3A_516 : i32
    "tpu.region"() ({
      %run_scoped3A = tpu.sem_alloc : memref<!tpu.dma_semaphore, #tpu.memory_space<semaphore_mem>>
      %dma_start3A = arith.constant 0 : i32
      %dma_start3A_529 = tpu.memref_slice %arg2[%mul3A_517, %dma_start3A] : memref<2560x128xi32, #tpu.memory_space<hbm>> -> memref<80x128xi32, #tpu.memory_space<hbm>>
      %dma_start3A_530 = arith.constant 0 : i32
      %dma_start3A_531 = tpu.memref_slice %arg2[%mul3A_517, %dma_start3A_530] : memref<2560x128xi32, #tpu.memory_space<hbm>> -> memref<80x128xi32, #tpu.memory_space<hbm>>
      tpu.enqueue_dma source(%dma_start3A_531 : memref<80x128xi32, #tpu.memory_space<hbm>>) target(%arg6 : memref<80x128xi32, #tpu.memory_space<vmem>>) target_semaphore(%run_scoped3A : memref<!tpu.dma_semaphore, #tpu.memory_space<semaphore_mem>>)
      %dma_wait3A = arith.constant 0 : i32
      %dma_wait3A_532 = tpu.memref_slice %arg2[%mul3A_517, %dma_wait3A] : memref<2560x128xi32, #tpu.memory_space<hbm>> -> memref<80x128xi32, #tpu.memory_space<hbm>>
      %dma_wait3A_533 = arith.constant 0 : i32
      %dma_wait3A_534 = tpu.memref_slice %arg2[%mul3A_517, %dma_wait3A_533] : memref<2560x128xi32, #tpu.memory_space<hbm>> -> memref<80x128xi32, #tpu.memory_space<hbm>>
      tpu.wait_dma2 semaphore(%run_scoped3A : memref<!tpu.dma_semaphore, #tpu.memory_space<semaphore_mem>>) src(%dma_wait3A_534 : memref<80x128xi32, #tpu.memory_space<hbm>>) dst(%arg6 : memref<80x128xi32, #tpu.memory_space<vmem>>)
      tpu.yield
    }) : () -> ()
    %mul3A_518 = arith.constant 80 : i32
    %mul3A_519 = arith.muli %add3A, %mul3A_518 : i32
    "tpu.region"() ({
      %run_scoped3A = tpu.sem_alloc : memref<!tpu.dma_semaphore, #tpu.memory_space<semaphore_mem>>
      %dma_start3A = arith.constant 0 : i32
      %dma_start3A_529 = tpu.memref_slice %arg3[%mul3A_519, %dma_start3A] : memref<2560x128xi32, #tpu.memory_space<hbm>> -> memref<80x128xi32, #tpu.memory_space<hbm>>
      %dma_start3A_530 = arith.constant 0 : i32
      %dma_start3A_531 = tpu.memref_slice %arg3[%mul3A_519, %dma_start3A_530] : memref<2560x128xi32, #tpu.memory_space<hbm>> -> memref<80x128xi32, #tpu.memory_space<hbm>>
      tpu.enqueue_dma source(%dma_start3A_531 : memref<80x128xi32, #tpu.memory_space<hbm>>) target(%arg7 : memref<80x128xi32, #tpu.memory_space<vmem>>) target_semaphore(%run_scoped3A : memref<!tpu.dma_semaphore, #tpu.memory_space<semaphore_mem>>)
      %dma_wait3A = arith.constant 0 : i32
      %dma_wait3A_532 = tpu.memref_slice %arg3[%mul3A_519, %dma_wait3A] : memref<2560x128xi32, #tpu.memory_space<hbm>> -> memref<80x128xi32, #tpu.memory_space<hbm>>
      %dma_wait3A_533 = arith.constant 0 : i32
      %dma_wait3A_534 = tpu.memref_slice %arg3[%mul3A_519, %dma_wait3A_533] : memref<2560x128xi32, #tpu.memory_space<hbm>> -> memref<80x128xi32, #tpu.memory_space<hbm>>
      tpu.wait_dma2 semaphore(%run_scoped3A : memref<!tpu.dma_semaphore, #tpu.memory_space<semaphore_mem>>) src(%dma_wait3A_534 : memref<80x128xi32, #tpu.memory_space<hbm>>) dst(%arg7 : memref<80x128xi32, #tpu.memory_space<vmem>>)
      tpu.yield
    }) : () -> ()
    %scan3A_520 = arith.constant 0 : i32
    %scan3A_521 = arith.constant 0 : i32
    %scan3A_522 = arith.constant 80 : i32
    %scan3A_523 = arith.addi %scan3A_521, %scan3A_522 : i32
    %scan3A_524 = arith.constant 1 : i32
    scf.for %scan3A_529 = %scan3A_521 to %scan3A_523 step %scan3A_524  : i32 {
      %dma_start3A = arith.constant 0 : i32
      %dma_start3A_530 = tpu.memref_slice %arg6[%scan3A_529, %dma_start3A] : memref<80x128xi32, #tpu.memory_space<vmem>> -> memref<1x128xi32, #tpu.memory_space<vmem>>
      %dma_start3A_531 = tpu.memref_squeeze %dma_start3A_530 : memref<1x128xi32, #tpu.memory_space<vmem>> -> memref<128xi32, #tpu.memory_space<vmem>>
      %dma_start3A_532 = arith.constant 0 : i32
      %dma_start3A_533 = arith.constant 0 : i32
      %dma_start3A_534 = tpu.memref_slice %arg4[%dma_start3A_532, %dma_start3A_533] : memref<10240x16xf32, #tpu.memory_space<hbm>> -> memref<10240x16xf32, #tpu.memory_space<hbm>>
      tpu.enqueue_indirect_dma source(%dma_start3A_534 : memref<10240x16xf32, #tpu.memory_space<hbm>>) target(%arg8 : memref<128x16xf32, #tpu.memory_space<vmem>>) offsets(%dma_start3A_531 : memref<128xi32, #tpu.memory_space<vmem>>) semaphore(%arg11 : memref<!tpu.dma_semaphore, #tpu.memory_space<semaphore_mem>>)
      %dma_wait3A = arith.constant 0 : i32
      %dma_wait3A_535 = tpu.memref_slice %arg6[%scan3A_529, %dma_wait3A] : memref<80x128xi32, #tpu.memory_space<vmem>> -> memref<1x128xi32, #tpu.memory_space<vmem>>
      %dma_wait3A_536 = tpu.memref_squeeze %dma_wait3A_535 : memref<1x128xi32, #tpu.memory_space<vmem>> -> memref<128xi32, #tpu.memory_space<vmem>>
      %dma_wait3A_537 = arith.constant 0 : i32
      %dma_wait3A_538 = arith.constant 0 : i32
      %dma_wait3A_539 = tpu.memref_slice %arg4[%dma_wait3A_537, %dma_wait3A_538] : memref<10240x16xf32, #tpu.memory_space<hbm>> -> memref<10240x16xf32, #tpu.memory_space<hbm>>
      tpu.wait_indirect_dma semaphore(%arg11 : memref<!tpu.dma_semaphore, #tpu.memory_space<semaphore_mem>>) src(%dma_wait3A_539 : memref<10240x16xf32, #tpu.memory_space<hbm>>) dst(%arg8 : memref<128x16xf32, #tpu.memory_space<vmem>>)
      "tpu.region"() ({
        %run_scoped3A = tpu.sem_alloc : memref<!tpu.dma_semaphore, #tpu.memory_space<semaphore_mem>>
        %dma_start3A_540 = arith.constant 0 : i32
        %dma_start3A_541 = tpu.memref_slice %arg7[%scan3A_529, %dma_start3A_540] : memref<80x128xi32, #tpu.memory_space<vmem>> -> memref<1x128xi32, #tpu.memory_space<vmem>>
        %dma_start3A_542 = tpu.memref_squeeze %dma_start3A_541 : memref<1x128xi32, #tpu.memory_space<vmem>> -> memref<128xi32, #tpu.memory_space<vmem>>
        %dma_start3A_543 = arith.constant 0 : i32
        %dma_start3A_544 = arith.constant 0 : i32
        %dma_start3A_545 = tpu.memref_slice %arg10[%dma_start3A_543, %dma_start3A_544] : memref<10240x16xf32, #tpu.memory_space<vmem_shared>> -> memref<10240x16xf32, #tpu.memory_space<vmem_shared>>
        tpu.enqueue_indirect_dma source(%arg8 : memref<128x16xf32, #tpu.memory_space<vmem>>) target(%dma_start3A_545 : memref<10240x16xf32, #tpu.memory_space<vmem_shared>>) offsets(%dma_start3A_542 : memref<128xi32, #tpu.memory_space<vmem>>) semaphore(%run_scoped3A : memref<!tpu.dma_semaphore, #tpu.memory_space<semaphore_mem>>) {add = true}
        %dma_wait3A_546 = arith.constant 0 : i32
        %dma_wait3A_547 = tpu.memref_slice %arg7[%scan3A_529, %dma_wait3A_546] : memref<80x128xi32, #tpu.memory_space<vmem>> -> memref<1x128xi32, #tpu.memory_space<vmem>>
        %dma_wait3A_548 = tpu.memref_squeeze %dma_wait3A_547 : memref<1x128xi32, #tpu.memory_space<vmem>> -> memref<128xi32, #tpu.memory_space<vmem>>
        %dma_wait3A_549 = arith.constant 0 : i32
        %dma_wait3A_550 = arith.constant 0 : i32
        %dma_wait3A_551 = tpu.memref_slice %arg10[%dma_wait3A_549, %dma_wait3A_550] : memref<10240x16xf32, #tpu.memory_space<vmem_shared>> -> memref<10240x16xf32, #tpu.memory_space<vmem_shared>>
        tpu.wait_indirect_dma semaphore(%run_scoped3A : memref<!tpu.dma_semaphore, #tpu.memory_space<semaphore_mem>>) src(%arg8 : memref<128x16xf32, #tpu.memory_space<vmem>>) dst(%dma_wait3A_551 : memref<10240x16xf32, #tpu.memory_space<vmem_shared>>)
        tpu.yield
      }) : () -> ()
    }
    %scan3A_525 = arith.constant 80 : i32
    %barrier3A_526 = arith.constant 0 : index
    tpu.barrier barrier_id(%barrier3A_526)
    %mul3A_527 = arith.constant 640 : i32
    %mul3A_528 = arith.muli %arg1, %mul3A_527 : i32
    "tpu.region"() ({
      %run_scoped3A = tpu.sem_alloc : memref<!tpu.dma_semaphore, #tpu.memory_space<semaphore_mem>>
      %dma_start3A = arith.constant 0 : i32
      %dma_start3A_529 = arith.constant 0 : i32
      %dma_start3A_530 = tpu.memref_slice %arg5[%arg0, %dma_start3A, %dma_start3A_529] : memref<2x10240x16xf32, #tpu.memory_space<hbm>> -> memref<1x10240x16xf32, #tpu.memory_space<hbm>>
      %dma_start3A_531 = tpu.memref_squeeze %dma_start3A_530 : memref<1x10240x16xf32, #tpu.memory_space<hbm>> -> memref<10240x16xf32, #tpu.memory_space<hbm>>
      %dma_start3A_532 = arith.constant 0 : i32
      %dma_start3A_533 = tpu.memref_slice %dma_start3A_531[%mul3A_528, %dma_start3A_532] : memref<10240x16xf32, #tpu.memory_space<hbm>> -> memref<640x16xf32, #tpu.memory_space<hbm>>
      %dma_start3A_534 = arith.constant 0 : i32
      %dma_start3A_535 = tpu.memref_slice %arg10[%mul3A_528, %dma_start3A_534] : memref<10240x16xf32, #tpu.memory_space<vmem_shared>> -> memref<640x16xf32, #tpu.memory_space<vmem_shared>>
      tpu.enqueue_dma source(%dma_start3A_535 : memref<640x16xf32, #tpu.memory_space<vmem_shared>>) target(%dma_start3A_533 : memref<640x16xf32, #tpu.memory_space<hbm>>) target_semaphore(%run_scoped3A : memref<!tpu.dma_semaphore, #tpu.memory_space<semaphore_mem>>)
      %dma_wait3A = arith.constant 0 : i32
      %dma_wait3A_536 = arith.constant 0 : i32
      %dma_wait3A_537 = tpu.memref_slice %arg5[%arg0, %dma_wait3A, %dma_wait3A_536] : memref<2x10240x16xf32, #tpu.memory_space<hbm>> -> memref<1x10240x16xf32, #tpu.memory_space<hbm>>
      %dma_wait3A_538 = tpu.memref_squeeze %dma_wait3A_537 : memref<1x10240x16xf32, #tpu.memory_space<hbm>> -> memref<10240x16xf32, #tpu.memory_space<hbm>>
      %dma_wait3A_539 = arith.constant 0 : i32
      %dma_wait3A_540 = tpu.memref_slice %dma_wait3A_538[%mul3A_528, %dma_wait3A_539] : memref<10240x16xf32, #tpu.memory_space<hbm>> -> memref<640x16xf32, #tpu.memory_space<hbm>>
      %dma_wait3A_541 = arith.constant 0 : i32
      %dma_wait3A_542 = tpu.memref_slice %arg10[%mul3A_528, %dma_wait3A_541] : memref<10240x16xf32, #tpu.memory_space<vmem_shared>> -> memref<640x16xf32, #tpu.memory_space<vmem_shared>>
      tpu.wait_dma2 semaphore(%run_scoped3A : memref<!tpu.dma_semaphore, #tpu.memory_space<semaphore_mem>>) src(%dma_wait3A_542 : memref<640x16xf32, #tpu.memory_space<vmem_shared>>) dst(%dma_wait3A_540 : memref<640x16xf32, #tpu.memory_space<hbm>>)
      tpu.yield
    }) : () -> ()
    return
  }
}

#map = affine_map<(d0, d1) -> (0, 0)>
#map1 = affine_map<(d0, d1) -> (0, 0, 0)>
module attributes {stable_mosaic.version = 14 : i64} {
  func.func @_gs_body(%arg0: i32, %arg1: i32, %arg2: memref<2560x128xi32, #tpu.memory_space<hbm>>, %arg3: memref<2560x128xi32, #tpu.memory_space<hbm>>, %arg4: memref<10240x16xf32, #tpu.memory_space<hbm>>, %arg5: memref<2x10240x16xf32, #tpu.memory_space<hbm>>, %arg6: memref<80x128xi32, #tpu.memory_space<vmem>>, %arg7: memref<80x128xi32, #tpu.memory_space<vmem>>, %arg8: memref<128x16xf32, #tpu.memory_space<vmem>>, %arg9: memref<64x16xf32, #tpu.memory_space<vmem>>, %arg10: memref<10240x16xf32, #tpu.memory_space<vmem_shared>>, %arg11: memref<!tpu.dma_semaphore, #tpu.memory_space<semaphore_mem>>) attributes {dimension_semantics = [#tpu.dimension_semantics<core_parallel>, #tpu.dimension_semantics<subcore_parallel>], iteration_bounds = array<i64: 2, 16>, scalar_prefetch = 0 : i64, scratch_operands = 6 : i64, tpu.core_type = #tpu.core_type<sc_vector_subcore>, window_params = [{transform_indices = #map}, {transform_indices = #map}, {transform_indices = #map}, {transform_indices = #map1}]} {
    %mul3A = arith.constant 16 : i32
    %mul3A_0 = arith.muli %arg0, %mul3A : i32
    %add3A = arith.addi %mul3A_0, %arg1 : i32
    %broadcast_in_dim3A = arith.constant 0.000000e+00 : f32
    %broadcast_in_dim3A_1 = vector.broadcast %broadcast_in_dim3A : f32 to vector<16xf32>
    %swap3A = arith.constant 0 : i32
    %swap3A_2 = arith.index_cast %swap3A : i32 to index
    %swap3A_3 = arith.constant 0 : index
    %swap3A_4 = tpu.vector_load %arg9[%swap3A_2, %swap3A_3] {strides = array<i32>} : memref<64x16xf32, #tpu.memory_space<vmem>>, vector<1x16xf32>,
    %swap3A_5 = vector.shape_cast %swap3A_4 : vector<1x16xf32> to vector<16xf32>
    %swap3A_6 = vector.shape_cast %broadcast_in_dim3A_1 : vector<16xf32> to vector<1x16xf32>
    tpu.vector_store %arg9[%swap3A_2, %swap3A_3], %swap3A_6 {strides = array<i32>} : memref<64x16xf32, #tpu.memory_space<vmem>>, vector<1x16xf32>,
    %broadcast_in_dim3A_7 = arith.constant 0.000000e+00 : f32
    %broadcast_in_dim3A_8 = vector.broadcast %broadcast_in_dim3A_7 : f32 to vector<16xf32>
    %swap3A_9 = arith.constant 1 : i32
    %swap3A_10 = arith.index_cast %swap3A_9 : i32 to index
    %swap3A_11 = arith.constant 0 : index
    %swap3A_12 = tpu.vector_load %arg9[%swap3A_10, %swap3A_11] {strides = array<i32>} : memref<64x16xf32, #tpu.memory_space<vmem>>, vector<1x16xf32>,
    %swap3A_13 = vector.shape_cast %swap3A_12 : vector<1x16xf32> to vector<16xf32>
    %swap3A_14 = vector.shape_cast %broadcast_in_dim3A_8 : vector<16xf32> to vector<1x16xf32>
    tpu.vector_store %arg9[%swap3A_10, %swap3A_11], %swap3A_14 {strides = array<i32>} : memref<64x16xf32, #tpu.memory_space<vmem>>, vector<1x16xf32>,
    %broadcast_in_dim3A_15 = arith.constant 0.000000e+00 : f32
    %broadcast_in_dim3A_16 = vector.broadcast %broadcast_in_dim3A_15 : f32 to vector<16xf32>
    %swap3A_17 = arith.constant 2 : i32
    %swap3A_18 = arith.index_cast %swap3A_17 : i32 to index
    %swap3A_19 = arith.constant 0 : index
    %swap3A_20 = tpu.vector_load %arg9[%swap3A_18, %swap3A_19] {strides = array<i32>} : memref<64x16xf32, #tpu.memory_space<vmem>>, vector<1x16xf32>,
    %swap3A_21 = vector.shape_cast %swap3A_20 : vector<1x16xf32> to vector<16xf32>
    %swap3A_22 = vector.shape_cast %broadcast_in_dim3A_16 : vector<16xf32> to vector<1x16xf32>
    tpu.vector_store %arg9[%swap3A_18, %swap3A_19], %swap3A_22 {strides = array<i32>} : memref<64x16xf32, #tpu.memory_space<vmem>>, vector<1x16xf32>,
    %broadcast_in_dim3A_23 = arith.constant 0.000000e+00 : f32
    %broadcast_in_dim3A_24 = vector.broadcast %broadcast_in_dim3A_23 : f32 to vector<16xf32>
    %swap3A_25 = arith.constant 3 : i32
    %swap3A_26 = arith.index_cast %swap3A_25 : i32 to index
    %swap3A_27 = arith.constant 0 : index
    %swap3A_28 = tpu.vector_load %arg9[%swap3A_26, %swap3A_27] {strides = array<i32>} : memref<64x16xf32, #tpu.memory_space<vmem>>, vector<1x16xf32>,
    %swap3A_29 = vector.shape_cast %swap3A_28 : vector<1x16xf32> to vector<16xf32>
    %swap3A_30 = vector.shape_cast %broadcast_in_dim3A_24 : vector<16xf32> to vector<1x16xf32>
    tpu.vector_store %arg9[%swap3A_26, %swap3A_27], %swap3A_30 {strides = array<i32>} : memref<64x16xf32, #tpu.memory_space<vmem>>, vector<1x16xf32>,
    %broadcast_in_dim3A_31 = arith.constant 0.000000e+00 : f32
    %broadcast_in_dim3A_32 = vector.broadcast %broadcast_in_dim3A_31 : f32 to vector<16xf32>
    %swap3A_33 = arith.constant 4 : i32
    %swap3A_34 = arith.index_cast %swap3A_33 : i32 to index
    %swap3A_35 = arith.constant 0 : index
    %swap3A_36 = tpu.vector_load %arg9[%swap3A_34, %swap3A_35] {strides = array<i32>} : memref<64x16xf32, #tpu.memory_space<vmem>>, vector<1x16xf32>,
    %swap3A_37 = vector.shape_cast %swap3A_36 : vector<1x16xf32> to vector<16xf32>
    %swap3A_38 = vector.shape_cast %broadcast_in_dim3A_32 : vector<16xf32> to vector<1x16xf32>
    tpu.vector_store %arg9[%swap3A_34, %swap3A_35], %swap3A_38 {strides = array<i32>} : memref<64x16xf32, #tpu.memory_space<vmem>>, vector<1x16xf32>,
    %broadcast_in_dim3A_39 = arith.constant 0.000000e+00 : f32
    %broadcast_in_dim3A_40 = vector.broadcast %broadcast_in_dim3A_39 : f32 to vector<16xf32>
    %swap3A_41 = arith.constant 5 : i32
    %swap3A_42 = arith.index_cast %swap3A_41 : i32 to index
    %swap3A_43 = arith.constant 0 : index
    %swap3A_44 = tpu.vector_load %arg9[%swap3A_42, %swap3A_43] {strides = array<i32>} : memref<64x16xf32, #tpu.memory_space<vmem>>, vector<1x16xf32>,
    %swap3A_45 = vector.shape_cast %swap3A_44 : vector<1x16xf32> to vector<16xf32>
    %swap3A_46 = vector.shape_cast %broadcast_in_dim3A_40 : vector<16xf32> to vector<1x16xf32>
    tpu.vector_store %arg9[%swap3A_42, %swap3A_43], %swap3A_46 {strides = array<i32>} : memref<64x16xf32, #tpu.memory_space<vmem>>, vector<1x16xf32>,
    %broadcast_in_dim3A_47 = arith.constant 0.000000e+00 : f32
    %broadcast_in_dim3A_48 = vector.broadcast %broadcast_in_dim3A_47 : f32 to vector<16xf32>
    %swap3A_49 = arith.constant 6 : i32
    %swap3A_50 = arith.index_cast %swap3A_49 : i32 to index
    %swap3A_51 = arith.constant 0 : index
    %swap3A_52 = tpu.vector_load %arg9[%swap3A_50, %swap3A_51] {strides = array<i32>} : memref<64x16xf32, #tpu.memory_space<vmem>>, vector<1x16xf32>,
    %swap3A_53 = vector.shape_cast %swap3A_52 : vector<1x16xf32> to vector<16xf32>
    %swap3A_54 = vector.shape_cast %broadcast_in_dim3A_48 : vector<16xf32> to vector<1x16xf32>
    tpu.vector_store %arg9[%swap3A_50, %swap3A_51], %swap3A_54 {strides = array<i32>} : memref<64x16xf32, #tpu.memory_space<vmem>>, vector<1x16xf32>,
    %broadcast_in_dim3A_55 = arith.constant 0.000000e+00 : f32
    %broadcast_in_dim3A_56 = vector.broadcast %broadcast_in_dim3A_55 : f32 to vector<16xf32>
    %swap3A_57 = arith.constant 7 : i32
    %swap3A_58 = arith.index_cast %swap3A_57 : i32 to index
    %swap3A_59 = arith.constant 0 : index
    %swap3A_60 = tpu.vector_load %arg9[%swap3A_58, %swap3A_59] {strides = array<i32>} : memref<64x16xf32, #tpu.memory_space<vmem>>, vector<1x16xf32>,
    %swap3A_61 = vector.shape_cast %swap3A_60 : vector<1x16xf32> to vector<16xf32>
    %swap3A_62 = vector.shape_cast %broadcast_in_dim3A_56 : vector<16xf32> to vector<1x16xf32>
    tpu.vector_store %arg9[%swap3A_58, %swap3A_59], %swap3A_62 {strides = array<i32>} : memref<64x16xf32, #tpu.memory_space<vmem>>, vector<1x16xf32>,
    %broadcast_in_dim3A_63 = arith.constant 0.000000e+00 : f32
    %broadcast_in_dim3A_64 = vector.broadcast %broadcast_in_dim3A_63 : f32 to vector<16xf32>
    %swap3A_65 = arith.constant 8 : i32
    %swap3A_66 = arith.index_cast %swap3A_65 : i32 to index
    %swap3A_67 = arith.constant 0 : index
    %swap3A_68 = tpu.vector_load %arg9[%swap3A_66, %swap3A_67] {strides = array<i32>} : memref<64x16xf32, #tpu.memory_space<vmem>>, vector<1x16xf32>,
    %swap3A_69 = vector.shape_cast %swap3A_68 : vector<1x16xf32> to vector<16xf32>
    %swap3A_70 = vector.shape_cast %broadcast_in_dim3A_64 : vector<16xf32> to vector<1x16xf32>
    tpu.vector_store %arg9[%swap3A_66, %swap3A_67], %swap3A_70 {strides = array<i32>} : memref<64x16xf32, #tpu.memory_space<vmem>>, vector<1x16xf32>,
    %broadcast_in_dim3A_71 = arith.constant 0.000000e+00 : f32
    %broadcast_in_dim3A_72 = vector.broadcast %broadcast_in_dim3A_71 : f32 to vector<16xf32>
    %swap3A_73 = arith.constant 9 : i32
    %swap3A_74 = arith.index_cast %swap3A_73 : i32 to index
    %swap3A_75 = arith.constant 0 : index
    %swap3A_76 = tpu.vector_load %arg9[%swap3A_74, %swap3A_75] {strides = array<i32>} : memref<64x16xf32, #tpu.memory_space<vmem>>, vector<1x16xf32>,
    %swap3A_77 = vector.shape_cast %swap3A_76 : vector<1x16xf32> to vector<16xf32>
    %swap3A_78 = vector.shape_cast %broadcast_in_dim3A_72 : vector<16xf32> to vector<1x16xf32>
    tpu.vector_store %arg9[%swap3A_74, %swap3A_75], %swap3A_78 {strides = array<i32>} : memref<64x16xf32, #tpu.memory_space<vmem>>, vector<1x16xf32>,
    %broadcast_in_dim3A_79 = arith.constant 0.000000e+00 : f32
    %broadcast_in_dim3A_80 = vector.broadcast %broadcast_in_dim3A_79 : f32 to vector<16xf32>
    %swap3A_81 = arith.constant 10 : i32
    %swap3A_82 = arith.index_cast %swap3A_81 : i32 to index
    %swap3A_83 = arith.constant 0 : index
    %swap3A_84 = tpu.vector_load %arg9[%swap3A_82, %swap3A_83] {strides = array<i32>} : memref<64x16xf32, #tpu.memory_space<vmem>>, vector<1x16xf32>,
    %swap3A_85 = vector.shape_cast %swap3A_84 : vector<1x16xf32> to vector<16xf32>
    %swap3A_86 = vector.shape_cast %broadcast_in_dim3A_80 : vector<16xf32> to vector<1x16xf32>
    tpu.vector_store %arg9[%swap3A_82, %swap3A_83], %swap3A_86 {strides = array<i32>} : memref<64x16xf32, #tpu.memory_space<vmem>>, vector<1x16xf32>,
    %broadcast_in_dim3A_87 = arith.constant 0.000000e+00 : f32
    %broadcast_in_dim3A_88 = vector.broadcast %broadcast_in_dim3A_87 : f32 to vector<16xf32>
    %swap3A_89 = arith.constant 11 : i32
    %swap3A_90 = arith.index_cast %swap3A_89 : i32 to index
    %swap3A_91 = arith.constant 0 : index
    %swap3A_92 = tpu.vector_load %arg9[%swap3A_90, %swap3A_91] {strides = array<i32>} : memref<64x16xf32, #tpu.memory_space<vmem>>, vector<1x16xf32>,
    %swap3A_93 = vector.shape_cast %swap3A_92 : vector<1x16xf32> to vector<16xf32>
    %swap3A_94 = vector.shape_cast %broadcast_in_dim3A_88 : vector<16xf32> to vector<1x16xf32>
    tpu.vector_store %arg9[%swap3A_90, %swap3A_91], %swap3A_94 {strides = array<i32>} : memref<64x16xf32, #tpu.memory_space<vmem>>, vector<1x16xf32>,
    %broadcast_in_dim3A_95 = arith.constant 0.000000e+00 : f32
    %broadcast_in_dim3A_96 = vector.broadcast %broadcast_in_dim3A_95 : f32 to vector<16xf32>
    %swap3A_97 = arith.constant 12 : i32
    %swap3A_98 = arith.index_cast %swap3A_97 : i32 to index
    %swap3A_99 = arith.constant 0 : index
    %swap3A_100 = tpu.vector_load %arg9[%swap3A_98, %swap3A_99] {strides = array<i32>} : memref<64x16xf32, #tpu.memory_space<vmem>>, vector<1x16xf32>,
    %swap3A_101 = vector.shape_cast %swap3A_100 : vector<1x16xf32> to vector<16xf32>
    %swap3A_102 = vector.shape_cast %broadcast_in_dim3A_96 : vector<16xf32> to vector<1x16xf32>
    tpu.vector_store %arg9[%swap3A_98, %swap3A_99], %swap3A_102 {strides = array<i32>} : memref<64x16xf32, #tpu.memory_space<vmem>>, vector<1x16xf32>,
    %broadcast_in_dim3A_103 = arith.constant 0.000000e+00 : f32
    %broadcast_in_dim3A_104 = vector.broadcast %broadcast_in_dim3A_103 : f32 to vector<16xf32>
    %swap3A_105 = arith.constant 13 : i32
    %swap3A_106 = arith.index_cast %swap3A_105 : i32 to index
    %swap3A_107 = arith.constant 0 : index
    %swap3A_108 = tpu.vector_load %arg9[%swap3A_106, %swap3A_107] {strides = array<i32>} : memref<64x16xf32, #tpu.memory_space<vmem>>, vector<1x16xf32>,
    %swap3A_109 = vector.shape_cast %swap3A_108 : vector<1x16xf32> to vector<16xf32>
    %swap3A_110 = vector.shape_cast %broadcast_in_dim3A_104 : vector<16xf32> to vector<1x16xf32>
    tpu.vector_store %arg9[%swap3A_106, %swap3A_107], %swap3A_110 {strides = array<i32>} : memref<64x16xf32, #tpu.memory_space<vmem>>, vector<1x16xf32>,
    %broadcast_in_dim3A_111 = arith.constant 0.000000e+00 : f32
    %broadcast_in_dim3A_112 = vector.broadcast %broadcast_in_dim3A_111 : f32 to vector<16xf32>
    %swap3A_113 = arith.constant 14 : i32
    %swap3A_114 = arith.index_cast %swap3A_113 : i32 to index
    %swap3A_115 = arith.constant 0 : index
    %swap3A_116 = tpu.vector_load %arg9[%swap3A_114, %swap3A_115] {strides = array<i32>} : memref<64x16xf32, #tpu.memory_space<vmem>>, vector<1x16xf32>,
    %swap3A_117 = vector.shape_cast %swap3A_116 : vector<1x16xf32> to vector<16xf32>
    %swap3A_118 = vector.shape_cast %broadcast_in_dim3A_112 : vector<16xf32> to vector<1x16xf32>
    tpu.vector_store %arg9[%swap3A_114, %swap3A_115], %swap3A_118 {strides = array<i32>} : memref<64x16xf32, #tpu.memory_space<vmem>>, vector<1x16xf32>,
    %broadcast_in_dim3A_119 = arith.constant 0.000000e+00 : f32
    %broadcast_in_dim3A_120 = vector.broadcast %broadcast_in_dim3A_119 : f32 to vector<16xf32>
    %swap3A_121 = arith.constant 15 : i32
    %swap3A_122 = arith.index_cast %swap3A_121 : i32 to index
    %swap3A_123 = arith.constant 0 : index
    %swap3A_124 = tpu.vector_load %arg9[%swap3A_122, %swap3A_123] {strides = array<i32>} : memref<64x16xf32, #tpu.memory_space<vmem>>, vector<1x16xf32>,
    %swap3A_125 = vector.shape_cast %swap3A_124 : vector<1x16xf32> to vector<16xf32>
    %swap3A_126 = vector.shape_cast %broadcast_in_dim3A_120 : vector<16xf32> to vector<1x16xf32>
    tpu.vector_store %arg9[%swap3A_122, %swap3A_123], %swap3A_126 {strides = array<i32>} : memref<64x16xf32, #tpu.memory_space<vmem>>, vector<1x16xf32>,
    %broadcast_in_dim3A_127 = arith.constant 0.000000e+00 : f32
    %broadcast_in_dim3A_128 = vector.broadcast %broadcast_in_dim3A_127 : f32 to vector<16xf32>
    %swap3A_129 = arith.constant 16 : i32
    %swap3A_130 = arith.index_cast %swap3A_129 : i32 to index
    %swap3A_131 = arith.constant 0 : index
    %swap3A_132 = tpu.vector_load %arg9[%swap3A_130, %swap3A_131] {strides = array<i32>} : memref<64x16xf32, #tpu.memory_space<vmem>>, vector<1x16xf32>,
    %swap3A_133 = vector.shape_cast %swap3A_132 : vector<1x16xf32> to vector<16xf32>
    %swap3A_134 = vector.shape_cast %broadcast_in_dim3A_128 : vector<16xf32> to vector<1x16xf32>
    tpu.vector_store %arg9[%swap3A_130, %swap3A_131], %swap3A_134 {strides = array<i32>} : memref<64x16xf32, #tpu.memory_space<vmem>>, vector<1x16xf32>,
    %broadcast_in_dim3A_135 = arith.constant 0.000000e+00 : f32
    %broadcast_in_dim3A_136 = vector.broadcast %broadcast_in_dim3A_135 : f32 to vector<16xf32>
    %swap3A_137 = arith.constant 17 : i32
    %swap3A_138 = arith.index_cast %swap3A_137 : i32 to index
    %swap3A_139 = arith.constant 0 : index
    %swap3A_140 = tpu.vector_load %arg9[%swap3A_138, %swap3A_139] {strides = array<i32>} : memref<64x16xf32, #tpu.memory_space<vmem>>, vector<1x16xf32>,
    %swap3A_141 = vector.shape_cast %swap3A_140 : vector<1x16xf32> to vector<16xf32>
    %swap3A_142 = vector.shape_cast %broadcast_in_dim3A_136 : vector<16xf32> to vector<1x16xf32>
    tpu.vector_store %arg9[%swap3A_138, %swap3A_139], %swap3A_142 {strides = array<i32>} : memref<64x16xf32, #tpu.memory_space<vmem>>, vector<1x16xf32>,
    %broadcast_in_dim3A_143 = arith.constant 0.000000e+00 : f32
    %broadcast_in_dim3A_144 = vector.broadcast %broadcast_in_dim3A_143 : f32 to vector<16xf32>
    %swap3A_145 = arith.constant 18 : i32
    %swap3A_146 = arith.index_cast %swap3A_145 : i32 to index
    %swap3A_147 = arith.constant 0 : index
    %swap3A_148 = tpu.vector_load %arg9[%swap3A_146, %swap3A_147] {strides = array<i32>} : memref<64x16xf32, #tpu.memory_space<vmem>>, vector<1x16xf32>,
    %swap3A_149 = vector.shape_cast %swap3A_148 : vector<1x16xf32> to vector<16xf32>
    %swap3A_150 = vector.shape_cast %broadcast_in_dim3A_144 : vector<16xf32> to vector<1x16xf32>
    tpu.vector_store %arg9[%swap3A_146, %swap3A_147], %swap3A_150 {strides = array<i32>} : memref<64x16xf32, #tpu.memory_space<vmem>>, vector<1x16xf32>,
    %broadcast_in_dim3A_151 = arith.constant 0.000000e+00 : f32
    %broadcast_in_dim3A_152 = vector.broadcast %broadcast_in_dim3A_151 : f32 to vector<16xf32>
    %swap3A_153 = arith.constant 19 : i32
    %swap3A_154 = arith.index_cast %swap3A_153 : i32 to index
    %swap3A_155 = arith.constant 0 : index
    %swap3A_156 = tpu.vector_load %arg9[%swap3A_154, %swap3A_155] {strides = array<i32>} : memref<64x16xf32, #tpu.memory_space<vmem>>, vector<1x16xf32>,
    %swap3A_157 = vector.shape_cast %swap3A_156 : vector<1x16xf32> to vector<16xf32>
    %swap3A_158 = vector.shape_cast %broadcast_in_dim3A_152 : vector<16xf32> to vector<1x16xf32>
    tpu.vector_store %arg9[%swap3A_154, %swap3A_155], %swap3A_158 {strides = array<i32>} : memref<64x16xf32, #tpu.memory_space<vmem>>, vector<1x16xf32>,
    %broadcast_in_dim3A_159 = arith.constant 0.000000e+00 : f32
    %broadcast_in_dim3A_160 = vector.broadcast %broadcast_in_dim3A_159 : f32 to vector<16xf32>
    %swap3A_161 = arith.constant 20 : i32
    %swap3A_162 = arith.index_cast %swap3A_161 : i32 to index
    %swap3A_163 = arith.constant 0 : index
    %swap3A_164 = tpu.vector_load %arg9[%swap3A_162, %swap3A_163] {strides = array<i32>} : memref<64x16xf32, #tpu.memory_space<vmem>>, vector<1x16xf32>,
    %swap3A_165 = vector.shape_cast %swap3A_164 : vector<1x16xf32> to vector<16xf32>
    %swap3A_166 = vector.shape_cast %broadcast_in_dim3A_160 : vector<16xf32> to vector<1x16xf32>
    tpu.vector_store %arg9[%swap3A_162, %swap3A_163], %swap3A_166 {strides = array<i32>} : memref<64x16xf32, #tpu.memory_space<vmem>>, vector<1x16xf32>,
    %broadcast_in_dim3A_167 = arith.constant 0.000000e+00 : f32
    %broadcast_in_dim3A_168 = vector.broadcast %broadcast_in_dim3A_167 : f32 to vector<16xf32>
    %swap3A_169 = arith.constant 21 : i32
    %swap3A_170 = arith.index_cast %swap3A_169 : i32 to index
    %swap3A_171 = arith.constant 0 : index
    %swap3A_172 = tpu.vector_load %arg9[%swap3A_170, %swap3A_171] {strides = array<i32>} : memref<64x16xf32, #tpu.memory_space<vmem>>, vector<1x16xf32>,
    %swap3A_173 = vector.shape_cast %swap3A_172 : vector<1x16xf32> to vector<16xf32>
    %swap3A_174 = vector.shape_cast %broadcast_in_dim3A_168 : vector<16xf32> to vector<1x16xf32>
    tpu.vector_store %arg9[%swap3A_170, %swap3A_171], %swap3A_174 {strides = array<i32>} : memref<64x16xf32, #tpu.memory_space<vmem>>, vector<1x16xf32>,
    %broadcast_in_dim3A_175 = arith.constant 0.000000e+00 : f32
    %broadcast_in_dim3A_176 = vector.broadcast %broadcast_in_dim3A_175 : f32 to vector<16xf32>
    %swap3A_177 = arith.constant 22 : i32
    %swap3A_178 = arith.index_cast %swap3A_177 : i32 to index
    %swap3A_179 = arith.constant 0 : index
    %swap3A_180 = tpu.vector_load %arg9[%swap3A_178, %swap3A_179] {strides = array<i32>} : memref<64x16xf32, #tpu.memory_space<vmem>>, vector<1x16xf32>,
    %swap3A_181 = vector.shape_cast %swap3A_180 : vector<1x16xf32> to vector<16xf32>
    %swap3A_182 = vector.shape_cast %broadcast_in_dim3A_176 : vector<16xf32> to vector<1x16xf32>
    tpu.vector_store %arg9[%swap3A_178, %swap3A_179], %swap3A_182 {strides = array<i32>} : memref<64x16xf32, #tpu.memory_space<vmem>>, vector<1x16xf32>,
    %broadcast_in_dim3A_183 = arith.constant 0.000000e+00 : f32
    %broadcast_in_dim3A_184 = vector.broadcast %broadcast_in_dim3A_183 : f32 to vector<16xf32>
    %swap3A_185 = arith.constant 23 : i32
    %swap3A_186 = arith.index_cast %swap3A_185 : i32 to index
    %swap3A_187 = arith.constant 0 : index
    %swap3A_188 = tpu.vector_load %arg9[%swap3A_186, %swap3A_187] {strides = array<i32>} : memref<64x16xf32, #tpu.memory_space<vmem>>, vector<1x16xf32>,
    %swap3A_189 = vector.shape_cast %swap3A_188 : vector<1x16xf32> to vector<16xf32>
    %swap3A_190 = vector.shape_cast %broadcast_in_dim3A_184 : vector<16xf32> to vector<1x16xf32>
    tpu.vector_store %arg9[%swap3A_186, %swap3A_187], %swap3A_190 {strides = array<i32>} : memref<64x16xf32, #tpu.memory_space<vmem>>, vector<1x16xf32>,
    %broadcast_in_dim3A_191 = arith.constant 0.000000e+00 : f32
    %broadcast_in_dim3A_192 = vector.broadcast %broadcast_in_dim3A_191 : f32 to vector<16xf32>
    %swap3A_193 = arith.constant 24 : i32
    %swap3A_194 = arith.index_cast %swap3A_193 : i32 to index
    %swap3A_195 = arith.constant 0 : index
    %swap3A_196 = tpu.vector_load %arg9[%swap3A_194, %swap3A_195] {strides = array<i32>} : memref<64x16xf32, #tpu.memory_space<vmem>>, vector<1x16xf32>,
    %swap3A_197 = vector.shape_cast %swap3A_196 : vector<1x16xf32> to vector<16xf32>
    %swap3A_198 = vector.shape_cast %broadcast_in_dim3A_192 : vector<16xf32> to vector<1x16xf32>
    tpu.vector_store %arg9[%swap3A_194, %swap3A_195], %swap3A_198 {strides = array<i32>} : memref<64x16xf32, #tpu.memory_space<vmem>>, vector<1x16xf32>,
    %broadcast_in_dim3A_199 = arith.constant 0.000000e+00 : f32
    %broadcast_in_dim3A_200 = vector.broadcast %broadcast_in_dim3A_199 : f32 to vector<16xf32>
    %swap3A_201 = arith.constant 25 : i32
    %swap3A_202 = arith.index_cast %swap3A_201 : i32 to index
    %swap3A_203 = arith.constant 0 : index
    %swap3A_204 = tpu.vector_load %arg9[%swap3A_202, %swap3A_203] {strides = array<i32>} : memref<64x16xf32, #tpu.memory_space<vmem>>, vector<1x16xf32>,
    %swap3A_205 = vector.shape_cast %swap3A_204 : vector<1x16xf32> to vector<16xf32>
    %swap3A_206 = vector.shape_cast %broadcast_in_dim3A_200 : vector<16xf32> to vector<1x16xf32>
    tpu.vector_store %arg9[%swap3A_202, %swap3A_203], %swap3A_206 {strides = array<i32>} : memref<64x16xf32, #tpu.memory_space<vmem>>, vector<1x16xf32>,
    %broadcast_in_dim3A_207 = arith.constant 0.000000e+00 : f32
    %broadcast_in_dim3A_208 = vector.broadcast %broadcast_in_dim3A_207 : f32 to vector<16xf32>
    %swap3A_209 = arith.constant 26 : i32
    %swap3A_210 = arith.index_cast %swap3A_209 : i32 to index
    %swap3A_211 = arith.constant 0 : index
    %swap3A_212 = tpu.vector_load %arg9[%swap3A_210, %swap3A_211] {strides = array<i32>} : memref<64x16xf32, #tpu.memory_space<vmem>>, vector<1x16xf32>,
    %swap3A_213 = vector.shape_cast %swap3A_212 : vector<1x16xf32> to vector<16xf32>
    %swap3A_214 = vector.shape_cast %broadcast_in_dim3A_208 : vector<16xf32> to vector<1x16xf32>
    tpu.vector_store %arg9[%swap3A_210, %swap3A_211], %swap3A_214 {strides = array<i32>} : memref<64x16xf32, #tpu.memory_space<vmem>>, vector<1x16xf32>,
    %broadcast_in_dim3A_215 = arith.constant 0.000000e+00 : f32
    %broadcast_in_dim3A_216 = vector.broadcast %broadcast_in_dim3A_215 : f32 to vector<16xf32>
    %swap3A_217 = arith.constant 27 : i32
    %swap3A_218 = arith.index_cast %swap3A_217 : i32 to index
    %swap3A_219 = arith.constant 0 : index
    %swap3A_220 = tpu.vector_load %arg9[%swap3A_218, %swap3A_219] {strides = array<i32>} : memref<64x16xf32, #tpu.memory_space<vmem>>, vector<1x16xf32>,
    %swap3A_221 = vector.shape_cast %swap3A_220 : vector<1x16xf32> to vector<16xf32>
    %swap3A_222 = vector.shape_cast %broadcast_in_dim3A_216 : vector<16xf32> to vector<1x16xf32>
    tpu.vector_store %arg9[%swap3A_218, %swap3A_219], %swap3A_222 {strides = array<i32>} : memref<64x16xf32, #tpu.memory_space<vmem>>, vector<1x16xf32>,
    %broadcast_in_dim3A_223 = arith.constant 0.000000e+00 : f32
    %broadcast_in_dim3A_224 = vector.broadcast %broadcast_in_dim3A_223 : f32 to vector<16xf32>
    %swap3A_225 = arith.constant 28 : i32
    %swap3A_226 = arith.index_cast %swap3A_225 : i32 to index
    %swap3A_227 = arith.constant 0 : index
    %swap3A_228 = tpu.vector_load %arg9[%swap3A_226, %swap3A_227] {strides = array<i32>} : memref<64x16xf32, #tpu.memory_space<vmem>>, vector<1x16xf32>,
    %swap3A_229 = vector.shape_cast %swap3A_228 : vector<1x16xf32> to vector<16xf32>
    %swap3A_230 = vector.shape_cast %broadcast_in_dim3A_224 : vector<16xf32> to vector<1x16xf32>
    tpu.vector_store %arg9[%swap3A_226, %swap3A_227], %swap3A_230 {strides = array<i32>} : memref<64x16xf32, #tpu.memory_space<vmem>>, vector<1x16xf32>,
    %broadcast_in_dim3A_231 = arith.constant 0.000000e+00 : f32
    %broadcast_in_dim3A_232 = vector.broadcast %broadcast_in_dim3A_231 : f32 to vector<16xf32>
    %swap3A_233 = arith.constant 29 : i32
    %swap3A_234 = arith.index_cast %swap3A_233 : i32 to index
    %swap3A_235 = arith.constant 0 : index
    %swap3A_236 = tpu.vector_load %arg9[%swap3A_234, %swap3A_235] {strides = array<i32>} : memref<64x16xf32, #tpu.memory_space<vmem>>, vector<1x16xf32>,
    %swap3A_237 = vector.shape_cast %swap3A_236 : vector<1x16xf32> to vector<16xf32>
    %swap3A_238 = vector.shape_cast %broadcast_in_dim3A_232 : vector<16xf32> to vector<1x16xf32>
    tpu.vector_store %arg9[%swap3A_234, %swap3A_235], %swap3A_238 {strides = array<i32>} : memref<64x16xf32, #tpu.memory_space<vmem>>, vector<1x16xf32>,
    %broadcast_in_dim3A_239 = arith.constant 0.000000e+00 : f32
    %broadcast_in_dim3A_240 = vector.broadcast %broadcast_in_dim3A_239 : f32 to vector<16xf32>
    %swap3A_241 = arith.constant 30 : i32
    %swap3A_242 = arith.index_cast %swap3A_241 : i32 to index
    %swap3A_243 = arith.constant 0 : index
    %swap3A_244 = tpu.vector_load %arg9[%swap3A_242, %swap3A_243] {strides = array<i32>} : memref<64x16xf32, #tpu.memory_space<vmem>>, vector<1x16xf32>,
    %swap3A_245 = vector.shape_cast %swap3A_244 : vector<1x16xf32> to vector<16xf32>
    %swap3A_246 = vector.shape_cast %broadcast_in_dim3A_240 : vector<16xf32> to vector<1x16xf32>
    tpu.vector_store %arg9[%swap3A_242, %swap3A_243], %swap3A_246 {strides = array<i32>} : memref<64x16xf32, #tpu.memory_space<vmem>>, vector<1x16xf32>,
    %broadcast_in_dim3A_247 = arith.constant 0.000000e+00 : f32
    %broadcast_in_dim3A_248 = vector.broadcast %broadcast_in_dim3A_247 : f32 to vector<16xf32>
    %swap3A_249 = arith.constant 31 : i32
    %swap3A_250 = arith.index_cast %swap3A_249 : i32 to index
    %swap3A_251 = arith.constant 0 : index
    %swap3A_252 = tpu.vector_load %arg9[%swap3A_250, %swap3A_251] {strides = array<i32>} : memref<64x16xf32, #tpu.memory_space<vmem>>, vector<1x16xf32>,
    %swap3A_253 = vector.shape_cast %swap3A_252 : vector<1x16xf32> to vector<16xf32>
    %swap3A_254 = vector.shape_cast %broadcast_in_dim3A_248 : vector<16xf32> to vector<1x16xf32>
    tpu.vector_store %arg9[%swap3A_250, %swap3A_251], %swap3A_254 {strides = array<i32>} : memref<64x16xf32, #tpu.memory_space<vmem>>, vector<1x16xf32>,
    %broadcast_in_dim3A_255 = arith.constant 0.000000e+00 : f32
    %broadcast_in_dim3A_256 = vector.broadcast %broadcast_in_dim3A_255 : f32 to vector<16xf32>
    %swap3A_257 = arith.constant 32 : i32
    %swap3A_258 = arith.index_cast %swap3A_257 : i32 to index
    %swap3A_259 = arith.constant 0 : index
    %swap3A_260 = tpu.vector_load %arg9[%swap3A_258, %swap3A_259] {strides = array<i32>} : memref<64x16xf32, #tpu.memory_space<vmem>>, vector<1x16xf32>,
    %swap3A_261 = vector.shape_cast %swap3A_260 : vector<1x16xf32> to vector<16xf32>
    %swap3A_262 = vector.shape_cast %broadcast_in_dim3A_256 : vector<16xf32> to vector<1x16xf32>
    tpu.vector_store %arg9[%swap3A_258, %swap3A_259], %swap3A_262 {strides = array<i32>} : memref<64x16xf32, #tpu.memory_space<vmem>>, vector<1x16xf32>,
    %broadcast_in_dim3A_263 = arith.constant 0.000000e+00 : f32
    %broadcast_in_dim3A_264 = vector.broadcast %broadcast_in_dim3A_263 : f32 to vector<16xf32>
    %swap3A_265 = arith.constant 33 : i32
    %swap3A_266 = arith.index_cast %swap3A_265 : i32 to index
    %swap3A_267 = arith.constant 0 : index
    %swap3A_268 = tpu.vector_load %arg9[%swap3A_266, %swap3A_267] {strides = array<i32>} : memref<64x16xf32, #tpu.memory_space<vmem>>, vector<1x16xf32>,
    %swap3A_269 = vector.shape_cast %swap3A_268 : vector<1x16xf32> to vector<16xf32>
    %swap3A_270 = vector.shape_cast %broadcast_in_dim3A_264 : vector<16xf32> to vector<1x16xf32>
    tpu.vector_store %arg9[%swap3A_266, %swap3A_267], %swap3A_270 {strides = array<i32>} : memref<64x16xf32, #tpu.memory_space<vmem>>, vector<1x16xf32>,
    %broadcast_in_dim3A_271 = arith.constant 0.000000e+00 : f32
    %broadcast_in_dim3A_272 = vector.broadcast %broadcast_in_dim3A_271 : f32 to vector<16xf32>
    %swap3A_273 = arith.constant 34 : i32
    %swap3A_274 = arith.index_cast %swap3A_273 : i32 to index
    %swap3A_275 = arith.constant 0 : index
    %swap3A_276 = tpu.vector_load %arg9[%swap3A_274, %swap3A_275] {strides = array<i32>} : memref<64x16xf32, #tpu.memory_space<vmem>>, vector<1x16xf32>,
    %swap3A_277 = vector.shape_cast %swap3A_276 : vector<1x16xf32> to vector<16xf32>
    %swap3A_278 = vector.shape_cast %broadcast_in_dim3A_272 : vector<16xf32> to vector<1x16xf32>
    tpu.vector_store %arg9[%swap3A_274, %swap3A_275], %swap3A_278 {strides = array<i32>} : memref<64x16xf32, #tpu.memory_space<vmem>>, vector<1x16xf32>,
    %broadcast_in_dim3A_279 = arith.constant 0.000000e+00 : f32
    %broadcast_in_dim3A_280 = vector.broadcast %broadcast_in_dim3A_279 : f32 to vector<16xf32>
    %swap3A_281 = arith.constant 35 : i32
    %swap3A_282 = arith.index_cast %swap3A_281 : i32 to index
    %swap3A_283 = arith.constant 0 : index
    %swap3A_284 = tpu.vector_load %arg9[%swap3A_282, %swap3A_283] {strides = array<i32>} : memref<64x16xf32, #tpu.memory_space<vmem>>, vector<1x16xf32>,
    %swap3A_285 = vector.shape_cast %swap3A_284 : vector<1x16xf32> to vector<16xf32>
    %swap3A_286 = vector.shape_cast %broadcast_in_dim3A_280 : vector<16xf32> to vector<1x16xf32>
    tpu.vector_store %arg9[%swap3A_282, %swap3A_283], %swap3A_286 {strides = array<i32>} : memref<64x16xf32, #tpu.memory_space<vmem>>, vector<1x16xf32>,
    %broadcast_in_dim3A_287 = arith.constant 0.000000e+00 : f32
    %broadcast_in_dim3A_288 = vector.broadcast %broadcast_in_dim3A_287 : f32 to vector<16xf32>
    %swap3A_289 = arith.constant 36 : i32
    %swap3A_290 = arith.index_cast %swap3A_289 : i32 to index
    %swap3A_291 = arith.constant 0 : index
    %swap3A_292 = tpu.vector_load %arg9[%swap3A_290, %swap3A_291] {strides = array<i32>} : memref<64x16xf32, #tpu.memory_space<vmem>>, vector<1x16xf32>,
    %swap3A_293 = vector.shape_cast %swap3A_292 : vector<1x16xf32> to vector<16xf32>
    %swap3A_294 = vector.shape_cast %broadcast_in_dim3A_288 : vector<16xf32> to vector<1x16xf32>
    tpu.vector_store %arg9[%swap3A_290, %swap3A_291], %swap3A_294 {strides = array<i32>} : memref<64x16xf32, #tpu.memory_space<vmem>>, vector<1x16xf32>,
    %broadcast_in_dim3A_295 = arith.constant 0.000000e+00 : f32
    %broadcast_in_dim3A_296 = vector.broadcast %broadcast_in_dim3A_295 : f32 to vector<16xf32>
    %swap3A_297 = arith.constant 37 : i32
    %swap3A_298 = arith.index_cast %swap3A_297 : i32 to index
    %swap3A_299 = arith.constant 0 : index
    %swap3A_300 = tpu.vector_load %arg9[%swap3A_298, %swap3A_299] {strides = array<i32>} : memref<64x16xf32, #tpu.memory_space<vmem>>, vector<1x16xf32>,
    %swap3A_301 = vector.shape_cast %swap3A_300 : vector<1x16xf32> to vector<16xf32>
    %swap3A_302 = vector.shape_cast %broadcast_in_dim3A_296 : vector<16xf32> to vector<1x16xf32>
    tpu.vector_store %arg9[%swap3A_298, %swap3A_299], %swap3A_302 {strides = array<i32>} : memref<64x16xf32, #tpu.memory_space<vmem>>, vector<1x16xf32>,
    %broadcast_in_dim3A_303 = arith.constant 0.000000e+00 : f32
    %broadcast_in_dim3A_304 = vector.broadcast %broadcast_in_dim3A_303 : f32 to vector<16xf32>
    %swap3A_305 = arith.constant 38 : i32
    %swap3A_306 = arith.index_cast %swap3A_305 : i32 to index
    %swap3A_307 = arith.constant 0 : index
    %swap3A_308 = tpu.vector_load %arg9[%swap3A_306, %swap3A_307] {strides = array<i32>} : memref<64x16xf32, #tpu.memory_space<vmem>>, vector<1x16xf32>,
    %swap3A_309 = vector.shape_cast %swap3A_308 : vector<1x16xf32> to vector<16xf32>
    %swap3A_310 = vector.shape_cast %broadcast_in_dim3A_304 : vector<16xf32> to vector<1x16xf32>
    tpu.vector_store %arg9[%swap3A_306, %swap3A_307], %swap3A_310 {strides = array<i32>} : memref<64x16xf32, #tpu.memory_space<vmem>>, vector<1x16xf32>,
    %broadcast_in_dim3A_311 = arith.constant 0.000000e+00 : f32
    %broadcast_in_dim3A_312 = vector.broadcast %broadcast_in_dim3A_311 : f32 to vector<16xf32>
    %swap3A_313 = arith.constant 39 : i32
    %swap3A_314 = arith.index_cast %swap3A_313 : i32 to index
    %swap3A_315 = arith.constant 0 : index
    %swap3A_316 = tpu.vector_load %arg9[%swap3A_314, %swap3A_315] {strides = array<i32>} : memref<64x16xf32, #tpu.memory_space<vmem>>, vector<1x16xf32>,
    %swap3A_317 = vector.shape_cast %swap3A_316 : vector<1x16xf32> to vector<16xf32>
    %swap3A_318 = vector.shape_cast %broadcast_in_dim3A_312 : vector<16xf32> to vector<1x16xf32>
    tpu.vector_store %arg9[%swap3A_314, %swap3A_315], %swap3A_318 {strides = array<i32>} : memref<64x16xf32, #tpu.memory_space<vmem>>, vector<1x16xf32>,
    %broadcast_in_dim3A_319 = arith.constant 0.000000e+00 : f32
    %broadcast_in_dim3A_320 = vector.broadcast %broadcast_in_dim3A_319 : f32 to vector<16xf32>
    %swap3A_321 = arith.constant 40 : i32
    %swap3A_322 = arith.index_cast %swap3A_321 : i32 to index
    %swap3A_323 = arith.constant 0 : index
    %swap3A_324 = tpu.vector_load %arg9[%swap3A_322, %swap3A_323] {strides = array<i32>} : memref<64x16xf32, #tpu.memory_space<vmem>>, vector<1x16xf32>,
    %swap3A_325 = vector.shape_cast %swap3A_324 : vector<1x16xf32> to vector<16xf32>
    %swap3A_326 = vector.shape_cast %broadcast_in_dim3A_320 : vector<16xf32> to vector<1x16xf32>
    tpu.vector_store %arg9[%swap3A_322, %swap3A_323], %swap3A_326 {strides = array<i32>} : memref<64x16xf32, #tpu.memory_space<vmem>>, vector<1x16xf32>,
    %broadcast_in_dim3A_327 = arith.constant 0.000000e+00 : f32
    %broadcast_in_dim3A_328 = vector.broadcast %broadcast_in_dim3A_327 : f32 to vector<16xf32>
    %swap3A_329 = arith.constant 41 : i32
    %swap3A_330 = arith.index_cast %swap3A_329 : i32 to index
    %swap3A_331 = arith.constant 0 : index
    %swap3A_332 = tpu.vector_load %arg9[%swap3A_330, %swap3A_331] {strides = array<i32>} : memref<64x16xf32, #tpu.memory_space<vmem>>, vector<1x16xf32>,
    %swap3A_333 = vector.shape_cast %swap3A_332 : vector<1x16xf32> to vector<16xf32>
    %swap3A_334 = vector.shape_cast %broadcast_in_dim3A_328 : vector<16xf32> to vector<1x16xf32>
    tpu.vector_store %arg9[%swap3A_330, %swap3A_331], %swap3A_334 {strides = array<i32>} : memref<64x16xf32, #tpu.memory_space<vmem>>, vector<1x16xf32>,
    %broadcast_in_dim3A_335 = arith.constant 0.000000e+00 : f32
    %broadcast_in_dim3A_336 = vector.broadcast %broadcast_in_dim3A_335 : f32 to vector<16xf32>
    %swap3A_337 = arith.constant 42 : i32
    %swap3A_338 = arith.index_cast %swap3A_337 : i32 to index
    %swap3A_339 = arith.constant 0 : index
    %swap3A_340 = tpu.vector_load %arg9[%swap3A_338, %swap3A_339] {strides = array<i32>} : memref<64x16xf32, #tpu.memory_space<vmem>>, vector<1x16xf32>,
    %swap3A_341 = vector.shape_cast %swap3A_340 : vector<1x16xf32> to vector<16xf32>
    %swap3A_342 = vector.shape_cast %broadcast_in_dim3A_336 : vector<16xf32> to vector<1x16xf32>
    tpu.vector_store %arg9[%swap3A_338, %swap3A_339], %swap3A_342 {strides = array<i32>} : memref<64x16xf32, #tpu.memory_space<vmem>>, vector<1x16xf32>,
    %broadcast_in_dim3A_343 = arith.constant 0.000000e+00 : f32
    %broadcast_in_dim3A_344 = vector.broadcast %broadcast_in_dim3A_343 : f32 to vector<16xf32>
    %swap3A_345 = arith.constant 43 : i32
    %swap3A_346 = arith.index_cast %swap3A_345 : i32 to index
    %swap3A_347 = arith.constant 0 : index
    %swap3A_348 = tpu.vector_load %arg9[%swap3A_346, %swap3A_347] {strides = array<i32>} : memref<64x16xf32, #tpu.memory_space<vmem>>, vector<1x16xf32>,
    %swap3A_349 = vector.shape_cast %swap3A_348 : vector<1x16xf32> to vector<16xf32>
    %swap3A_350 = vector.shape_cast %broadcast_in_dim3A_344 : vector<16xf32> to vector<1x16xf32>
    tpu.vector_store %arg9[%swap3A_346, %swap3A_347], %swap3A_350 {strides = array<i32>} : memref<64x16xf32, #tpu.memory_space<vmem>>, vector<1x16xf32>,
    %broadcast_in_dim3A_351 = arith.constant 0.000000e+00 : f32
    %broadcast_in_dim3A_352 = vector.broadcast %broadcast_in_dim3A_351 : f32 to vector<16xf32>
    %swap3A_353 = arith.constant 44 : i32
    %swap3A_354 = arith.index_cast %swap3A_353 : i32 to index
    %swap3A_355 = arith.constant 0 : index
    %swap3A_356 = tpu.vector_load %arg9[%swap3A_354, %swap3A_355] {strides = array<i32>} : memref<64x16xf32, #tpu.memory_space<vmem>>, vector<1x16xf32>,
    %swap3A_357 = vector.shape_cast %swap3A_356 : vector<1x16xf32> to vector<16xf32>
    %swap3A_358 = vector.shape_cast %broadcast_in_dim3A_352 : vector<16xf32> to vector<1x16xf32>
    tpu.vector_store %arg9[%swap3A_354, %swap3A_355], %swap3A_358 {strides = array<i32>} : memref<64x16xf32, #tpu.memory_space<vmem>>, vector<1x16xf32>,
    %broadcast_in_dim3A_359 = arith.constant 0.000000e+00 : f32
    %broadcast_in_dim3A_360 = vector.broadcast %broadcast_in_dim3A_359 : f32 to vector<16xf32>
    %swap3A_361 = arith.constant 45 : i32
    %swap3A_362 = arith.index_cast %swap3A_361 : i32 to index
    %swap3A_363 = arith.constant 0 : index
    %swap3A_364 = tpu.vector_load %arg9[%swap3A_362, %swap3A_363] {strides = array<i32>} : memref<64x16xf32, #tpu.memory_space<vmem>>, vector<1x16xf32>,
    %swap3A_365 = vector.shape_cast %swap3A_364 : vector<1x16xf32> to vector<16xf32>
    %swap3A_366 = vector.shape_cast %broadcast_in_dim3A_360 : vector<16xf32> to vector<1x16xf32>
    tpu.vector_store %arg9[%swap3A_362, %swap3A_363], %swap3A_366 {strides = array<i32>} : memref<64x16xf32, #tpu.memory_space<vmem>>, vector<1x16xf32>,
    %broadcast_in_dim3A_367 = arith.constant 0.000000e+00 : f32
    %broadcast_in_dim3A_368 = vector.broadcast %broadcast_in_dim3A_367 : f32 to vector<16xf32>
    %swap3A_369 = arith.constant 46 : i32
    %swap3A_370 = arith.index_cast %swap3A_369 : i32 to index
    %swap3A_371 = arith.constant 0 : index
    %swap3A_372 = tpu.vector_load %arg9[%swap3A_370, %swap3A_371] {strides = array<i32>} : memref<64x16xf32, #tpu.memory_space<vmem>>, vector<1x16xf32>,
    %swap3A_373 = vector.shape_cast %swap3A_372 : vector<1x16xf32> to vector<16xf32>
    %swap3A_374 = vector.shape_cast %broadcast_in_dim3A_368 : vector<16xf32> to vector<1x16xf32>
    tpu.vector_store %arg9[%swap3A_370, %swap3A_371], %swap3A_374 {strides = array<i32>} : memref<64x16xf32, #tpu.memory_space<vmem>>, vector<1x16xf32>,
    %broadcast_in_dim3A_375 = arith.constant 0.000000e+00 : f32
    %broadcast_in_dim3A_376 = vector.broadcast %broadcast_in_dim3A_375 : f32 to vector<16xf32>
    %swap3A_377 = arith.constant 47 : i32
    %swap3A_378 = arith.index_cast %swap3A_377 : i32 to index
    %swap3A_379 = arith.constant 0 : index
    %swap3A_380 = tpu.vector_load %arg9[%swap3A_378, %swap3A_379] {strides = array<i32>} : memref<64x16xf32, #tpu.memory_space<vmem>>, vector<1x16xf32>,
    %swap3A_381 = vector.shape_cast %swap3A_380 : vector<1x16xf32> to vector<16xf32>
    %swap3A_382 = vector.shape_cast %broadcast_in_dim3A_376 : vector<16xf32> to vector<1x16xf32>
    tpu.vector_store %arg9[%swap3A_378, %swap3A_379], %swap3A_382 {strides = array<i32>} : memref<64x16xf32, #tpu.memory_space<vmem>>, vector<1x16xf32>,
    %broadcast_in_dim3A_383 = arith.constant 0.000000e+00 : f32
    %broadcast_in_dim3A_384 = vector.broadcast %broadcast_in_dim3A_383 : f32 to vector<16xf32>
    %swap3A_385 = arith.constant 48 : i32
    %swap3A_386 = arith.index_cast %swap3A_385 : i32 to index
    %swap3A_387 = arith.constant 0 : index
    %swap3A_388 = tpu.vector_load %arg9[%swap3A_386, %swap3A_387] {strides = array<i32>} : memref<64x16xf32, #tpu.memory_space<vmem>>, vector<1x16xf32>,
    %swap3A_389 = vector.shape_cast %swap3A_388 : vector<1x16xf32> to vector<16xf32>
    %swap3A_390 = vector.shape_cast %broadcast_in_dim3A_384 : vector<16xf32> to vector<1x16xf32>
    tpu.vector_store %arg9[%swap3A_386, %swap3A_387], %swap3A_390 {strides = array<i32>} : memref<64x16xf32, #tpu.memory_space<vmem>>, vector<1x16xf32>,
    %broadcast_in_dim3A_391 = arith.constant 0.000000e+00 : f32
    %broadcast_in_dim3A_392 = vector.broadcast %broadcast_in_dim3A_391 : f32 to vector<16xf32>
    %swap3A_393 = arith.constant 49 : i32
    %swap3A_394 = arith.index_cast %swap3A_393 : i32 to index
    %swap3A_395 = arith.constant 0 : index
    %swap3A_396 = tpu.vector_load %arg9[%swap3A_394, %swap3A_395] {strides = array<i32>} : memref<64x16xf32, #tpu.memory_space<vmem>>, vector<1x16xf32>,
    %swap3A_397 = vector.shape_cast %swap3A_396 : vector<1x16xf32> to vector<16xf32>
    %swap3A_398 = vector.shape_cast %broadcast_in_dim3A_392 : vector<16xf32> to vector<1x16xf32>
    tpu.vector_store %arg9[%swap3A_394, %swap3A_395], %swap3A_398 {strides = array<i32>} : memref<64x16xf32, #tpu.memory_space<vmem>>, vector<1x16xf32>,
    %broadcast_in_dim3A_399 = arith.constant 0.000000e+00 : f32
    %broadcast_in_dim3A_400 = vector.broadcast %broadcast_in_dim3A_399 : f32 to vector<16xf32>
    %swap3A_401 = arith.constant 50 : i32
    %swap3A_402 = arith.index_cast %swap3A_401 : i32 to index
    %swap3A_403 = arith.constant 0 : index
    %swap3A_404 = tpu.vector_load %arg9[%swap3A_402, %swap3A_403] {strides = array<i32>} : memref<64x16xf32, #tpu.memory_space<vmem>>, vector<1x16xf32>,
    %swap3A_405 = vector.shape_cast %swap3A_404 : vector<1x16xf32> to vector<16xf32>
    %swap3A_406 = vector.shape_cast %broadcast_in_dim3A_400 : vector<16xf32> to vector<1x16xf32>
    tpu.vector_store %arg9[%swap3A_402, %swap3A_403], %swap3A_406 {strides = array<i32>} : memref<64x16xf32, #tpu.memory_space<vmem>>, vector<1x16xf32>,
    %broadcast_in_dim3A_407 = arith.constant 0.000000e+00 : f32
    %broadcast_in_dim3A_408 = vector.broadcast %broadcast_in_dim3A_407 : f32 to vector<16xf32>
    %swap3A_409 = arith.constant 51 : i32
    %swap3A_410 = arith.index_cast %swap3A_409 : i32 to index
    %swap3A_411 = arith.constant 0 : index
    %swap3A_412 = tpu.vector_load %arg9[%swap3A_410, %swap3A_411] {strides = array<i32>} : memref<64x16xf32, #tpu.memory_space<vmem>>, vector<1x16xf32>,
    %swap3A_413 = vector.shape_cast %swap3A_412 : vector<1x16xf32> to vector<16xf32>
    %swap3A_414 = vector.shape_cast %broadcast_in_dim3A_408 : vector<16xf32> to vector<1x16xf32>
    tpu.vector_store %arg9[%swap3A_410, %swap3A_411], %swap3A_414 {strides = array<i32>} : memref<64x16xf32, #tpu.memory_space<vmem>>, vector<1x16xf32>,
    %broadcast_in_dim3A_415 = arith.constant 0.000000e+00 : f32
    %broadcast_in_dim3A_416 = vector.broadcast %broadcast_in_dim3A_415 : f32 to vector<16xf32>
    %swap3A_417 = arith.constant 52 : i32
    %swap3A_418 = arith.index_cast %swap3A_417 : i32 to index
    %swap3A_419 = arith.constant 0 : index
    %swap3A_420 = tpu.vector_load %arg9[%swap3A_418, %swap3A_419] {strides = array<i32>} : memref<64x16xf32, #tpu.memory_space<vmem>>, vector<1x16xf32>,
    %swap3A_421 = vector.shape_cast %swap3A_420 : vector<1x16xf32> to vector<16xf32>
    %swap3A_422 = vector.shape_cast %broadcast_in_dim3A_416 : vector<16xf32> to vector<1x16xf32>
    tpu.vector_store %arg9[%swap3A_418, %swap3A_419], %swap3A_422 {strides = array<i32>} : memref<64x16xf32, #tpu.memory_space<vmem>>, vector<1x16xf32>,
    %broadcast_in_dim3A_423 = arith.constant 0.000000e+00 : f32
    %broadcast_in_dim3A_424 = vector.broadcast %broadcast_in_dim3A_423 : f32 to vector<16xf32>
    %swap3A_425 = arith.constant 53 : i32
    %swap3A_426 = arith.index_cast %swap3A_425 : i32 to index
    %swap3A_427 = arith.constant 0 : index
    %swap3A_428 = tpu.vector_load %arg9[%swap3A_426, %swap3A_427] {strides = array<i32>} : memref<64x16xf32, #tpu.memory_space<vmem>>, vector<1x16xf32>,
    %swap3A_429 = vector.shape_cast %swap3A_428 : vector<1x16xf32> to vector<16xf32>
    %swap3A_430 = vector.shape_cast %broadcast_in_dim3A_424 : vector<16xf32> to vector<1x16xf32>
    tpu.vector_store %arg9[%swap3A_426, %swap3A_427], %swap3A_430 {strides = array<i32>} : memref<64x16xf32, #tpu.memory_space<vmem>>, vector<1x16xf32>,
    %broadcast_in_dim3A_431 = arith.constant 0.000000e+00 : f32
    %broadcast_in_dim3A_432 = vector.broadcast %broadcast_in_dim3A_431 : f32 to vector<16xf32>
    %swap3A_433 = arith.constant 54 : i32
    %swap3A_434 = arith.index_cast %swap3A_433 : i32 to index
    %swap3A_435 = arith.constant 0 : index
    %swap3A_436 = tpu.vector_load %arg9[%swap3A_434, %swap3A_435] {strides = array<i32>} : memref<64x16xf32, #tpu.memory_space<vmem>>, vector<1x16xf32>,
    %swap3A_437 = vector.shape_cast %swap3A_436 : vector<1x16xf32> to vector<16xf32>
    %swap3A_438 = vector.shape_cast %broadcast_in_dim3A_432 : vector<16xf32> to vector<1x16xf32>
    tpu.vector_store %arg9[%swap3A_434, %swap3A_435], %swap3A_438 {strides = array<i32>} : memref<64x16xf32, #tpu.memory_space<vmem>>, vector<1x16xf32>,
    %broadcast_in_dim3A_439 = arith.constant 0.000000e+00 : f32
    %broadcast_in_dim3A_440 = vector.broadcast %broadcast_in_dim3A_439 : f32 to vector<16xf32>
    %swap3A_441 = arith.constant 55 : i32
    %swap3A_442 = arith.index_cast %swap3A_441 : i32 to index
    %swap3A_443 = arith.constant 0 : index
    %swap3A_444 = tpu.vector_load %arg9[%swap3A_442, %swap3A_443] {strides = array<i32>} : memref<64x16xf32, #tpu.memory_space<vmem>>, vector<1x16xf32>,
    %swap3A_445 = vector.shape_cast %swap3A_444 : vector<1x16xf32> to vector<16xf32>
    %swap3A_446 = vector.shape_cast %broadcast_in_dim3A_440 : vector<16xf32> to vector<1x16xf32>
    tpu.vector_store %arg9[%swap3A_442, %swap3A_443], %swap3A_446 {strides = array<i32>} : memref<64x16xf32, #tpu.memory_space<vmem>>, vector<1x16xf32>,
    %broadcast_in_dim3A_447 = arith.constant 0.000000e+00 : f32
    %broadcast_in_dim3A_448 = vector.broadcast %broadcast_in_dim3A_447 : f32 to vector<16xf32>
    %swap3A_449 = arith.constant 56 : i32
    %swap3A_450 = arith.index_cast %swap3A_449 : i32 to index
    %swap3A_451 = arith.constant 0 : index
    %swap3A_452 = tpu.vector_load %arg9[%swap3A_450, %swap3A_451] {strides = array<i32>} : memref<64x16xf32, #tpu.memory_space<vmem>>, vector<1x16xf32>,
    %swap3A_453 = vector.shape_cast %swap3A_452 : vector<1x16xf32> to vector<16xf32>
    %swap3A_454 = vector.shape_cast %broadcast_in_dim3A_448 : vector<16xf32> to vector<1x16xf32>
    tpu.vector_store %arg9[%swap3A_450, %swap3A_451], %swap3A_454 {strides = array<i32>} : memref<64x16xf32, #tpu.memory_space<vmem>>, vector<1x16xf32>,
    %broadcast_in_dim3A_455 = arith.constant 0.000000e+00 : f32
    %broadcast_in_dim3A_456 = vector.broadcast %broadcast_in_dim3A_455 : f32 to vector<16xf32>
    %swap3A_457 = arith.constant 57 : i32
    %swap3A_458 = arith.index_cast %swap3A_457 : i32 to index
    %swap3A_459 = arith.constant 0 : index
    %swap3A_460 = tpu.vector_load %arg9[%swap3A_458, %swap3A_459] {strides = array<i32>} : memref<64x16xf32, #tpu.memory_space<vmem>>, vector<1x16xf32>,
    %swap3A_461 = vector.shape_cast %swap3A_460 : vector<1x16xf32> to vector<16xf32>
    %swap3A_462 = vector.shape_cast %broadcast_in_dim3A_456 : vector<16xf32> to vector<1x16xf32>
    tpu.vector_store %arg9[%swap3A_458, %swap3A_459], %swap3A_462 {strides = array<i32>} : memref<64x16xf32, #tpu.memory_space<vmem>>, vector<1x16xf32>,
    %broadcast_in_dim3A_463 = arith.constant 0.000000e+00 : f32
    %broadcast_in_dim3A_464 = vector.broadcast %broadcast_in_dim3A_463 : f32 to vector<16xf32>
    %swap3A_465 = arith.constant 58 : i32
    %swap3A_466 = arith.index_cast %swap3A_465 : i32 to index
    %swap3A_467 = arith.constant 0 : index
    %swap3A_468 = tpu.vector_load %arg9[%swap3A_466, %swap3A_467] {strides = array<i32>} : memref<64x16xf32, #tpu.memory_space<vmem>>, vector<1x16xf32>,
    %swap3A_469 = vector.shape_cast %swap3A_468 : vector<1x16xf32> to vector<16xf32>
    %swap3A_470 = vector.shape_cast %broadcast_in_dim3A_464 : vector<16xf32> to vector<1x16xf32>
    tpu.vector_store %arg9[%swap3A_466, %swap3A_467], %swap3A_470 {strides = array<i32>} : memref<64x16xf32, #tpu.memory_space<vmem>>, vector<1x16xf32>,
    %broadcast_in_dim3A_471 = arith.constant 0.000000e+00 : f32
    %broadcast_in_dim3A_472 = vector.broadcast %broadcast_in_dim3A_471 : f32 to vector<16xf32>
    %swap3A_473 = arith.constant 59 : i32
    %swap3A_474 = arith.index_cast %swap3A_473 : i32 to index
    %swap3A_475 = arith.constant 0 : index
    %swap3A_476 = tpu.vector_load %arg9[%swap3A_474, %swap3A_475] {strides = array<i32>} : memref<64x16xf32, #tpu.memory_space<vmem>>, vector<1x16xf32>,
    %swap3A_477 = vector.shape_cast %swap3A_476 : vector<1x16xf32> to vector<16xf32>
    %swap3A_478 = vector.shape_cast %broadcast_in_dim3A_472 : vector<16xf32> to vector<1x16xf32>
    tpu.vector_store %arg9[%swap3A_474, %swap3A_475], %swap3A_478 {strides = array<i32>} : memref<64x16xf32, #tpu.memory_space<vmem>>, vector<1x16xf32>,
    %broadcast_in_dim3A_479 = arith.constant 0.000000e+00 : f32
    %broadcast_in_dim3A_480 = vector.broadcast %broadcast_in_dim3A_479 : f32 to vector<16xf32>
    %swap3A_481 = arith.constant 60 : i32
    %swap3A_482 = arith.index_cast %swap3A_481 : i32 to index
    %swap3A_483 = arith.constant 0 : index
    %swap3A_484 = tpu.vector_load %arg9[%swap3A_482, %swap3A_483] {strides = array<i32>} : memref<64x16xf32, #tpu.memory_space<vmem>>, vector<1x16xf32>,
    %swap3A_485 = vector.shape_cast %swap3A_484 : vector<1x16xf32> to vector<16xf32>
    %swap3A_486 = vector.shape_cast %broadcast_in_dim3A_480 : vector<16xf32> to vector<1x16xf32>
    tpu.vector_store %arg9[%swap3A_482, %swap3A_483], %swap3A_486 {strides = array<i32>} : memref<64x16xf32, #tpu.memory_space<vmem>>, vector<1x16xf32>,
    %broadcast_in_dim3A_487 = arith.constant 0.000000e+00 : f32
    %broadcast_in_dim3A_488 = vector.broadcast %broadcast_in_dim3A_487 : f32 to vector<16xf32>
    %swap3A_489 = arith.constant 61 : i32
    %swap3A_490 = arith.index_cast %swap3A_489 : i32 to index
    %swap3A_491 = arith.constant 0 : index
    %swap3A_492 = tpu.vector_load %arg9[%swap3A_490, %swap3A_491] {strides = array<i32>} : memref<64x16xf32, #tpu.memory_space<vmem>>, vector<1x16xf32>,
    %swap3A_493 = vector.shape_cast %swap3A_492 : vector<1x16xf32> to vector<16xf32>
    %swap3A_494 = vector.shape_cast %broadcast_in_dim3A_488 : vector<16xf32> to vector<1x16xf32>
    tpu.vector_store %arg9[%swap3A_490, %swap3A_491], %swap3A_494 {strides = array<i32>} : memref<64x16xf32, #tpu.memory_space<vmem>>, vector<1x16xf32>,
    %broadcast_in_dim3A_495 = arith.constant 0.000000e+00 : f32
    %broadcast_in_dim3A_496 = vector.broadcast %broadcast_in_dim3A_495 : f32 to vector<16xf32>
    %swap3A_497 = arith.constant 62 : i32
    %swap3A_498 = arith.index_cast %swap3A_497 : i32 to index
    %swap3A_499 = arith.constant 0 : index
    %swap3A_500 = tpu.vector_load %arg9[%swap3A_498, %swap3A_499] {strides = array<i32>} : memref<64x16xf32, #tpu.memory_space<vmem>>, vector<1x16xf32>,
    %swap3A_501 = vector.shape_cast %swap3A_500 : vector<1x16xf32> to vector<16xf32>
    %swap3A_502 = vector.shape_cast %broadcast_in_dim3A_496 : vector<16xf32> to vector<1x16xf32>
    tpu.vector_store %arg9[%swap3A_498, %swap3A_499], %swap3A_502 {strides = array<i32>} : memref<64x16xf32, #tpu.memory_space<vmem>>, vector<1x16xf32>,
    %broadcast_in_dim3A_503 = arith.constant 0.000000e+00 : f32
    %broadcast_in_dim3A_504 = vector.broadcast %broadcast_in_dim3A_503 : f32 to vector<16xf32>
    %swap3A_505 = arith.constant 63 : i32
    %swap3A_506 = arith.index_cast %swap3A_505 : i32 to index
    %swap3A_507 = arith.constant 0 : index
    %swap3A_508 = tpu.vector_load %arg9[%swap3A_506, %swap3A_507] {strides = array<i32>} : memref<64x16xf32, #tpu.memory_space<vmem>>, vector<1x16xf32>,
    %swap3A_509 = vector.shape_cast %swap3A_508 : vector<1x16xf32> to vector<16xf32>
    %swap3A_510 = vector.shape_cast %broadcast_in_dim3A_504 : vector<16xf32> to vector<1x16xf32>
    tpu.vector_store %arg9[%swap3A_506, %swap3A_507], %swap3A_510 {strides = array<i32>} : memref<64x16xf32, #tpu.memory_space<vmem>>, vector<1x16xf32>,
    %scan3A = arith.constant 0 : i32
    %scan3A_511 = arith.constant 0 : i32
    %scan3A_512 = arith.constant 10 : i32
    %scan3A_513 = arith.addi %scan3A_511, %scan3A_512 : i32
    %scan3A_514 = arith.constant 1 : i32
    scf.for %scan3A_529 = %scan3A_511 to %scan3A_513 step %scan3A_514  : i32 {
      %mul3A_530 = arith.constant 640 : i32
      %mul3A_531 = arith.muli %arg1, %mul3A_530 : i32
      %mul3A_532 = arith.constant 64 : i32
      %mul3A_533 = arith.muli %scan3A_529, %mul3A_532 : i32
      %add3A_534 = arith.addi %mul3A_531, %mul3A_533 : i32
      "tpu.region"() ({
        %run_scoped3A = tpu.sem_alloc : memref<!tpu.dma_semaphore, #tpu.memory_space<semaphore_mem>>
        %dma_start3A = arith.constant 0 : i32
        %dma_start3A_535 = tpu.memref_slice %arg10[%add3A_534, %dma_start3A] : memref<10240x16xf32, #tpu.memory_space<vmem_shared>> -> memref<64x16xf32, #tpu.memory_space<vmem_shared>>
        %dma_start3A_536 = arith.constant 0 : i32
        %dma_start3A_537 = tpu.memref_slice %arg10[%add3A_534, %dma_start3A_536] : memref<10240x16xf32, #tpu.memory_space<vmem_shared>> -> memref<64x16xf32, #tpu.memory_space<vmem_shared>>
        tpu.enqueue_dma source(%arg9 : memref<64x16xf32, #tpu.memory_space<vmem>>) target(%dma_start3A_537 : memref<64x16xf32, #tpu.memory_space<vmem_shared>>) target_semaphore(%run_scoped3A : memref<!tpu.dma_semaphore, #tpu.memory_space<semaphore_mem>>)
        %dma_wait3A = arith.constant 0 : i32
        %dma_wait3A_538 = tpu.memref_slice %arg10[%add3A_534, %dma_wait3A] : memref<10240x16xf32, #tpu.memory_space<vmem_shared>> -> memref<64x16xf32, #tpu.memory_space<vmem_shared>>
        %dma_wait3A_539 = arith.constant 0 : i32
        %dma_wait3A_540 = tpu.memref_slice %arg10[%add3A_534, %dma_wait3A_539] : memref<10240x16xf32, #tpu.memory_space<vmem_shared>> -> memref<64x16xf32, #tpu.memory_space<vmem_shared>>
        tpu.wait_dma2 semaphore(%run_scoped3A : memref<!tpu.dma_semaphore, #tpu.memory_space<semaphore_mem>>) src(%arg9 : memref<64x16xf32, #tpu.memory_space<vmem>>) dst(%dma_wait3A_540 : memref<64x16xf32, #tpu.memory_space<vmem_shared>>)
        tpu.yield
      }) : () -> ()
    }
    %scan3A_515 = arith.constant 10 : i32
    %barrier3A = arith.constant 0 : index
    tpu.barrier barrier_id(%barrier3A)
    %mul3A_516 = arith.constant 80 : i32
    %mul3A_517 = arith.muli %add3A, %mul3A_516 : i32
    "tpu.region"() ({
      %run_scoped3A = tpu.sem_alloc : memref<!tpu.dma_semaphore, #tpu.memory_space<semaphore_mem>>
      %dma_start3A = arith.constant 0 : i32
      %dma_start3A_529 = tpu.memref_slice %arg2[%mul3A_517, %dma_start3A] : memref<2560x128xi32, #tpu.memory_space<hbm>> -> memref<80x128xi32, #tpu.memory_space<hbm>>
      %dma_start3A_530 = arith.constant 0 : i32
      %dma_start3A_531 = tpu.memref_slice %arg2[%mul3A_517, %dma_start3A_530] : memref<2560x128xi32, #tpu.memory_space<hbm>> -> memref<80x128xi32, #tpu.memory_space<hbm>>
      tpu.enqueue_dma source(%dma_start3A_531 : memref<80x128xi32, #tpu.memory_space<hbm>>) target(%arg6 : memref<80x128xi32, #tpu.memory_space<vmem>>) target_semaphore(%run_scoped3A : memref<!tpu.dma_semaphore, #tpu.memory_space<semaphore_mem>>)
      %dma_wait3A = arith.constant 0 : i32
      %dma_wait3A_532 = tpu.memref_slice %arg2[%mul3A_517, %dma_wait3A] : memref<2560x128xi32, #tpu.memory_space<hbm>> -> memref<80x128xi32, #tpu.memory_space<hbm>>
      %dma_wait3A_533 = arith.constant 0 : i32
      %dma_wait3A_534 = tpu.memref_slice %arg2[%mul3A_517, %dma_wait3A_533] : memref<2560x128xi32, #tpu.memory_space<hbm>> -> memref<80x128xi32, #tpu.memory_space<hbm>>
      tpu.wait_dma2 semaphore(%run_scoped3A : memref<!tpu.dma_semaphore, #tpu.memory_space<semaphore_mem>>) src(%dma_wait3A_534 : memref<80x128xi32, #tpu.memory_space<hbm>>) dst(%arg6 : memref<80x128xi32, #tpu.memory_space<vmem>>)
      tpu.yield
    }) : () -> ()
    %mul3A_518 = arith.constant 80 : i32
    %mul3A_519 = arith.muli %add3A, %mul3A_518 : i32
    "tpu.region"() ({
      %run_scoped3A = tpu.sem_alloc : memref<!tpu.dma_semaphore, #tpu.memory_space<semaphore_mem>>
      %dma_start3A = arith.constant 0 : i32
      %dma_start3A_529 = tpu.memref_slice %arg3[%mul3A_519, %dma_start3A] : memref<2560x128xi32, #tpu.memory_space<hbm>> -> memref<80x128xi32, #tpu.memory_space<hbm>>
      %dma_start3A_530 = arith.constant 0 : i32
      %dma_start3A_531 = tpu.memref_slice %arg3[%mul3A_519, %dma_start3A_530] : memref<2560x128xi32, #tpu.memory_space<hbm>> -> memref<80x128xi32, #tpu.memory_space<hbm>>
      tpu.enqueue_dma source(%dma_start3A_531 : memref<80x128xi32, #tpu.memory_space<hbm>>) target(%arg7 : memref<80x128xi32, #tpu.memory_space<vmem>>) target_semaphore(%run_scoped3A : memref<!tpu.dma_semaphore, #tpu.memory_space<semaphore_mem>>)
      %dma_wait3A = arith.constant 0 : i32
      %dma_wait3A_532 = tpu.memref_slice %arg3[%mul3A_519, %dma_wait3A] : memref<2560x128xi32, #tpu.memory_space<hbm>> -> memref<80x128xi32, #tpu.memory_space<hbm>>
      %dma_wait3A_533 = arith.constant 0 : i32
      %dma_wait3A_534 = tpu.memref_slice %arg3[%mul3A_519, %dma_wait3A_533] : memref<2560x128xi32, #tpu.memory_space<hbm>> -> memref<80x128xi32, #tpu.memory_space<hbm>>
      tpu.wait_dma2 semaphore(%run_scoped3A : memref<!tpu.dma_semaphore, #tpu.memory_space<semaphore_mem>>) src(%dma_wait3A_534 : memref<80x128xi32, #tpu.memory_space<hbm>>) dst(%arg7 : memref<80x128xi32, #tpu.memory_space<vmem>>)
      tpu.yield
    }) : () -> ()
    %scan3A_520 = arith.constant 0 : i32
    %scan3A_521 = arith.constant 0 : i32
    %scan3A_522 = arith.constant 80 : i32
    %scan3A_523 = arith.addi %scan3A_521, %scan3A_522 : i32
    %scan3A_524 = arith.constant 1 : i32
    scf.for %scan3A_529 = %scan3A_521 to %scan3A_523 step %scan3A_524  : i32 {
      %dma_start3A = arith.constant 0 : i32
      %dma_start3A_530 = tpu.memref_slice %arg6[%scan3A_529, %dma_start3A] : memref<80x128xi32, #tpu.memory_space<vmem>> -> memref<1x128xi32, #tpu.memory_space<vmem>>
      %dma_start3A_531 = tpu.memref_squeeze %dma_start3A_530 : memref<1x128xi32, #tpu.memory_space<vmem>> -> memref<128xi32, #tpu.memory_space<vmem>>
      %dma_start3A_532 = arith.constant 0 : i32
      %dma_start3A_533 = arith.constant 0 : i32
      %dma_start3A_534 = tpu.memref_slice %arg4[%dma_start3A_532, %dma_start3A_533] : memref<10240x16xf32, #tpu.memory_space<hbm>> -> memref<10240x16xf32, #tpu.memory_space<hbm>>
      tpu.enqueue_indirect_dma source(%dma_start3A_534 : memref<10240x16xf32, #tpu.memory_space<hbm>>) target(%arg8 : memref<128x16xf32, #tpu.memory_space<vmem>>) offsets(%dma_start3A_531 : memref<128xi32, #tpu.memory_space<vmem>>) semaphore(%arg11 : memref<!tpu.dma_semaphore, #tpu.memory_space<semaphore_mem>>)
      %dma_wait3A = arith.constant 0 : i32
      %dma_wait3A_535 = tpu.memref_slice %arg6[%scan3A_529, %dma_wait3A] : memref<80x128xi32, #tpu.memory_space<vmem>> -> memref<1x128xi32, #tpu.memory_space<vmem>>
      %dma_wait3A_536 = tpu.memref_squeeze %dma_wait3A_535 : memref<1x128xi32, #tpu.memory_space<vmem>> -> memref<128xi32, #tpu.memory_space<vmem>>
      %dma_wait3A_537 = arith.constant 0 : i32
      %dma_wait3A_538 = arith.constant 0 : i32
      %dma_wait3A_539 = tpu.memref_slice %arg4[%dma_wait3A_537, %dma_wait3A_538] : memref<10240x16xf32, #tpu.memory_space<hbm>> -> memref<10240x16xf32, #tpu.memory_space<hbm>>
      tpu.wait_indirect_dma semaphore(%arg11 : memref<!tpu.dma_semaphore, #tpu.memory_space<semaphore_mem>>) src(%dma_wait3A_539 : memref<10240x16xf32, #tpu.memory_space<hbm>>) dst(%arg8 : memref<128x16xf32, #tpu.memory_space<vmem>>)
      "tpu.region"() ({
        %run_scoped3A = tpu.sem_alloc : memref<!tpu.dma_semaphore, #tpu.memory_space<semaphore_mem>>
        %dma_start3A_540 = arith.constant 0 : i32
        %dma_start3A_541 = tpu.memref_slice %arg7[%scan3A_529, %dma_start3A_540] : memref<80x128xi32, #tpu.memory_space<vmem>> -> memref<1x128xi32, #tpu.memory_space<vmem>>
        %dma_start3A_542 = tpu.memref_squeeze %dma_start3A_541 : memref<1x128xi32, #tpu.memory_space<vmem>> -> memref<128xi32, #tpu.memory_space<vmem>>
        %dma_start3A_543 = arith.constant 0 : i32
        %dma_start3A_544 = arith.constant 0 : i32
        %dma_start3A_545 = tpu.memref_slice %arg10[%dma_start3A_543, %dma_start3A_544] : memref<10240x16xf32, #tpu.memory_space<vmem_shared>> -> memref<10240x16xf32, #tpu.memory_space<vmem_shared>>
        tpu.enqueue_indirect_dma source(%arg8 : memref<128x16xf32, #tpu.memory_space<vmem>>) target(%dma_start3A_545 : memref<10240x16xf32, #tpu.memory_space<vmem_shared>>) offsets(%dma_start3A_542 : memref<128xi32, #tpu.memory_space<vmem>>) semaphore(%run_scoped3A : memref<!tpu.dma_semaphore, #tpu.memory_space<semaphore_mem>>) {add = true}
        %dma_wait3A_546 = arith.constant 0 : i32
        %dma_wait3A_547 = tpu.memref_slice %arg7[%scan3A_529, %dma_wait3A_546] : memref<80x128xi32, #tpu.memory_space<vmem>> -> memref<1x128xi32, #tpu.memory_space<vmem>>
        %dma_wait3A_548 = tpu.memref_squeeze %dma_wait3A_547 : memref<1x128xi32, #tpu.memory_space<vmem>> -> memref<128xi32, #tpu.memory_space<vmem>>
        %dma_wait3A_549 = arith.constant 0 : i32
        %dma_wait3A_550 = arith.constant 0 : i32
        %dma_wait3A_551 = tpu.memref_slice %arg10[%dma_wait3A_549, %dma_wait3A_550] : memref<10240x16xf32, #tpu.memory_space<vmem_shared>> -> memref<10240x16xf32, #tpu.memory_space<vmem_shared>>
        tpu.wait_indirect_dma semaphore(%run_scoped3A : memref<!tpu.dma_semaphore, #tpu.memory_space<semaphore_mem>>) src(%arg8 : memref<128x16xf32, #tpu.memory_space<vmem>>) dst(%dma_wait3A_551 : memref<10240x16xf32, #tpu.memory_space<vmem_shared>>)
        tpu.yield
      }) : () -> ()
    }
    %scan3A_525 = arith.constant 80 : i32
    %barrier3A_526 = arith.constant 0 : index
    tpu.barrier barrier_id(%barrier3A_526)
    %mul3A_527 = arith.constant 640 : i32
    %mul3A_528 = arith.muli %arg1, %mul3A_527 : i32
    "tpu.region"() ({
      %run_scoped3A = tpu.sem_alloc : memref<!tpu.dma_semaphore, #tpu.memory_space<semaphore_mem>>
      %dma_start3A = arith.constant 0 : i32
      %dma_start3A_529 = arith.constant 0 : i32
      %dma_start3A_530 = tpu.memref_slice %arg5[%arg0, %dma_start3A, %dma_start3A_529] : memref<2x10240x16xf32, #tpu.memory_space<hbm>> -> memref<1x10240x16xf32, #tpu.memory_space<hbm>>
      %dma_start3A_531 = tpu.memref_squeeze %dma_start3A_530 : memref<1x10240x16xf32, #tpu.memory_space<hbm>> -> memref<10240x16xf32, #tpu.memory_space<hbm>>
      %dma_start3A_532 = arith.constant 0 : i32
      %dma_start3A_533 = tpu.memref_slice %dma_start3A_531[%mul3A_528, %dma_start3A_532] : memref<10240x16xf32, #tpu.memory_space<hbm>> -> memref<640x16xf32, #tpu.memory_space<hbm>>
      %dma_start3A_534 = arith.constant 0 : i32
      %dma_start3A_535 = tpu.memref_slice %arg10[%mul3A_528, %dma_start3A_534] : memref<10240x16xf32, #tpu.memory_space<vmem_shared>> -> memref<640x16xf32, #tpu.memory_space<vmem_shared>>
      tpu.enqueue_dma source(%dma_start3A_535 : memref<640x16xf32, #tpu.memory_space<vmem_shared>>) target(%dma_start3A_533 : memref<640x16xf32, #tpu.memory_space<hbm>>) target_semaphore(%run_scoped3A : memref<!tpu.dma_semaphore, #tpu.memory_space<semaphore_mem>>)
      %dma_wait3A = arith.constant 0 : i32
      %dma_wait3A_536 = arith.constant 0 : i32
      %dma_wait3A_537 = tpu.memref_slice %arg5[%arg0, %dma_wait3A, %dma_wait3A_536] : memref<2x10240x16xf32, #tpu.memory_space<hbm>> -> memref<1x10240x16xf32, #tpu.memory_space<hbm>>
      %dma_wait3A_538 = tpu.memref_squeeze %dma_wait3A_537 : memref<1x10240x16xf32, #tpu.memory_space<hbm>> -> memref<10240x16xf32, #tpu.memory_space<hbm>>
      %dma_wait3A_539 = arith.constant 0 : i32
      %dma_wait3A_540 = tpu.memref_slice %dma_wait3A_538[%mul3A_528, %dma_wait3A_539] : memref<10240x16xf32, #tpu.memory_space<hbm>> -> memref<640x16xf32, #tpu.memory_space<hbm>>
      %dma_wait3A_541 = arith.constant 0 : i32
      %dma_wait3A_542 = tpu.memref_slice %arg10[%mul3A_528, %dma_wait3A_541] : memref<10240x16xf32, #tpu.memory_space<vmem_shared>> -> memref<640x16xf32, #tpu.memory_space<vmem_shared>>
      tpu.wait_dma2 semaphore(%run_scoped3A : memref<!tpu.dma_semaphore, #tpu.memory_space<semaphore_mem>>) src(%dma_wait3A_542 : memref<640x16xf32, #tpu.memory_space<vmem_shared>>) dst(%dma_wait3A_540 : memref<640x16xf32, #tpu.memory_space<hbm>>)
      tpu.yield
    }) : () -> ()
    return
  }
}

module attributes {stable_mosaic.version = 14 : i64} {
  func.func @_k1_body(%arg0: i32, %arg1: memref<1024x128xf32, #tpu.memory_space<vmem>>, %arg2: memref<128x16xf32, #tpu.memory_space<vmem>>, %arg3: memref<2x1024xf32, #tpu.memory_space<vmem>>, %arg4: memref<2x1024xf32, #tpu.memory_space<vmem>>, %arg5: memref<1024x16xf32, #tpu.memory_space<vmem>>, %arg6: memref<1024xf32, #tpu.memory_space<vmem>>, %arg7: memref<1024xf32, #tpu.memory_space<vmem>>) attributes {dimension_semantics = [#tpu.dimension_semantics<arbitrary>], iteration_bounds = array<i64: 10>, scalar_prefetch = 0 : i64, scratch_operands = 0 : i64, tpu.core_type = #tpu.core_type<tc>, window_params = [{transform_indices = @transform_0, window_bounds = array<i64: 1024, 128>}, {pipeline_mode = #tpu.pipeline_mode<synchronous>, transform_indices = @transform_1, window_bounds = array<i64: 128, 16>}, {transform_indices = @transform_2, window_bounds = array<i64: 2, 1024>}, {transform_indices = @transform_3, window_bounds = array<i64: 2, 1024>}, {transform_indices = @transform_4, window_bounds = array<i64: 1024, 16>}, {transform_indices = @transform_5, window_bounds = array<i64: 1024>}, {transform_indices = @transform_6, window_bounds = array<i64: 1024>}]} {
    %get3A = arith.constant 0 : index
    %get3A_0 = arith.constant 0 : index
    %get3A_1 = vector.load %arg3[%get3A, %get3A_0] : memref<2x1024xf32, #tpu.memory_space<vmem>>, vector<1x1024xf32>
    %get3A_2 = vector.shape_cast %get3A_1 : vector<1x1024xf32> to vector<1024xf32>
    %get3A_3 = arith.constant 1 : index
    %get3A_4 = arith.constant 0 : index
    %get3A_5 = vector.load %arg3[%get3A_3, %get3A_4] : memref<2x1024xf32, #tpu.memory_space<vmem>>, vector<1x1024xf32>
    %get3A_6 = vector.shape_cast %get3A_5 : vector<1x1024xf32> to vector<1024xf32>
    %add3A = arith.addf %get3A_2, %get3A_6 : vector<1024xf32>
    %get3A_7 = arith.constant 0 : index
    %get3A_8 = arith.constant 0 : index
    %get3A_9 = vector.load %arg4[%get3A_7, %get3A_8] : memref<2x1024xf32, #tpu.memory_space<vmem>>, vector<1x1024xf32>
    %get3A_10 = vector.shape_cast %get3A_9 : vector<1x1024xf32> to vector<1024xf32>
    %get3A_11 = arith.constant 1 : index
    %get3A_12 = arith.constant 0 : index
    %get3A_13 = vector.load %arg4[%get3A_11, %get3A_12] : memref<2x1024xf32, #tpu.memory_space<vmem>>, vector<1x1024xf32>
    %get3A_14 = vector.shape_cast %get3A_13 : vector<1x1024xf32> to vector<1024xf32>
    %add3A_15 = arith.addf %get3A_10, %get3A_14 : vector<1024xf32>
    %max3A = arith.constant 1.000000e+00 : f32
    %max3A_16 = vector.broadcast %max3A : f32 to vector<1024xf32>
    %max3A_17 = arith.maximumf %add3A, %max3A_16 : vector<1024xf32>
    %rsqrt3A = math.rsqrt %max3A_17 : vector<1024xf32>
    %max3A_18 = arith.constant 1.000000e+00 : f32
    %max3A_19 = vector.broadcast %max3A_18 : f32 to vector<1024xf32>
    %max3A_20 = arith.maximumf %add3A_15, %max3A_19 : vector<1024xf32>
    %rsqrt3A_21 = math.rsqrt %max3A_20 : vector<1024xf32>
    %get3A_22 = arith.constant 0 : index
    %get3A_23 = arith.constant 0 : index
    %get3A_24 = vector.load %arg1[%get3A_22, %get3A_23] : memref<1024x128xf32, #tpu.memory_space<vmem>>, vector<1024x128xf32>
    %get3A_25 = arith.constant 0 : index
    %get3A_26 = arith.constant 0 : index
    %get3A_27 = vector.load %arg2[%get3A_25, %get3A_26] : memref<128x16xf32, #tpu.memory_space<vmem>>, vector<128x16xf32>
    %dot_general3A = arith.constant dense<0.000000e+00> : vector<1024x16xf32>
    %dot_general3A_28 = tpu.matmul %get3A_24, %get3A_27, %dot_general3A {dimension_numbers = #tpu.dot_dimension_numbers<[1], [0], [0], [1], [0, 0, 1, 1], [], []>, transpose_lhs_hint = false} : vector<1024x128xf32>, vector<128x16xf32>, vector<1024x16xf32> -> vector<1024x16xf32>
    %broadcast_in_dim3A = vector.shape_cast %rsqrt3A : vector<1024xf32> to vector<1024x1xf32>
    %mul3A = vector.broadcast %broadcast_in_dim3A : vector<1024x1xf32> to vector<1024x16xf32>
    %mul3A_29 = arith.mulf %dot_general3A_28, %mul3A : vector<1024x16xf32>
    %swap3A = arith.constant 0 : index
    %swap3A_30 = arith.constant 0 : index
    %swap3A_31 = vector.load %arg5[%swap3A, %swap3A_30] : memref<1024x16xf32, #tpu.memory_space<vmem>>, vector<1024x16xf32>
    tpu.vector_store %arg5[%swap3A, %swap3A_30], %mul3A_29 {strides = array<i32>} : memref<1024x16xf32, #tpu.memory_space<vmem>>, vector<1024x16xf32>,
    %swap3A_32 = arith.constant 0 : index
    %swap3A_33 = vector.load %arg6[%swap3A_32] : memref<1024xf32, #tpu.memory_space<vmem>>, vector<1024xf32>
    tpu.vector_store %arg6[%swap3A_32], %rsqrt3A {strides = array<i32>} : memref<1024xf32, #tpu.memory_space<vmem>>, vector<1024xf32>,
    %swap3A_34 = arith.constant 0 : index
    %swap3A_35 = vector.load %arg7[%swap3A_34] : memref<1024xf32, #tpu.memory_space<vmem>>, vector<1024xf32>
    tpu.vector_store %arg7[%swap3A_34], %rsqrt3A_21 {strides = array<i32>} : memref<1024xf32, #tpu.memory_space<vmem>>, vector<1024xf32>,
    return
  }
  func.func @transform_0(%arg0: i32) -> (i32, i32) {
    %c0_i32 = arith.constant 0 : i32
    %c0_i32_0 = arith.constant 0 : i32
    return %arg0, %c0_i32 : i32, i32
  }
  func.func @transform_1(%arg0: i32) -> (i32, i32) {
    %c0_i32 = arith.constant 0 : i32
    %c0_i32_0 = arith.constant 0 : i32
    %c0_i32_1 = arith.constant 0 : i32
    return %c0_i32, %c0_i32_0 : i32, i32
  }
  func.func @transform_2(%arg0: i32) -> (i32, i32) {
    %c0_i32 = arith.constant 0 : i32
    %c0_i32_0 = arith.constant 0 : i32
    return %c0_i32, %arg0 : i32, i32
  }
  func.func @transform_3(%arg0: i32) -> (i32, i32) {
    %c0_i32 = arith.constant 0 : i32
    %c0_i32_0 = arith.constant 0 : i32
    return %c0_i32, %arg0 : i32, i32
  }
  func.func @transform_4(%arg0: i32) -> (i32, i32) {
    %c0_i32 = arith.constant 0 : i32
    %c0_i32_0 = arith.constant 0 : i32
    return %arg0, %c0_i32 : i32, i32
  }
  func.func @transform_5(%arg0: i32) -> i32 {
    %c0_i32 = arith.constant 0 : i32
    return %arg0 : i32
  }
  func.func @transform_6(%arg0: i32) -> i32 {
    %c0_i32 = arith.constant 0 : i32
    return %arg0 : i32
  }
}

module attributes {stable_mosaic.version = 14 : i64} {
  func.func @_k2_body(%arg0: i32, %arg1: memref<2x1024x16xf32, #tpu.memory_space<vmem>>, %arg2: memref<1024xf32, #tpu.memory_space<vmem>>, %arg3: memref<1024xf32, #tpu.memory_space<vmem>>, %arg4: memref<1x16xf32, #tpu.memory_space<vmem>>, %arg5: memref<16x16xf32, #tpu.memory_space<vmem>>, %arg6: memref<1024x16xf32, #tpu.memory_space<vmem>>) attributes {dimension_semantics = [#tpu.dimension_semantics<arbitrary>], iteration_bounds = array<i64: 10>, scalar_prefetch = 0 : i64, scratch_operands = 0 : i64, tpu.core_type = #tpu.core_type<tc>, window_params = [{transform_indices = @transform_0, window_bounds = array<i64: 2, 1024, 16>}, {transform_indices = @transform_1, window_bounds = array<i64: 1024>}, {transform_indices = @transform_2, window_bounds = array<i64: 1024>}, {pipeline_mode = #tpu.pipeline_mode<synchronous>, transform_indices = @transform_3, window_bounds = array<i64: 1, 16>}, {pipeline_mode = #tpu.pipeline_mode<synchronous>, transform_indices = @transform_4, window_bounds = array<i64: 16, 16>}, {transform_indices = @transform_5, window_bounds = array<i64: 1024, 16>}]} {
    %get3A = arith.constant 0 : index
    %get3A_0 = arith.constant 0 : index
    %get3A_1 = arith.constant 0 : index
    %get3A_2 = vector.load %arg1[%get3A, %get3A_0, %get3A_1] : memref<2x1024x16xf32, #tpu.memory_space<vmem>>, vector<1x1024x16xf32>
    %get3A_3 = vector.shape_cast %get3A_2 : vector<1x1024x16xf32> to vector<1024x16xf32>
    %get3A_4 = arith.constant 1 : index
    %get3A_5 = arith.constant 0 : index
    %get3A_6 = arith.constant 0 : index
    %get3A_7 = vector.load %arg1[%get3A_4, %get3A_5, %get3A_6] : memref<2x1024x16xf32, #tpu.memory_space<vmem>>, vector<1x1024x16xf32>
    %get3A_8 = vector.shape_cast %get3A_7 : vector<1x1024x16xf32> to vector<1024x16xf32>
    %add3A = arith.addf %get3A_3, %get3A_8 : vector<1024x16xf32>
    %get3A_9 = arith.constant 0 : index
    %get3A_10 = vector.load %arg2[%get3A_9] : memref<1024xf32, #tpu.memory_space<vmem>>, vector<1024xf32>
    %broadcast_in_dim3A = vector.shape_cast %get3A_10 : vector<1024xf32> to vector<1024x1xf32>
    %mul3A = vector.broadcast %broadcast_in_dim3A : vector<1024x1xf32> to vector<1024x16xf32>
    %mul3A_11 = arith.mulf %add3A, %mul3A : vector<1024x16xf32>
    %get3A_12 = arith.constant 0 : index
    %get3A_13 = arith.constant 0 : index
    %get3A_14 = vector.load %arg4[%get3A_12, %get3A_13] : memref<1x16xf32, #tpu.memory_space<vmem>>, vector<1x16xf32>
    %add3A_15 = vector.broadcast %get3A_14 : vector<1x16xf32> to vector<1024x16xf32>
    %add3A_16 = arith.addf %mul3A_11, %add3A_15 : vector<1024x16xf32>
    %max3A = arith.constant 0.000000e+00 : f32
    %max3A_17 = vector.broadcast %max3A : f32 to vector<1024x16xf32>
    %max3A_18 = arith.maximumf %add3A_16, %max3A_17 : vector<1024x16xf32>
    %get3A_19 = arith.constant 0 : index
    %get3A_20 = arith.constant 0 : index
    %get3A_21 = vector.load %arg5[%get3A_19, %get3A_20] : memref<16x16xf32, #tpu.memory_space<vmem>>, vector<16x16xf32>
    %dot_general3A = arith.constant dense<0.000000e+00> : vector<1024x16xf32>
    %dot_general3A_22 = tpu.matmul %max3A_18, %get3A_21, %dot_general3A {dimension_numbers = #tpu.dot_dimension_numbers<[1], [0], [0], [1], [0, 0, 1, 1], [], []>, transpose_lhs_hint = false} : vector<1024x16xf32>, vector<16x16xf32>, vector<1024x16xf32> -> vector<1024x16xf32>
    %get3A_23 = arith.constant 0 : index
    %get3A_24 = vector.load %arg3[%get3A_23] : memref<1024xf32, #tpu.memory_space<vmem>>, vector<1024xf32>
    %broadcast_in_dim3A_25 = vector.shape_cast %get3A_24 : vector<1024xf32> to vector<1024x1xf32>
    %mul3A_26 = vector.broadcast %broadcast_in_dim3A_25 : vector<1024x1xf32> to vector<1024x16xf32>
    %mul3A_27 = arith.mulf %dot_general3A_22, %mul3A_26 : vector<1024x16xf32>
    %swap3A = arith.constant 0 : index
    %swap3A_28 = arith.constant 0 : index
    %swap3A_29 = vector.load %arg6[%swap3A, %swap3A_28] : memref<1024x16xf32, #tpu.memory_space<vmem>>, vector<1024x16xf32>
    tpu.vector_store %arg6[%swap3A, %swap3A_28], %mul3A_27 {strides = array<i32>} : memref<1024x16xf32, #tpu.memory_space<vmem>>, vector<1024x16xf32>,
    return
  }
  func.func @transform_0(%arg0: i32) -> (i32, i32, i32) {
    %c0_i32 = arith.constant 0 : i32
    %c0_i32_0 = arith.constant 0 : i32
    %c0_i32_1 = arith.constant 0 : i32
    return %c0_i32, %arg0, %c0_i32_0 : i32, i32, i32
  }
  func.func @transform_1(%arg0: i32) -> i32 {
    %c0_i32 = arith.constant 0 : i32
    return %arg0 : i32
  }
  func.func @transform_2(%arg0: i32) -> i32 {
    %c0_i32 = arith.constant 0 : i32
    return %arg0 : i32
  }
  func.func @transform_3(%arg0: i32) -> (i32, i32) {
    %c0_i32 = arith.constant 0 : i32
    %c0_i32_0 = arith.constant 0 : i32
    %c0_i32_1 = arith.constant 0 : i32
    return %c0_i32, %c0_i32_0 : i32, i32
  }
  func.func @transform_4(%arg0: i32) -> (i32, i32) {
    %c0_i32 = arith.constant 0 : i32
    %c0_i32_0 = arith.constant 0 : i32
    %c0_i32_1 = arith.constant 0 : i32
    return %c0_i32, %c0_i32_0 : i32, i32
  }
  func.func @transform_5(%arg0: i32) -> (i32, i32) {
    %c0_i32 = arith.constant 0 : i32
    %c0_i32_0 = arith.constant 0 : i32
    return %arg0, %c0_i32 : i32, i32
  }
}

module attributes {stable_mosaic.version = 14 : i64} {
  func.func @_k3_body(%arg0: i32, %arg1: memref<2x1024x16xf32, #tpu.memory_space<vmem>>, %arg2: memref<1024xf32, #tpu.memory_space<vmem>>, %arg3: memref<1x16xf32, #tpu.memory_space<vmem>>, %arg4: memref<1024x16xf32, #tpu.memory_space<vmem>>) attributes {dimension_semantics = [#tpu.dimension_semantics<arbitrary>], iteration_bounds = array<i64: 10>, scalar_prefetch = 0 : i64, scratch_operands = 0 : i64, tpu.core_type = #tpu.core_type<tc>, window_params = [{transform_indices = @transform_0, window_bounds = array<i64: 2, 1024, 16>}, {transform_indices = @transform_1, window_bounds = array<i64: 1024>}, {pipeline_mode = #tpu.pipeline_mode<synchronous>, transform_indices = @transform_2, window_bounds = array<i64: 1, 16>}, {transform_indices = @transform_3, window_bounds = array<i64: 1024, 16>}]} {
    %get3A = arith.constant 0 : index
    %get3A_0 = arith.constant 0 : index
    %get3A_1 = arith.constant 0 : index
    %get3A_2 = vector.load %arg1[%get3A, %get3A_0, %get3A_1] : memref<2x1024x16xf32, #tpu.memory_space<vmem>>, vector<1x1024x16xf32>
    %get3A_3 = vector.shape_cast %get3A_2 : vector<1x1024x16xf32> to vector<1024x16xf32>
    %get3A_4 = arith.constant 1 : index
    %get3A_5 = arith.constant 0 : index
    %get3A_6 = arith.constant 0 : index
    %get3A_7 = vector.load %arg1[%get3A_4, %get3A_5, %get3A_6] : memref<2x1024x16xf32, #tpu.memory_space<vmem>>, vector<1x1024x16xf32>
    %get3A_8 = vector.shape_cast %get3A_7 : vector<1x1024x16xf32> to vector<1024x16xf32>
    %add3A = arith.addf %get3A_3, %get3A_8 : vector<1024x16xf32>
    %get3A_9 = arith.constant 0 : index
    %get3A_10 = vector.load %arg2[%get3A_9] : memref<1024xf32, #tpu.memory_space<vmem>>, vector<1024xf32>
    %broadcast_in_dim3A = vector.shape_cast %get3A_10 : vector<1024xf32> to vector<1024x1xf32>
    %mul3A = vector.broadcast %broadcast_in_dim3A : vector<1024x1xf32> to vector<1024x16xf32>
    %mul3A_11 = arith.mulf %add3A, %mul3A : vector<1024x16xf32>
    %get3A_12 = arith.constant 0 : index
    %get3A_13 = arith.constant 0 : index
    %get3A_14 = vector.load %arg3[%get3A_12, %get3A_13] : memref<1x16xf32, #tpu.memory_space<vmem>>, vector<1x16xf32>
    %add3A_15 = vector.broadcast %get3A_14 : vector<1x16xf32> to vector<1024x16xf32>
    %add3A_16 = arith.addf %mul3A_11, %add3A_15 : vector<1024x16xf32>
    %swap3A = arith.constant 0 : index
    %swap3A_17 = arith.constant 0 : index
    %swap3A_18 = vector.load %arg4[%swap3A, %swap3A_17] : memref<1024x16xf32, #tpu.memory_space<vmem>>, vector<1024x16xf32>
    tpu.vector_store %arg4[%swap3A, %swap3A_17], %add3A_16 {strides = array<i32>} : memref<1024x16xf32, #tpu.memory_space<vmem>>, vector<1024x16xf32>,
    return
  }
  func.func @transform_0(%arg0: i32) -> (i32, i32, i32) {
    %c0_i32 = arith.constant 0 : i32
    %c0_i32_0 = arith.constant 0 : i32
    %c0_i32_1 = arith.constant 0 : i32
    return %c0_i32, %arg0, %c0_i32_0 : i32, i32, i32
  }
  func.func @transform_1(%arg0: i32) -> i32 {
    %c0_i32 = arith.constant 0 : i32
    return %arg0 : i32
  }
  func.func @transform_2(%arg0: i32) -> (i32, i32) {
    %c0_i32 = arith.constant 0 : i32
    %c0_i32_0 = arith.constant 0 : i32
    %c0_i32_1 = arith.constant 0 : i32
    return %c0_i32, %c0_i32_0 : i32, i32
  }
  func.func @transform_3(%arg0: i32) -> (i32, i32) {
    %c0_i32 = arith.constant 0 : i32
    %c0_i32_0 = arith.constant 0 : i32
    return %arg0, %c0_i32 : i32, i32
  }
}

</mosaic_0001>

<sc_bundles>
// kernel: kernel.11.cloned.1.call-start
scs
__scs_entry_jumppad:
0x0: {  	(pc) =	sbr.rel $0x88, $3  }
0x1: {  	(tag) =	ssettag $0x0;
	lr =	simm.s32 $0x1  }
0x2: {  	[smem:$0x3F9B] =	sst lr;
	_ =	strace $0xD0000000  }
0x3: {  	_ = 	snop  }
0x4: {  	_ = 	snop  }
0x5: {  	_ = 	snop  }
0x6: {  	_ = 	snop  }
0x7: {  	_ = 	snop  }
__scs_overlays_trampoline_lowered:
0x8: {  	[smem:$0x3FAA] =	sst s0  }
0x9: {  	[smem:$0x3FAB] =	sst s1  }
0xa: {  	[smem:$0x3FAC] =	sst s2  }
0xb: {  	[smem:$0x3FAD] =	sst s3  }
0xc: {  	[smem:$0x3FAE] =	sst s4  }
0xd: {  	[smem:$0x3FAF] =	sst s5  }
0xe: {  	[smem:$0x3FB0] =	sst s6  }
0xf: {  	[smem:$0x3FB1] =	sst s7  }
0x10: {  	[smem:$0x3FB2] =	sst s8  }
0x11: {  	[smem:$0x3FB3] =	sst s9;
	s0 =	simm.s32 @!p0 $0x0  }
0x12: {  	s1 =	sld [smem:$0x3F99];
	s0 =	simm.s32 @p0 $0x1  }
0x13: {  	[smem:$0x3FB4] =	sst s0;
	s0 =	simm.s32 @!p1 $0x0  }
0x14: {  	s2 =	sld [smem:$0x3F98];
	s0 =	simm.s32 @p1 $0x1  }
0x15: {  	[smem:$0x3FB5] =	sst s0;
	s0 =	simm.s32 @!p2 $0x0  }
0x16: {  	s3 =	sld [smem:$0x3FDB];
	s0 =	simm.s32 @p2 $0x1  }
0x17: {  	s4 =	simm.s32 $0x1BF5;
	[smem:$0x3FB7] =	sst s0  }
0x18: {  	s0 =	sld [smem:$0x3F9A];
	_ =	swait.ge [sflag:s4], $0x0  }
0x19: {  	s7 =	sld [smem:$0x3F9B]  }
0x1a: {  	s8 =	sadd.s32 $0xFFFFE003, lr  }
0x1b: {  	s9 =	sadd.s32 $0xFFFFFEF7, lr;
	s5 =	simm.s32 $0xFFFFFFFF;
	p2 =	slt.u32 s8, $0xFFFFF086  }
0x1c: {  	p1 =	slt.u32 s9, $0xF7A;
	s5 =	simm.s32 @!p2 $0x0  }
0x1d: {  	s5 =	simm.s32 @p1 $0x1;
	p0 =	seq.s32 s7, s2  }
0x1e: {  	s7 =	smul.u32 @!p0 $0xF7A, s2;
	p2 =	seq.s32 @!p0 s5, $0x0  }
0x1f: {  	s9 =	smul.u32 $0xF7A, s1;
	s8 =	simm.s32 @!p0 $0x1BF5;
	p2 =	por !p2, p0  }
0x20: {  	[sflag:s8] =	ssyncset.s32 @!p0 $0xFFFFF086;
	s6 =	sadd.s32 @!p0 s3, s7;
	s7 =	simm.s32 @!p0 $0x108  }
0x21: {  	s3 =	sadd.s32 s3, s9;
	s6 =	sadd.s32 @!p0 $0x88, s6;
	s7 =	simm.s32 @p2 $0x1082  }
0x22: {  	[simem:s7], [sflag:s8] =	dma.local @!p0 [hbm:s6], $0xF7A  }
0x23: {  	s9 =	sor.u32 $0xD0000000, s2;
	s6 =	simm.s32 $0x108;
	_ =	swait.ge @!p0 [sflag:s8], $0x0  }
0x24: {  	s3 =	sadd.s32 $0x88, s3;
	s6 =	simm.s32 @!p1 $0x1082;
	[sflag:s4] =	ssyncset.s32 $0xFFFFF086  }
0x25: {  	[simem:s6], [sflag:s4] =	dma.local [hbm:s3], $0xF7A  }
0x26: {  	[smem:$0x3F9B] =	sst s1;
	(tag) =	ssettag s2;
	_ =	strace s9  }
0x27: {  	s1 =	sld [smem:$0x3FAB]  }
0x28: {  	s2 =	sld [smem:$0x3FAC]  }
0x29: {  	s4 =	sld [smem:$0x3FAE]  }
0x2a: {  	p0 =	seq.s32 s5, $0x0;
	s5 =	sld [smem:$0x3FAF]  }
0x2b: {  	s6 =	sld [smem:$0x3FB0]  }
0x2c: {  	s7 =	sld [smem:$0x3FB1]  }
0x2d: {  	s3 =	simm.s32 $0x108;
	s8 =	sld [smem:$0x3FB2]  }
0x2e: {  	s3 =	simm.s32 @!p0 $0x1082;
	s9 =	sld [smem:$0x3FB3]  }
0x2f: {  	lr =	sadd.s32 s0, s3;
	s0 =	sld [smem:$0x3FAA]  }
0x30: {  	s3 =	sld [smem:$0x3FAD]  }
0x31: {  	[smem:$0x3FB6] =	sst s10  }
0x32: {  	s10 =	sld [smem:$0x3FB4];
	_ =	sdelay $0x3  }
0x33: {  	p0 =	seq.s32 s10, $0x1;
	s10 =	sld [smem:$0x3FB6];
	_ =	sdelay $0x3  }
0x34: {  	[smem:$0x3FB6] =	sst s10  }
0x35: {  	s10 =	sld [smem:$0x3FB5];
	_ =	sdelay $0x3  }
0x36: {  	p1 =	seq.s32 s10, $0x1;
	s10 =	sld [smem:$0x3FB6];
	_ =	sdelay $0x3  }
0x37: {  	[smem:$0x3FB6] =	sst s10  }
0x38: {  	s10 =	sld [smem:$0x3FB7]  }
0x39: {  	_ = 	snop;
	(pc) =	sbr.ind lr, $3  }
0x3a: {  	_ = 	snop  }
0x3b: {  	_ = 	snop  }
0x3c: {  	p2 =	seq.s32 s10, $0x1;
	s10 =	sld [smem:$0x3FB6]  }
0x3d: {  	_ =	shalt  }
0x3e: {  	_ =	shalt  }
0x3f: {  	_ =	shalt  }
0x40: {  	_ =	shalt  }
0x41: {  	_ =	shalt  }
0x42: {  	_ =	shalt  }
0x43: {  	_ =	shalt  }
0x44: {  	_ =	shalt  }
0x45: {  	_ =	shalt  }
0x46: {  	_ =	shalt  }
0x47: {  	_ =	shalt  }
0x48: {  	_ =	shalt  }
0x49: {  	_ =	shalt  }
0x4a: {  	_ =	shalt  }
0x4b: {  	_ =	shalt  }
0x4c: {  	_ =	shalt  }
0x4d: {  	_ =	shalt  }
0x4e: {  	_ =	shalt  }
0x4f: {  	_ =	shalt  }
0x50: {  	_ =	shalt  }
0x51: {  	_ =	shalt  }
0x52: {  	_ =	shalt  }
0x53: {  	_ =	shalt  }
0x54: {  	_ =	shalt  }
0x55: {  	_ =	shalt  }
0x56: {  	_ =	shalt  }
0x57: {  	_ =	shalt  }
0x58: {  	_ =	shalt  }
0x59: {  	_ =	shalt  }
0x5a: {  	_ =	shalt  }
0x5b: {  	_ =	shalt  }
0x5c: {  	_ =	shalt  }
0x5d: {  	_ =	shalt  }
0x5e: {  	_ =	shalt  }
0x5f: {  	_ =	shalt  }
0x60: {  	_ =	shalt  }
0x61: {  	_ =	shalt  }
0x62: {  	_ =	shalt  }
0x63: {  	_ =	shalt  }
0x64: {  	_ =	shalt  }
0x65: {  	_ =	shalt  }
0x66: {  	_ =	shalt  }
0x67: {  	_ =	shalt  }
0x68: {  	_ =	shalt  }
0x69: {  	_ =	shalt  }
0x6a: {  	_ =	shalt  }
0x6b: {  	_ =	shalt  }
0x6c: {  	_ =	shalt  }
0x6d: {  	_ =	shalt  }
0x6e: {  	_ =	shalt  }
0x6f: {  	_ =	shalt  }
0x70: {  	_ =	shalt  }
0x71: {  	_ =	shalt  }
0x72: {  	_ =	shalt  }
0x73: {  	_ =	shalt  }
0x74: {  	_ =	shalt  }
0x75: {  	_ =	shalt  }
0x76: {  	_ =	shalt  }
0x77: {  	_ =	shalt  }
0x78: {  	_ =	shalt  }
0x79: {  	_ =	shalt  }
0x7a: {  	_ =	shalt  }
0x7b: {  	_ =	shalt  }
0x7c: {  	_ =	shalt  }
0x7d: {  	_ =	shalt  }
0x7e: {  	_ =	shalt  }
0x7f: {  	_ =	shalt  }
0x80: {  	_ =	shalt  }
0x81: {  	_ =	shalt  }
0x82: {  	_ =	shalt  }
0x83: {  	_ =	shalt  }
0x84: {  	_ =	shalt  }
0x85: {  	_ =	shalt  }
0x86: {  	_ =	shalt  }
0x87: {  	_ =	shalt  }
.Lfunc_end0:
.L_simem_size_0:
called_computation.1_lowered:
.L_overlay_start_0:
0x88: {  	s2 =	sld [smem:$0x3FD9]  }
0x89: {  	s3 =	sld [smem:$0x3FFE];
	_ =	sdelay $0x1  }
0x8a: {  	s1 =	srdreg.scid  }
0x8b: {  	s0 =	sand.u32 $0x1, s1  }
0x8c: {  	s16 =	sshll.u32 s0, $0xA;
	s2 =	sadd.s32 s3, s2  }
0x8d: {  	s2 =	sadd.s32 s2, s16  }
0x8e: {  	[smem:$0x3FC2] =	sst s2  }
0x8f: {  	_ = 	snop  }
0x90: {  	(tm) =	ssettm $0x1  }
0x91: {  	s17 =	sld [smem:$0x3FFB];
	_ =	sdelay $0x3  }
0x92: {  	_ =	strace s17  }
0x93: {  	s2 =	sld [smem:$0x3FFC];
	_ =	sdelay $0x3  }
0x94: {  	_ =	strace s2  }
0x95: {  	s2 =	sld [smem:$0x3FFD];
	_ =	sdelay $0x3  }
0x96: {  	_ =	strace s2  }
0x97: {  	_ =	strace $0x8FFFFFFF  }
0x98: {  	s18 =	sld [smem:$0x3FDB];
	_ =	sdelay $0x1  }
0x99: {  	s19 =	simm.s32 $_scs_section_size  }
0x9a: {  	s4 =	simm.s32 $_size__tile_overlayer_lowered;
	s5 =	simm.s32 $_tile_overlayer_lowered  }
0x9b: {  	s22 =	simm.s32 $0x1BFF;
	s21 =	sshll.u32 s5, $0x1;
	s2 =	sadd.s32 s19, s18  }
0x9c: {  	s6 =	simm.s32 $0x0;
	s20 =	sshll.u32 s4, $0x1;
	s4 =	sadd.s32 s21, s2  }
0x9d: {  	[timem:s6], [sflag:s22] =	dma.local [hbm:s4], s20  }
0x9e: {  	_ =	swait.ge [sflag:s22], s20  }
0x9f: {  	s3 =	ssub.s32 $0x0, s20;
	[sflag:s22] =	ssyncset.done $0x0  }
0xa0: {  	[sflag:s22] =	ssyncadd.s32 s3;
	_ =	sdelay $0x1  }
0xa1: {  	s23 =	simm.s32 $0x1B8B  }
0xa2: {  	_ =	swait.ge [sflag:s23], $0x1  }
0xa3: {  	[sflag:s23] =	ssyncset.done $0x0  }
0xa4: {  	s25 =	simm.s32 $0x1B8E;
	s24 =	sld [smem:$0x3FFE];
	[sflag:s23] =	ssyncadd.s32 $0xFFFFFFFF  }
0xa5: {  	s26 =	simm.s32 $execute0_lowered;
	[smem:$0x3FD2] =	sst s25  }
0xa6: {  	s4 =	sshll.u32 s26, $0x1;
	_ =	strace $0x80000049;
	[dreg:$0x1] =	wrdreg $0xFFFFFFFF  }
0xa7: {  	s28 =	simm.s32 $_size_execute0_lowered;
	s2 =	sadd.s32 s2, s4;
	[dreg:$0x0] =	wrdreg $0x0  }
0xa8: {  	s4 =	sshll.u32 s28, $0x1;
	[dreg:$0x2] =	wrdreg s2  }
0xa9: {  	[dreg:$0x3] =	wrdreg s4  }
0xaa: {  	[dreg:$0x4] =	wrdreg $0xC0  }
0xab: {  	_ =	task [dreg:s6], $0x5FFFF  }
0xac: {  	[dreg:$0x1] =	wrdreg $0xFFFFFFFF  }
0xad: {  	[dreg:$0x0] =	wrdreg $0x60  }
0xae: {  	[dreg:$0x2] =	wrdreg s24  }
0xaf: {  	[dreg:$0x3] =	wrdreg $0x5C000  }
0xb0: {  	[dreg:$0x4] =	wrdreg $0x9  }
0xb1: {  	_ =	task.clear_ibuf [dreg:s6], $0x5FFFF;
	_ =	strace $0x90000049  }
0xb2: {  	s29 =	simm.s32 $0x9;
	_ =	strace $0x8000004B  }
0xb3: {  	_ =	swait.ge [sflag:s29], $0x1  }
0xb4: {  	[sflag:s29] =	ssyncadd.s32 $0xFFFFFFFF  }
0xb5: {  	_ =	strace $0x9000004B  }
0xb6: {  	_ =	sfence  }
0xb7: {  	s30 =	sld [smem:$0x0];
	_ =	sdelay $0x2  }
0xb8: {  	s31 =	sshll.u32 s1, $0xD;
	s1 =	sshrl.u32 s1, $0x2  }
0xb9: {  	s3 =	sand.u32 $0x4000, s31;
	s1 =	sadd.s32 s1, s30  }
0xba: {  	s0 =	sor.u32 s3, s0;
	s1 =	sshll.u32 s1, $0x11  }
0xbb: {  	s0 =	sor.u32 s1, s0  }
0xbc: {  	s0 =	sadd.s32 $0x8F2B, s0  }
0xbd: {  	[sflag:s0] =	ssyncadd.remote.s32 $0x1  }
0xbe: {  	_ =	sfence.sel $0xFFFF  }
0xbf: {  	[dreg:$0x0] =	wrdreg $0xFFFFFFFF;
	(pc) =	sbr.abs _section_cstart, $3  }
0xc0: {  	[dreg:$0x1] =	wrdreg $0xFFFFFFFF  }
0xc1: {  	_ =	task.clear_ibuf [dreg:s6], $0x2FFFF;
	_ =	strace $0x9FFFFFFF  }
0xc2: {  	(tm) =	ssettm $0x7FFFFFFF  }
0xc3: {  	_ =	shalt  }
tec
execute0_lowered:
.L_overlay_start_1:
0x0: {  	(tag) =	ssettag $0x1  }
0x1: {  	s0 =	srdreg.scid;
	s6 =	rddreg [dreg:$0x0]  }
0x2: {  	s2 =	rddreg [dreg:$0x1];
	s3 =	simm.s32 $0x0;
	s18 =	simm.s32 $0x5800  }
0x3: {  	s19 =	simm.s32 $0x2;
	s20 =	simm.s32 $0x2800;
	s21 =	simm.s32 $0x80  }
0x4: {  	s22 =	simm.s32 $0x5000;
	s5 =	sand.u32 $0x1, s0;
	s0 =	stileid.u32  }
0x5: {  	s26 =	simm.s32 $0x0;
	[smem:$0x7FF] =	sst s3;
	s7 =	smul.u32 $0x5000, s5  }
0x6: {  	s1 =	sshll.u32 s5, $0x4;
	s8 =	smul.u32 $0xA000, s0;
	s5 =	ssub.s32 $0x2, s5  }
0x7: {  	s11 =	smul.u32 $0x2800, s0;
	s4 =	sor.u32 s0, s1;
	s1 =	rddreg [dreg:$0x2]  }
0x8: {  	_ =	strace $0x8000004A;
	s29 =	sshrl.u32 s5, $0x1;
	s4 =	smul.u32 $0x500, s4  }
0x9: {  	s10 =	sadd.s32 s7, s6;
	s30 =	sshrl.u32 s8, $0x2;
	s31 =	ssub.s32 s5, s29  }
0xa: {  	s24 =	sshrl.u32 s11, $0x3;
	s25 =	sadd.s32 s11, s2;
	s5 =	sadd.s32 s30, s2  }
0xb: {  	s23 =	sadd.s32 $0x1AA00, s10;
	s8 =	smax.u32 s31, $0x1;
	s25 =	sshrl.u32 s25, $0x3  }
0xc: {  	s9 =	sadd.s32 s4, s6;
	s4 =	sadd.s32 $0x15A00, s6;
	s10 =	sadd.s32 $0x800, s5  }
0xd: {  	s11 =	sadd.s32 $0xC00, s5;
	s12 =	sadd.s32 $0x1000, s5;
	s13 =	sadd.s32 $0x1400, s5  }
0xe: {  	s14 =	sadd.s32 $0x1800, s5;
	s15 =	sadd.s32 $0x1C00, s5;
	s16 =	sadd.s32 $0x2000, s5  }
0xf: {  	s17 =	sadd.s32 $0x2400, s5;
	s23 =	sadd.s32 s24, s23;
	s24 =	simm.s32 $0x1  }
0x10: {  	v0 =	vimm.f32 $0.0e+00;
	s6 =	sadd.s32 $0xBA00, s9;
	s7 =	sadd.s32 $0x1A00, s9;
	s9 =	sadd.s32 $0x400, s5  }
.LBB2_1:
0x11: {  	[tilespmem:$0x5800] =	vst v0  }
0x12: {  	[tilespmem:$0x5810] =	vst v0  }
0x13: {  	[tilespmem:$0x5820] =	vst v0  }
0x14: {  	[tilespmem:$0x5830] =	vst v0  }
0x15: {  	[tilespmem:$0x5840] =	vst v0  }
0x16: {  	[tilespmem:$0x5850] =	vst v0  }
0x17: {  	[tilespmem:$0x5860] =	vst v0  }
0x18: {  	[tilespmem:$0x5870] =	vst v0  }
0x19: {  	[tilespmem:$0x5880] =	vst v0  }
0x1a: {  	[tilespmem:$0x5890] =	vst v0  }
0x1b: {  	[tilespmem:$0x58A0] =	vst v0  }
0x1c: {  	[tilespmem:$0x58B0] =	vst v0  }
0x1d: {  	[tilespmem:$0x58C0] =	vst v0  }
0x1e: {  	[tilespmem:$0x58D0] =	vst v0  }
0x1f: {  	[tilespmem:$0x58E0] =	vst v0  }
0x20: {  	[tilespmem:$0x58F0] =	vst v0  }
0x21: {  	[tilespmem:$0x5900] =	vst v0  }
0x22: {  	[tilespmem:$0x5910] =	vst v0  }
0x23: {  	[tilespmem:$0x5920] =	vst v0  }
0x24: {  	[tilespmem:$0x5930] =	vst v0  }
0x25: {  	[tilespmem:$0x5940] =	vst v0  }
0x26: {  	[tilespmem:$0x5950] =	vst v0  }
0x27: {  	[tilespmem:$0x5960] =	vst v0  }
0x28: {  	[tilespmem:$0x5970] =	vst v0  }
0x29: {  	[tilespmem:$0x5980] =	vst v0  }
0x2a: {  	[tilespmem:$0x5990] =	vst v0  }
0x2b: {  	[tilespmem:$0x59A0] =	vst v0  }
0x2c: {  	[tilespmem:$0x59B0] =	vst v0  }
0x2d: {  	[tilespmem:$0x59C0] =	vst v0  }
0x2e: {  	[tilespmem:$0x59D0] =	vst v0  }
0x2f: {  	[tilespmem:$0x59E0] =	vst v0  }
0x30: {  	[tilespmem:$0x59F0] =	vst v0  }
0x31: {  	[tilespmem:$0x5A00] =	vst v0  }
0x32: {  	[tilespmem:$0x5A10] =	vst v0  }
0x33: {  	[tilespmem:$0x5A20] =	vst v0  }
0x34: {  	[tilespmem:$0x5A30] =	vst v0  }
0x35: {  	[tilespmem:$0x5A40] =	vst v0  }
0x36: {  	[tilespmem:$0x5A50] =	vst v0  }
0x37: {  	[tilespmem:$0x5A60] =	vst v0  }
0x38: {  	[tilespmem:$0x5A70] =	vst v0  }
0x39: {  	[tilespmem:$0x5A80] =	vst v0  }
0x3a: {  	[tilespmem:$0x5A90] =	vst v0  }
0x3b: {  	[tilespmem:$0x5AA0] =	vst v0  }
0x3c: {  	[tilespmem:$0x5AB0] =	vst v0  }
0x3d: {  	[tilespmem:$0x5AC0] =	vst v0  }
0x3e: {  	[tilespmem:$0x5AD0] =	vst v0  }
0x3f: {  	[tilespmem:$0x5AE0] =	vst v0  }
0x40: {  	[tilespmem:$0x5AF0] =	vst v0  }
0x41: {  	[tilespmem:$0x5B00] =	vst v0  }
0x42: {  	[tilespmem:$0x5B10] =	vst v0  }
0x43: {  	[tilespmem:$0x5B20] =	vst v0  }
0x44: {  	[tilespmem:$0x5B30] =	vst v0  }
0x45: {  	[tilespmem:$0x5B40] =	vst v0  }
0x46: {  	[tilespmem:$0x5B50] =	vst v0  }
0x47: {  	[tilespmem:$0x5B60] =	vst v0  }
0x48: {  	[tilespmem:$0x5B70] =	vst v0  }
0x49: {  	[tilespmem:$0x5B80] =	vst v0  }
0x4a: {  	[tilespmem:$0x5B90] =	vst v0  }
0x4b: {  	[tilespmem:$0x5BA0] =	vst v0  }
0x4c: {  	[tilespmem:$0x5BB0] =	vst v0  }
0x4d: {  	[tilespmem:$0x5BC0] =	vst v0  }
0x4e: {  	[tilespmem:$0x5BD0] =	vst v0  }
0x4f: {  	[tilespmem:$0x5BE0] =	vst v0  }
0x50: {  	[tilespmem:$0x5BF0] =	vst v0  }
0x51: {  	[spmem:s5] =	stream.linear.scatter [tilespmem:s18], [sflag:$0x2], $0x400, $0x38;
	[tilespmem:$0x8400] =	vst v63  }
0x52: {  	_ =	swait.ge [sflag:s19], $0x400  }
0x53: {  	[sflag:s19] =	ssyncset.done $0x0  }
0x54: {  	[sflag:s19] =	ssyncadd.s32 $0xFFFFFC00  }
0x55: {  	[spmem:s9] =	stream.linear.scatter [tilespmem:s18], [sflag:$0x2], $0x400, $0x38;
	[tilespmem:$0x8400] =	vst v63  }
0x56: {  	_ =	swait.ge [sflag:s19], $0x400  }
0x57: {  	[sflag:s19] =	ssyncset.done $0x0  }
0x58: {  	[sflag:s19] =	ssyncadd.s32 $0xFFFFFC00  }
0x59: {  	[spmem:s10] =	stream.linear.scatter [tilespmem:s18], [sflag:$0x2], $0x400, $0x38;
	[tilespmem:$0x8400] =	vst v63  }
0x5a: {  	_ =	swait.ge [sflag:s19], $0x400  }
0x5b: {  	[sflag:s19] =	ssyncset.done $0x0  }
0x5c: {  	[sflag:s19] =	ssyncadd.s32 $0xFFFFFC00  }
0x5d: {  	[spmem:s11] =	stream.linear.scatter [tilespmem:s18], [sflag:$0x2], $0x400, $0x38;
	[tilespmem:$0x8400] =	vst v63  }
0x5e: {  	_ =	swait.ge [sflag:s19], $0x400  }
0x5f: {  	[sflag:s19] =	ssyncset.done $0x0  }
0x60: {  	[sflag:s19] =	ssyncadd.s32 $0xFFFFFC00  }
0x61: {  	[spmem:s12] =	stream.linear.scatter [tilespmem:s18], [sflag:$0x2], $0x400, $0x38;
	[tilespmem:$0x8400] =	vst v63  }
0x62: {  	_ =	swait.ge [sflag:s19], $0x400  }
0x63: {  	[sflag:s19] =	ssyncset.done $0x0  }
0x64: {  	[sflag:s19] =	ssyncadd.s32 $0xFFFFFC00  }
0x65: {  	[spmem:s13] =	stream.linear.scatter [tilespmem:s18], [sflag:$0x2], $0x400, $0x38;
	[tilespmem:$0x8400] =	vst v63  }
0x66: {  	_ =	swait.ge [sflag:s19], $0x400  }
0x67: {  	[sflag:s19] =	ssyncset.done $0x0  }
0x68: {  	[sflag:s19] =	ssyncadd.s32 $0xFFFFFC00  }
0x69: {  	[spmem:s14] =	stream.linear.scatter [tilespmem:s18], [sflag:$0x2], $0x400, $0x38;
	[tilespmem:$0x8400] =	vst v63  }
0x6a: {  	_ =	swait.ge [sflag:s19], $0x400  }
0x6b: {  	[sflag:s19] =	ssyncset.done $0x0  }
0x6c: {  	[sflag:s19] =	ssyncadd.s32 $0xFFFFFC00  }
0x6d: {  	[spmem:s15] =	stream.linear.scatter [tilespmem:s18], [sflag:$0x2], $0x400, $0x38;
	[tilespmem:$0x8400] =	vst v63  }
0x6e: {  	_ =	swait.ge [sflag:s19], $0x400  }
0x6f: {  	[sflag:s19] =	ssyncset.done $0x0  }
0x70: {  	[sflag:s19] =	ssyncadd.s32 $0xFFFFFC00  }
0x71: {  	[spmem:s16] =	stream.linear.scatter [tilespmem:s18], [sflag:$0x2], $0x400, $0x38;
	[tilespmem:$0x8400] =	vst v63  }
0x72: {  	_ =	swait.ge [sflag:s19], $0x400  }
0x73: {  	[sflag:s19] =	ssyncset.done $0x0  }
0x74: {  	[sflag:s19] =	ssyncadd.s32 $0xFFFFFC00  }
0x75: {  	[spmem:s17] =	stream.linear.scatter [tilespmem:s18], [sflag:$0x2], $0x400, $0x38;
	[tilespmem:$0x8400] =	vst v63  }
0x76: {  	_ =	swait.ge [sflag:s19], $0x400  }
0x77: {  	[sflag:s19] =	ssyncset.done $0x0  }
0x78: {  	[sflag:s19] =	ssyncadd.s32 $0xFFFFFC00  }
0x79: {  	[bflag:$0x0] =	sbarrier.arrive $0xFFFF  }
0x7a: {  	[tilespmem:s3], [sflag:$0x2] =	stream.linear.gather [hbm4b:s6+s3], $0x2800, $0x38;
	[tilespmem:$0x8400] =	vst v63  }
0x7b: {  	_ =	swait.ge [sflag:s19], $0x2800  }
0x7c: {  	[sflag:s19] =	ssyncset.done $0x0  }
0x7d: {  	[sflag:s19] =	ssyncadd.s32 $0xFFFFD800  }
0x7e: {  	[tilespmem:s20], [sflag:$0x2] =	stream.linear.gather [hbm4b:s7+s3], $0x2800, $0x38;
	[tilespmem:$0x8400] =	vst v63  }
0x7f: {  	_ =	swait.ge [sflag:s19], $0x2800  }
0x80: {  	[sflag:s19] =	ssyncset.done $0x0  }
0x81: {  	s28 =	simm.s32 $0x0;
	[sflag:s19] =	ssyncadd.s32 $0xFFFFD800  }
0x82: {  	[tilespmem:s22], [sflag:$0x1] =	stream.indirect.gather [hbm4b:s4+s21], $0x10, s28, s21, $0xb8;
	[tilespmem:$0x8400] =	vst v63  }
0x83: {  	_ =	swait.ge [sflag:s24], $0x800  }
0x84: {  	[sflag:s24] =	ssyncset.done $0x0  }
0x85: {  	s28 =	simm.s32 $0x2800;
	[sflag:s24] =	ssyncadd.s32 $0xFFFFF800  }
0x86: {  	[spmem:s2] =	stream.indirect.scatter.add.f32 [tilespmem:s22], [sflag:$0x2], $0x10, s28, s21, $0xb8;
	[tilespmem:$0x8400] =	vst v63  }
0x87: {  	_ =	swait.ge [sflag:s19], $0x800  }
0x88: {  	s29 =	simm.s32 $0x400;
	s28 =	simm.s32 $0x200;
	[sflag:s19] =	ssyncset.done $0x0  }
.LBB2_2:
0x89: {  	s30 =	sshra.s32 s28, $0x2  }
0x8a: {  	[sflag:s19] =	ssyncadd.s32 $0xFFFFF800;
	s28 =	smov.u32 s29;
	s31 =	sadd.s32 $0x200, s29  }
0x8b: {  	[tilespmem:s22], [sflag:$0x1] =	stream.indirect.gather [hbm4b:s4+s21], $0x10, s30, s21, $0xb8;
	[tilespmem:$0x8400] =	vst v63  }
0x8c: {  	p0 =	sne.s32 s29, $0x9E00;
	_ =	swait.ge [sflag:s24], $0x800  }
.Ltmp0:
0x8d: {  	[sflag:s24] =	ssyncset.done $0x0;
	(pc) =	sbr.rel @p0 .LBB2_2-.Ltmp0, $4  }
0x8e: {  	s29 =	sadd.s32 $0x2800, s30;
	[sflag:s24] =	ssyncadd.s32 $0xFFFFF800  }
0x8f: {  	[spmem:s2] =	stream.indirect.scatter.add.f32 [tilespmem:s22], [sflag:$0x2], $0x10, s29, s21, $0xb8;
	[tilespmem:$0x8400] =	vst v63  }
0x90: {  	_ =	swait.ge [sflag:s19], $0x800  }
0x91: {  	s29 =	smov.u32 s31;
	[sflag:s19] =	ssyncset.done $0x0  }
0x92: {  	s28 =	sshra.s32 s28, $0x2;
	[sflag:s19] =	ssyncadd.s32 $0xFFFFF800  }
0x93: {  	[tilespmem:s22], [sflag:$0x1] =	stream.indirect.gather [hbm4b:s4+s21], $0x10, s28, s21, $0xb8;
	[tilespmem:$0x8400] =	vst v63  }
0x94: {  	_ =	swait.ge [sflag:s24], $0x800  }
0x95: {  	[sflag:s24] =	ssyncset.done $0x0  }
0x96: {  	s28 =	sadd.s32 $0x2800, s28;
	[sflag:s24] =	ssyncadd.s32 $0xFFFFF800  }
0x97: {  	[spmem:s2] =	stream.indirect.scatter.add.f32 [tilespmem:s22], [sflag:$0x2], $0x10, s28, s21, $0xb8;
	[tilespmem:$0x8400] =	vst v63  }
0x98: {  	_ =	swait.ge [sflag:s19], $0x800  }
0x99: {  	s26 =	sadd.s32 $0x1, s26;
	[sflag:s19] =	ssyncset.done $0x0  }
0x9a: {  	s31 =	sshll.u32 s0, $0x6;
	p0 =	sne.s32 s26, s8;
	[sflag:s19] =	ssyncadd.s32 $0xFFFFF800  }
.Ltmp1:
0x9b: {  	s28 =	sor.u32 $0x1C02, s31;
	[bflag:$0x0] =	sbarrier.arrive $0xFFFF;
	(pc) =	sbr.rel @p0 .LBB2_1-.Ltmp1, $4  }
0x9c: {  	[hbm:s23], [sflag:s28] =	dma.local [spmem:s25], $0x500  }
0x9d: {  	_ =	swait.ge [sflag:s19], $0x500  }
0x9e: {  	[sflag:s19] =	ssyncset.done $0x0  }
0x9f: {  	[sflag:s19] =	ssyncadd.s32 $0xFFFFFB00  }
0xa0: {  	_ =	sfence.sel $0x180000  }
0xa1: {  	[bflag:$0x0] =	sbarrier.arrive $0xFFFF  }
0xa2: {  	p0 =	sne.s32 s0, $0x0;
	_ =	strace $0x9000004A  }
0xa3: {  	s0 =	sadd.s32 @!p0 $0x100000, s1;
	[bflag:$0x2] =	sbarrier.arrive $0xFFFF  }
0xa4: {  	[sflag:s0] =	ssyncadd.tile.s32 @!p0 $0x1;
	_ =	shalt  }
.Lfunc_end2:
_tile_overlayer_lowered:
.L_overlay_start_2:
0xa5: {  	(tag) =	ssettag $0x2  }
0xa6: {  	s0 =	rddreg [dreg:$0x0];
	s2 =	stileid.u32  }
0xa7: {  	s1 =	rddreg [dreg:$0x1];
	p0 =	sne.s32 s2, $0x0  }
0xa8: {  	s3 =	rddreg [dreg:$0x2];
	[bflag:$0x3] =	sbarrier.arrive $0xFFFF;
	s2 =	simm.s32 @!p0 $0x1C02  }
0xa9: {  	[timem:s3], [sflag:s2] =	dma.local @!p0 [hbm:s0], s1  }
0xaa: {  	s0 =	simm.s32 @!p0 $0x2  }
0xab: {  	_ =	swait.ge @!p0 [sflag:s0], s1  }
0xac: {  	s1 =	ssub.s32 @!p0 $0x0, s1;
	[sflag:s0] =	ssyncset.done @!p0 $0x0  }
0xad: {  	[sflag:s0] =	ssyncadd.s32 @!p0 s1  }
0xae: {  	[bflag:$0x3] =	sbarrier.arrive $0xFFFF  }
0xaf: {  	_ =	shalt  }

// kernel: kernel.14.cloned.1.call-start
scs
__scs_entry_jumppad:
0x0: {  	(pc) =	sbr.rel $0x88, $3  }
0x1: {  	(tag) =	ssettag $0x0;
	lr =	simm.s32 $0x1  }
0x2: {  	[smem:$0x3F9B] =	sst lr;
	_ =	strace $0xD0000000  }
0x3: {  	_ = 	snop  }
0x4: {  	_ = 	snop  }
0x5: {  	_ = 	snop  }
0x6: {  	_ = 	snop  }
0x7: {  	_ = 	snop  }
__scs_overlays_trampoline_lowered:
0x8: {  	[smem:$0x3FAA] =	sst s0  }
0x9: {  	[smem:$0x3FAB] =	sst s1  }
0xa: {  	[smem:$0x3FAC] =	sst s2  }
0xb: {  	[smem:$0x3FAD] =	sst s3  }
0xc: {  	[smem:$0x3FAE] =	sst s4  }
0xd: {  	[smem:$0x3FAF] =	sst s5  }
0xe: {  	[smem:$0x3FB0] =	sst s6  }
0xf: {  	[smem:$0x3FB1] =	sst s7  }
0x10: {  	[smem:$0x3FB2] =	sst s8  }
0x11: {  	[smem:$0x3FB3] =	sst s9;
	s0 =	simm.s32 @!p0 $0x0  }
0x12: {  	s1 =	sld [smem:$0x3F99];
	s0 =	simm.s32 @p0 $0x1  }
0x13: {  	[smem:$0x3FB4] =	sst s0;
	s0 =	simm.s32 @!p1 $0x0  }
0x14: {  	s2 =	sld [smem:$0x3F98];
	s0 =	simm.s32 @p1 $0x1  }
0x15: {  	[smem:$0x3FB5] =	sst s0;
	s0 =	simm.s32 @!p2 $0x0  }
0x16: {  	s3 =	sld [smem:$0x3FDB];
	s0 =	simm.s32 @p2 $0x1  }
0x17: {  	s4 =	simm.s32 $0x1BF5;
	[smem:$0x3FB7] =	sst s0  }
0x18: {  	s0 =	sld [smem:$0x3F9A];
	_ =	swait.ge [sflag:s4], $0x0  }
0x19: {  	s7 =	sld [smem:$0x3F9B]  }
0x1a: {  	s8 =	sadd.s32 $0xFFFFE003, lr  }
0x1b: {  	s9 =	sadd.s32 $0xFFFFFEF7, lr;
	s5 =	simm.s32 $0xFFFFFFFF;
	p2 =	slt.u32 s8, $0xFFFFF086  }
0x1c: {  	p1 =	slt.u32 s9, $0xF7A;
	s5 =	simm.s32 @!p2 $0x0  }
0x1d: {  	s5 =	simm.s32 @p1 $0x1;
	p0 =	seq.s32 s7, s2  }
0x1e: {  	s7 =	smul.u32 @!p0 $0xF7A, s2;
	p2 =	seq.s32 @!p0 s5, $0x0  }
0x1f: {  	s9 =	smul.u32 $0xF7A, s1;
	s8 =	simm.s32 @!p0 $0x1BF5;
	p2 =	por !p2, p0  }
0x20: {  	[sflag:s8] =	ssyncset.s32 @!p0 $0xFFFFF086;
	s6 =	sadd.s32 @!p0 s3, s7;
	s7 =	simm.s32 @!p0 $0x108  }
0x21: {  	s3 =	sadd.s32 s3, s9;
	s6 =	sadd.s32 @!p0 $0x88, s6;
	s7 =	simm.s32 @p2 $0x1082  }
0x22: {  	[simem:s7], [sflag:s8] =	dma.local @!p0 [hbm:s6], $0xF7A  }
0x23: {  	s9 =	sor.u32 $0xD0000000, s2;
	s6 =	simm.s32 $0x108;
	_ =	swait.ge @!p0 [sflag:s8], $0x0  }
0x24: {  	s3 =	sadd.s32 $0x88, s3;
	s6 =	simm.s32 @!p1 $0x1082;
	[sflag:s4] =	ssyncset.s32 $0xFFFFF086  }
0x25: {  	[simem:s6], [sflag:s4] =	dma.local [hbm:s3], $0xF7A  }
0x26: {  	[smem:$0x3F9B] =	sst s1;
	(tag) =	ssettag s2;
	_ =	strace s9  }
0x27: {  	s1 =	sld [smem:$0x3FAB]  }
0x28: {  	s2 =	sld [smem:$0x3FAC]  }
0x29: {  	s4 =	sld [smem:$0x3FAE]  }
0x2a: {  	p0 =	seq.s32 s5, $0x0;
	s5 =	sld [smem:$0x3FAF]  }
0x2b: {  	s6 =	sld [smem:$0x3FB0]  }
0x2c: {  	s7 =	sld [smem:$0x3FB1]  }
0x2d: {  	s3 =	simm.s32 $0x108;
	s8 =	sld [smem:$0x3FB2]  }
0x2e: {  	s3 =	simm.s32 @!p0 $0x1082;
	s9 =	sld [smem:$0x3FB3]  }
0x2f: {  	lr =	sadd.s32 s0, s3;
	s0 =	sld [smem:$0x3FAA]  }
0x30: {  	s3 =	sld [smem:$0x3FAD]  }
0x31: {  	[smem:$0x3FB6] =	sst s10  }
0x32: {  	s10 =	sld [smem:$0x3FB4];
	_ =	sdelay $0x3  }
0x33: {  	p0 =	seq.s32 s10, $0x1;
	s10 =	sld [smem:$0x3FB6];
	_ =	sdelay $0x3  }
0x34: {  	[smem:$0x3FB6] =	sst s10  }
0x35: {  	s10 =	sld [smem:$0x3FB5];
	_ =	sdelay $0x3  }
0x36: {  	p1 =	seq.s32 s10, $0x1;
	s10 =	sld [smem:$0x3FB6];
	_ =	sdelay $0x3  }
0x37: {  	[smem:$0x3FB6] =	sst s10  }
0x38: {  	s10 =	sld [smem:$0x3FB7]  }
0x39: {  	_ = 	snop;
	(pc) =	sbr.ind lr, $3  }
0x3a: {  	_ = 	snop  }
0x3b: {  	_ = 	snop  }
0x3c: {  	p2 =	seq.s32 s10, $0x1;
	s10 =	sld [smem:$0x3FB6]  }
0x3d: {  	_ =	shalt  }
0x3e: {  	_ =	shalt  }
0x3f: {  	_ =	shalt  }
0x40: {  	_ =	shalt  }
0x41: {  	_ =	shalt  }
0x42: {  	_ =	shalt  }
0x43: {  	_ =	shalt  }
0x44: {  	_ =	shalt  }
0x45: {  	_ =	shalt  }
0x46: {  	_ =	shalt  }
0x47: {  	_ =	shalt  }
0x48: {  	_ =	shalt  }
0x49: {  	_ =	shalt  }
0x4a: {  	_ =	shalt  }
0x4b: {  	_ =	shalt  }
0x4c: {  	_ =	shalt  }
0x4d: {  	_ =	shalt  }
0x4e: {  	_ =	shalt  }
0x4f: {  	_ =	shalt  }
0x50: {  	_ =	shalt  }
0x51: {  	_ =	shalt  }
0x52: {  	_ =	shalt  }
0x53: {  	_ =	shalt  }
0x54: {  	_ =	shalt  }
0x55: {  	_ =	shalt  }
0x56: {  	_ =	shalt  }
0x57: {  	_ =	shalt  }
0x58: {  	_ =	shalt  }
0x59: {  	_ =	shalt  }
0x5a: {  	_ =	shalt  }
0x5b: {  	_ =	shalt  }
0x5c: {  	_ =	shalt  }
0x5d: {  	_ =	shalt  }
0x5e: {  	_ =	shalt  }
0x5f: {  	_ =	shalt  }
0x60: {  	_ =	shalt  }
0x61: {  	_ =	shalt  }
0x62: {  	_ =	shalt  }
0x63: {  	_ =	shalt  }
0x64: {  	_ =	shalt  }
0x65: {  	_ =	shalt  }
0x66: {  	_ =	shalt  }
0x67: {  	_ =	shalt  }
0x68: {  	_ =	shalt  }
0x69: {  	_ =	shalt  }
0x6a: {  	_ =	shalt  }
0x6b: {  	_ =	shalt  }
0x6c: {  	_ =	shalt  }
0x6d: {  	_ =	shalt  }
0x6e: {  	_ =	shalt  }
0x6f: {  	_ =	shalt  }
0x70: {  	_ =	shalt  }
0x71: {  	_ =	shalt  }
0x72: {  	_ =	shalt  }
0x73: {  	_ =	shalt  }
0x74: {  	_ =	shalt  }
0x75: {  	_ =	shalt  }
0x76: {  	_ =	shalt  }
0x77: {  	_ =	shalt  }
0x78: {  	_ =	shalt  }
0x79: {  	_ =	shalt  }
0x7a: {  	_ =	shalt  }
0x7b: {  	_ =	shalt  }
0x7c: {  	_ =	shalt  }
0x7d: {  	_ =	shalt  }
0x7e: {  	_ =	shalt  }
0x7f: {  	_ =	shalt  }
0x80: {  	_ =	shalt  }
0x81: {  	_ =	shalt  }
0x82: {  	_ =	shalt  }
0x83: {  	_ =	shalt  }
0x84: {  	_ =	shalt  }
0x85: {  	_ =	shalt  }
0x86: {  	_ =	shalt  }
0x87: {  	_ =	shalt  }
.Lfunc_end0:
.L_simem_size_0:
called_computation.2_lowered:
.L_overlay_start_0:
0x88: {  	s2 =	sld [smem:$0x3FD9]  }
0x89: {  	s3 =	sld [smem:$0x3FFE];
	_ =	sdelay $0x1  }
0x8a: {  	s1 =	srdreg.scid  }
0x8b: {  	s0 =	sand.u32 $0x1, s1  }
0x8c: {  	s16 =	sshll.u32 s0, $0xA;
	s2 =	sadd.s32 s3, s2  }
0x8d: {  	s2 =	sadd.s32 s2, s16  }
0x8e: {  	[smem:$0x3FC2] =	sst s2  }
0x8f: {  	_ = 	snop  }
0x90: {  	(tm) =	ssettm $0x1  }
0x91: {  	s17 =	sld [smem:$0x3FFB];
	_ =	sdelay $0x3  }
0x92: {  	_ =	strace s17  }
0x93: {  	s2 =	sld [smem:$0x3FFC];
	_ =	sdelay $0x3  }
0x94: {  	_ =	strace s2  }
0x95: {  	s2 =	sld [smem:$0x3FFD];
	_ =	sdelay $0x3  }
0x96: {  	_ =	strace s2  }
0x97: {  	_ =	strace $0x8FFFFFFF  }
0x98: {  	s18 =	sld [smem:$0x3FDB];
	_ =	sdelay $0x1  }
0x99: {  	s19 =	simm.s32 $_scs_section_size  }
0x9a: {  	s4 =	simm.s32 $_size__tile_overlayer_lowered;
	s5 =	simm.s32 $_tile_overlayer_lowered  }
0x9b: {  	s22 =	simm.s32 $0x1BFF;
	s21 =	sshll.u32 s5, $0x1;
	s2 =	sadd.s32 s19, s18  }
0x9c: {  	s6 =	simm.s32 $0x0;
	s20 =	sshll.u32 s4, $0x1;
	s4 =	sadd.s32 s21, s2  }
0x9d: {  	[timem:s6], [sflag:s22] =	dma.local [hbm:s4], s20  }
0x9e: {  	_ =	swait.ge [sflag:s22], s20  }
0x9f: {  	s3 =	ssub.s32 $0x0, s20;
	[sflag:s22] =	ssyncset.done $0x0  }
0xa0: {  	[sflag:s22] =	ssyncadd.s32 s3;
	_ =	sdelay $0x1  }
0xa1: {  	s23 =	simm.s32 $0x1B8B  }
0xa2: {  	_ =	swait.ge [sflag:s23], $0x1  }
0xa3: {  	[sflag:s23] =	ssyncset.done $0x0  }
0xa4: {  	s25 =	simm.s32 $0x1B8E;
	s24 =	sld [smem:$0x3FFE];
	[sflag:s23] =	ssyncadd.s32 $0xFFFFFFFF  }
0xa5: {  	s26 =	simm.s32 $execute0_lowered;
	[smem:$0x3FD2] =	sst s25  }
0xa6: {  	s4 =	sshll.u32 s26, $0x1;
	_ =	strace $0x8000004C;
	[dreg:$0x1] =	wrdreg $0xFFFFFFFF  }
0xa7: {  	s28 =	simm.s32 $_size_execute0_lowered;
	s2 =	sadd.s32 s2, s4;
	[dreg:$0x0] =	wrdreg $0x0  }
0xa8: {  	s4 =	sshll.u32 s28, $0x1;
	[dreg:$0x2] =	wrdreg s2  }
0xa9: {  	[dreg:$0x3] =	wrdreg s4  }
0xaa: {  	[dreg:$0x4] =	wrdreg $0xC0  }
0xab: {  	_ =	task [dreg:s6], $0x5FFFF  }
0xac: {  	[dreg:$0x1] =	wrdreg $0xFFFFFFFF  }
0xad: {  	[dreg:$0x0] =	wrdreg $0x60  }
0xae: {  	[dreg:$0x2] =	wrdreg s24  }
0xaf: {  	[dreg:$0x3] =	wrdreg $0x5C000  }
0xb0: {  	[dreg:$0x4] =	wrdreg $0x9  }
0xb1: {  	_ =	task.clear_ibuf [dreg:s6], $0x5FFFF;
	_ =	strace $0x9000004C  }
0xb2: {  	s29 =	simm.s32 $0x9;
	_ =	strace $0x8000004E  }
0xb3: {  	_ =	swait.ge [sflag:s29], $0x1  }
0xb4: {  	[sflag:s29] =	ssyncadd.s32 $0xFFFFFFFF  }
0xb5: {  	_ =	strace $0x9000004E  }
0xb6: {  	_ =	sfence  }
0xb7: {  	s30 =	sld [smem:$0x0];
	_ =	sdelay $0x2  }
0xb8: {  	s31 =	sshll.u32 s1, $0xD;
	s1 =	sshrl.u32 s1, $0x2  }
0xb9: {  	s3 =	sand.u32 $0x4000, s31;
	s1 =	sadd.s32 s1, s30  }
0xba: {  	s0 =	sor.u32 s3, s0;
	s1 =	sshll.u32 s1, $0x11  }
0xbb: {  	s0 =	sor.u32 s1, s0  }
0xbc: {  	s0 =	sadd.s32 $0x8F2B, s0  }
0xbd: {  	[sflag:s0] =	ssyncadd.remote.s32 $0x1  }
0xbe: {  	_ =	sfence.sel $0xFFFF  }
0xbf: {  	[dreg:$0x0] =	wrdreg $0xFFFFFFFF;
	(pc) =	sbr.abs _section_cstart, $3  }
0xc0: {  	[dreg:$0x1] =	wrdreg $0xFFFFFFFF  }
0xc1: {  	_ =	task.clear_ibuf [dreg:s6], $0x2FFFF;
	_ =	strace $0x9FFFFFFF  }
0xc2: {  	(tm) =	ssettm $0x7FFFFFFF  }
0xc3: {  	_ =	shalt  }
tec
execute0_lowered:
.L_overlay_start_1:
0x0: {  	(tag) =	ssettag $0x1  }
0x1: {  	s0 =	srdreg.scid;
	s6 =	rddreg [dreg:$0x0]  }
0x2: {  	s2 =	rddreg [dreg:$0x1];
	s3 =	simm.s32 $0x0;
	s18 =	simm.s32 $0x5800  }
0x3: {  	s19 =	simm.s32 $0x2;
	s20 =	simm.s32 $0x2800;
	s21 =	simm.s32 $0x80  }
0x4: {  	s22 =	simm.s32 $0x5000;
	s5 =	sand.u32 $0x1, s0;
	s0 =	stileid.u32  }
0x5: {  	s26 =	simm.s32 $0x0;
	[smem:$0x7FF] =	sst s3;
	s7 =	smul.u32 $0x5000, s5  }
0x6: {  	s1 =	sshll.u32 s5, $0x4;
	s8 =	smul.u32 $0xA000, s0;
	s5 =	ssub.s32 $0x2, s5  }
0x7: {  	s11 =	smul.u32 $0x2800, s0;
	s4 =	sor.u32 s0, s1;
	s1 =	rddreg [dreg:$0x2]  }
0x8: {  	_ =	strace $0x8000004D;
	s29 =	sshrl.u32 s5, $0x1;
	s4 =	smul.u32 $0x500, s4  }
0x9: {  	s10 =	sadd.s32 s7, s6;
	s30 =	sshrl.u32 s8, $0x2;
	s31 =	ssub.s32 s5, s29  }
0xa: {  	s24 =	sshrl.u32 s11, $0x3;
	s25 =	sadd.s32 s11, s2;
	s5 =	sadd.s32 s30, s2  }
0xb: {  	s23 =	sadd.s32 $0x1AA00, s10;
	s8 =	smax.u32 s31, $0x1;
	s25 =	sshrl.u32 s25, $0x3  }
0xc: {  	s9 =	sadd.s32 s4, s6;
	s4 =	sadd.s32 $0x15A00, s6;
	s10 =	sadd.s32 $0x800, s5  }
0xd: {  	s11 =	sadd.s32 $0xC00, s5;
	s12 =	sadd.s32 $0x1000, s5;
	s13 =	sadd.s32 $0x1400, s5  }
0xe: {  	s14 =	sadd.s32 $0x1800, s5;
	s15 =	sadd.s32 $0x1C00, s5;
	s16 =	sadd.s32 $0x2000, s5  }
0xf: {  	s17 =	sadd.s32 $0x2400, s5;
	s23 =	sadd.s32 s24, s23;
	s24 =	simm.s32 $0x1  }
0x10: {  	v0 =	vimm.f32 $0.0e+00;
	s6 =	sadd.s32 $0xBA00, s9;
	s7 =	sadd.s32 $0x1A00, s9;
	s9 =	sadd.s32 $0x400, s5  }
.LBB2_1:
0x11: {  	[tilespmem:$0x5800] =	vst v0  }
0x12: {  	[tilespmem:$0x5810] =	vst v0  }
0x13: {  	[tilespmem:$0x5820] =	vst v0  }
0x14: {  	[tilespmem:$0x5830] =	vst v0  }
0x15: {  	[tilespmem:$0x5840] =	vst v0  }
0x16: {  	[tilespmem:$0x5850] =	vst v0  }
0x17: {  	[tilespmem:$0x5860] =	vst v0  }
0x18: {  	[tilespmem:$0x5870] =	vst v0  }
0x19: {  	[tilespmem:$0x5880] =	vst v0  }
0x1a: {  	[tilespmem:$0x5890] =	vst v0  }
0x1b: {  	[tilespmem:$0x58A0] =	vst v0  }
0x1c: {  	[tilespmem:$0x58B0] =	vst v0  }
0x1d: {  	[tilespmem:$0x58C0] =	vst v0  }
0x1e: {  	[tilespmem:$0x58D0] =	vst v0  }
0x1f: {  	[tilespmem:$0x58E0] =	vst v0  }
0x20: {  	[tilespmem:$0x58F0] =	vst v0  }
0x21: {  	[tilespmem:$0x5900] =	vst v0  }
0x22: {  	[tilespmem:$0x5910] =	vst v0  }
0x23: {  	[tilespmem:$0x5920] =	vst v0  }
0x24: {  	[tilespmem:$0x5930] =	vst v0  }
0x25: {  	[tilespmem:$0x5940] =	vst v0  }
0x26: {  	[tilespmem:$0x5950] =	vst v0  }
0x27: {  	[tilespmem:$0x5960] =	vst v0  }
0x28: {  	[tilespmem:$0x5970] =	vst v0  }
0x29: {  	[tilespmem:$0x5980] =	vst v0  }
0x2a: {  	[tilespmem:$0x5990] =	vst v0  }
0x2b: {  	[tilespmem:$0x59A0] =	vst v0  }
0x2c: {  	[tilespmem:$0x59B0] =	vst v0  }
0x2d: {  	[tilespmem:$0x59C0] =	vst v0  }
0x2e: {  	[tilespmem:$0x59D0] =	vst v0  }
0x2f: {  	[tilespmem:$0x59E0] =	vst v0  }
0x30: {  	[tilespmem:$0x59F0] =	vst v0  }
0x31: {  	[tilespmem:$0x5A00] =	vst v0  }
0x32: {  	[tilespmem:$0x5A10] =	vst v0  }
0x33: {  	[tilespmem:$0x5A20] =	vst v0  }
0x34: {  	[tilespmem:$0x5A30] =	vst v0  }
0x35: {  	[tilespmem:$0x5A40] =	vst v0  }
0x36: {  	[tilespmem:$0x5A50] =	vst v0  }
0x37: {  	[tilespmem:$0x5A60] =	vst v0  }
0x38: {  	[tilespmem:$0x5A70] =	vst v0  }
0x39: {  	[tilespmem:$0x5A80] =	vst v0  }
0x3a: {  	[tilespmem:$0x5A90] =	vst v0  }
0x3b: {  	[tilespmem:$0x5AA0] =	vst v0  }
0x3c: {  	[tilespmem:$0x5AB0] =	vst v0  }
0x3d: {  	[tilespmem:$0x5AC0] =	vst v0  }
0x3e: {  	[tilespmem:$0x5AD0] =	vst v0  }
0x3f: {  	[tilespmem:$0x5AE0] =	vst v0  }
0x40: {  	[tilespmem:$0x5AF0] =	vst v0  }
0x41: {  	[tilespmem:$0x5B00] =	vst v0  }
0x42: {  	[tilespmem:$0x5B10] =	vst v0  }
0x43: {  	[tilespmem:$0x5B20] =	vst v0  }
0x44: {  	[tilespmem:$0x5B30] =	vst v0  }
0x45: {  	[tilespmem:$0x5B40] =	vst v0  }
0x46: {  	[tilespmem:$0x5B50] =	vst v0  }
0x47: {  	[tilespmem:$0x5B60] =	vst v0  }
0x48: {  	[tilespmem:$0x5B70] =	vst v0  }
0x49: {  	[tilespmem:$0x5B80] =	vst v0  }
0x4a: {  	[tilespmem:$0x5B90] =	vst v0  }
0x4b: {  	[tilespmem:$0x5BA0] =	vst v0  }
0x4c: {  	[tilespmem:$0x5BB0] =	vst v0  }
0x4d: {  	[tilespmem:$0x5BC0] =	vst v0  }
0x4e: {  	[tilespmem:$0x5BD0] =	vst v0  }
0x4f: {  	[tilespmem:$0x5BE0] =	vst v0  }
0x50: {  	[tilespmem:$0x5BF0] =	vst v0  }
0x51: {  	[spmem:s5] =	stream.linear.scatter [tilespmem:s18], [sflag:$0x2], $0x400, $0x38;
	[tilespmem:$0x8400] =	vst v63  }
0x52: {  	_ =	swait.ge [sflag:s19], $0x400  }
0x53: {  	[sflag:s19] =	ssyncset.done $0x0  }
0x54: {  	[sflag:s19] =	ssyncadd.s32 $0xFFFFFC00  }
0x55: {  	[spmem:s9] =	stream.linear.scatter [tilespmem:s18], [sflag:$0x2], $0x400, $0x38;
	[tilespmem:$0x8400] =	vst v63  }
0x56: {  	_ =	swait.ge [sflag:s19], $0x400  }
0x57: {  	[sflag:s19] =	ssyncset.done $0x0  }
0x58: {  	[sflag:s19] =	ssyncadd.s32 $0xFFFFFC00  }
0x59: {  	[spmem:s10] =	stream.linear.scatter [tilespmem:s18], [sflag:$0x2], $0x400, $0x38;
	[tilespmem:$0x8400] =	vst v63  }
0x5a: {  	_ =	swait.ge [sflag:s19], $0x400  }
0x5b: {  	[sflag:s19] =	ssyncset.done $0x0  }
0x5c: {  	[sflag:s19] =	ssyncadd.s32 $0xFFFFFC00  }
0x5d: {  	[spmem:s11] =	stream.linear.scatter [tilespmem:s18], [sflag:$0x2], $0x400, $0x38;
	[tilespmem:$0x8400] =	vst v63  }
0x5e: {  	_ =	swait.ge [sflag:s19], $0x400  }
0x5f: {  	[sflag:s19] =	ssyncset.done $0x0  }
0x60: {  	[sflag:s19] =	ssyncadd.s32 $0xFFFFFC00  }
0x61: {  	[spmem:s12] =	stream.linear.scatter [tilespmem:s18], [sflag:$0x2], $0x400, $0x38;
	[tilespmem:$0x8400] =	vst v63  }
0x62: {  	_ =	swait.ge [sflag:s19], $0x400  }
0x63: {  	[sflag:s19] =	ssyncset.done $0x0  }
0x64: {  	[sflag:s19] =	ssyncadd.s32 $0xFFFFFC00  }
0x65: {  	[spmem:s13] =	stream.linear.scatter [tilespmem:s18], [sflag:$0x2], $0x400, $0x38;
	[tilespmem:$0x8400] =	vst v63  }
0x66: {  	_ =	swait.ge [sflag:s19], $0x400  }
0x67: {  	[sflag:s19] =	ssyncset.done $0x0  }
0x68: {  	[sflag:s19] =	ssyncadd.s32 $0xFFFFFC00  }
0x69: {  	[spmem:s14] =	stream.linear.scatter [tilespmem:s18], [sflag:$0x2], $0x400, $0x38;
	[tilespmem:$0x8400] =	vst v63  }
0x6a: {  	_ =	swait.ge [sflag:s19], $0x400  }
0x6b: {  	[sflag:s19] =	ssyncset.done $0x0  }
0x6c: {  	[sflag:s19] =	ssyncadd.s32 $0xFFFFFC00  }
0x6d: {  	[spmem:s15] =	stream.linear.scatter [tilespmem:s18], [sflag:$0x2], $0x400, $0x38;
	[tilespmem:$0x8400] =	vst v63  }
0x6e: {  	_ =	swait.ge [sflag:s19], $0x400  }
0x6f: {  	[sflag:s19] =	ssyncset.done $0x0  }
0x70: {  	[sflag:s19] =	ssyncadd.s32 $0xFFFFFC00  }
0x71: {  	[spmem:s16] =	stream.linear.scatter [tilespmem:s18], [sflag:$0x2], $0x400, $0x38;
	[tilespmem:$0x8400] =	vst v63  }
0x72: {  	_ =	swait.ge [sflag:s19], $0x400  }
0x73: {  	[sflag:s19] =	ssyncset.done $0x0  }
0x74: {  	[sflag:s19] =	ssyncadd.s32 $0xFFFFFC00  }
0x75: {  	[spmem:s17] =	stream.linear.scatter [tilespmem:s18], [sflag:$0x2], $0x400, $0x38;
	[tilespmem:$0x8400] =	vst v63  }
0x76: {  	_ =	swait.ge [sflag:s19], $0x400  }
0x77: {  	[sflag:s19] =	ssyncset.done $0x0  }
0x78: {  	[sflag:s19] =	ssyncadd.s32 $0xFFFFFC00  }
0x79: {  	[bflag:$0x0] =	sbarrier.arrive $0xFFFF  }
0x7a: {  	[tilespmem:s3], [sflag:$0x2] =	stream.linear.gather [hbm4b:s6+s3], $0x2800, $0x38;
	[tilespmem:$0x8400] =	vst v63  }
0x7b: {  	_ =	swait.ge [sflag:s19], $0x2800  }
0x7c: {  	[sflag:s19] =	ssyncset.done $0x0  }
0x7d: {  	[sflag:s19] =	ssyncadd.s32 $0xFFFFD800  }
0x7e: {  	[tilespmem:s20], [sflag:$0x2] =	stream.linear.gather [hbm4b:s7+s3], $0x2800, $0x38;
	[tilespmem:$0x8400] =	vst v63  }
0x7f: {  	_ =	swait.ge [sflag:s19], $0x2800  }
0x80: {  	[sflag:s19] =	ssyncset.done $0x0  }
0x81: {  	s28 =	simm.s32 $0x0;
	[sflag:s19] =	ssyncadd.s32 $0xFFFFD800  }
0x82: {  	[tilespmem:s22], [sflag:$0x1] =	stream.indirect.gather [hbm4b:s4+s21], $0x10, s28, s21, $0xb8;
	[tilespmem:$0x8400] =	vst v63  }
0x83: {  	_ =	swait.ge [sflag:s24], $0x800  }
0x84: {  	[sflag:s24] =	ssyncset.done $0x0  }
0x85: {  	s28 =	simm.s32 $0x2800;
	[sflag:s24] =	ssyncadd.s32 $0xFFFFF800  }
0x86: {  	[spmem:s2] =	stream.indirect.scatter.add.f32 [tilespmem:s22], [sflag:$0x2], $0x10, s28, s21, $0xb8;
	[tilespmem:$0x8400] =	vst v63  }
0x87: {  	_ =	swait.ge [sflag:s19], $0x800  }
0x88: {  	s29 =	simm.s32 $0x400;
	s28 =	simm.s32 $0x200;
	[sflag:s19] =	ssyncset.done $0x0  }
.LBB2_2:
0x89: {  	s30 =	sshra.s32 s28, $0x2  }
0x8a: {  	[sflag:s19] =	ssyncadd.s32 $0xFFFFF800;
	s28 =	smov.u32 s29;
	s31 =	sadd.s32 $0x200, s29  }
0x8b: {  	[tilespmem:s22], [sflag:$0x1] =	stream.indirect.gather [hbm4b:s4+s21], $0x10, s30, s21, $0xb8;
	[tilespmem:$0x8400] =	vst v63  }
0x8c: {  	p0 =	sne.s32 s29, $0x9E00;
	_ =	swait.ge [sflag:s24], $0x800  }
.Ltmp0:
0x8d: {  	[sflag:s24] =	ssyncset.done $0x0;
	(pc) =	sbr.rel @p0 .LBB2_2-.Ltmp0, $4  }
0x8e: {  	s29 =	sadd.s32 $0x2800, s30;
	[sflag:s24] =	ssyncadd.s32 $0xFFFFF800  }
0x8f: {  	[spmem:s2] =	stream.indirect.scatter.add.f32 [tilespmem:s22], [sflag:$0x2], $0x10, s29, s21, $0xb8;
	[tilespmem:$0x8400] =	vst v63  }
0x90: {  	_ =	swait.ge [sflag:s19], $0x800  }
0x91: {  	s29 =	smov.u32 s31;
	[sflag:s19] =	ssyncset.done $0x0  }
0x92: {  	s28 =	sshra.s32 s28, $0x2;
	[sflag:s19] =	ssyncadd.s32 $0xFFFFF800  }
0x93: {  	[tilespmem:s22], [sflag:$0x1] =	stream.indirect.gather [hbm4b:s4+s21], $0x10, s28, s21, $0xb8;
	[tilespmem:$0x8400] =	vst v63  }
0x94: {  	_ =	swait.ge [sflag:s24], $0x800  }
0x95: {  	[sflag:s24] =	ssyncset.done $0x0  }
0x96: {  	s28 =	sadd.s32 $0x2800, s28;
	[sflag:s24] =	ssyncadd.s32 $0xFFFFF800  }
0x97: {  	[spmem:s2] =	stream.indirect.scatter.add.f32 [tilespmem:s22], [sflag:$0x2], $0x10, s28, s21, $0xb8;
	[tilespmem:$0x8400] =	vst v63  }
0x98: {  	_ =	swait.ge [sflag:s19], $0x800  }
0x99: {  	s26 =	sadd.s32 $0x1, s26;
	[sflag:s19] =	ssyncset.done $0x0  }
0x9a: {  	s31 =	sshll.u32 s0, $0x6;
	p0 =	sne.s32 s26, s8;
	[sflag:s19] =	ssyncadd.s32 $0xFFFFF800  }
.Ltmp1:
0x9b: {  	s28 =	sor.u32 $0x1C02, s31;
	[bflag:$0x0] =	sbarrier.arrive $0xFFFF;
	(pc) =	sbr.rel @p0 .LBB2_1-.Ltmp1, $4  }
0x9c: {  	[hbm:s23], [sflag:s28] =	dma.local [spmem:s25], $0x500  }
0x9d: {  	_ =	swait.ge [sflag:s19], $0x500  }
0x9e: {  	[sflag:s19] =	ssyncset.done $0x0  }
0x9f: {  	[sflag:s19] =	ssyncadd.s32 $0xFFFFFB00  }
0xa0: {  	_ =	sfence.sel $0x180000  }
0xa1: {  	[bflag:$0x0] =	sbarrier.arrive $0xFFFF  }
0xa2: {  	p0 =	sne.s32 s0, $0x0;
	_ =	strace $0x9000004D  }
0xa3: {  	s0 =	sadd.s32 @!p0 $0x100000, s1;
	[bflag:$0x2] =	sbarrier.arrive $0xFFFF  }
0xa4: {  	[sflag:s0] =	ssyncadd.tile.s32 @!p0 $0x1;
	_ =	shalt  }
.Lfunc_end2:
_tile_overlayer_lowered:
.L_overlay_start_2:
0xa5: {  	(tag) =	ssettag $0x2  }
0xa6: {  	s0 =	rddreg [dreg:$0x0];
	s2 =	stileid.u32  }
0xa7: {  	s1 =	rddreg [dreg:$0x1];
	p0 =	sne.s32 s2, $0x0  }
0xa8: {  	s3 =	rddreg [dreg:$0x2];
	[bflag:$0x3] =	sbarrier.arrive $0xFFFF;
	s2 =	simm.s32 @!p0 $0x1C02  }
0xa9: {  	[timem:s3], [sflag:s2] =	dma.local @!p0 [hbm:s0], s1  }
0xaa: {  	s0 =	simm.s32 @!p0 $0x2  }
0xab: {  	_ =	swait.ge @!p0 [sflag:s0], s1  }
0xac: {  	s1 =	ssub.s32 @!p0 $0x0, s1;
	[sflag:s0] =	ssyncset.done @!p0 $0x0  }
0xad: {  	[sflag:s0] =	ssyncadd.s32 @!p0 s1  }
0xae: {  	[bflag:$0x3] =	sbarrier.arrive $0xFFFF  }
0xaf: {  	_ =	shalt  }

// kernel: kernel.8.cloned.1.call-start
scs
__scs_entry_jumppad:
0x0: {  	(pc) =	sbr.rel $0x88, $3  }
0x1: {  	(tag) =	ssettag $0x0;
	lr =	simm.s32 $0x1  }
0x2: {  	[smem:$0x3F9B] =	sst lr;
	_ =	strace $0xD0000000  }
0x3: {  	_ = 	snop  }
0x4: {  	_ = 	snop  }
0x5: {  	_ = 	snop  }
0x6: {  	_ = 	snop  }
0x7: {  	_ = 	snop  }
__scs_overlays_trampoline_lowered:
0x8: {  	[smem:$0x3FAA] =	sst s0  }
0x9: {  	[smem:$0x3FAB] =	sst s1  }
0xa: {  	[smem:$0x3FAC] =	sst s2  }
0xb: {  	[smem:$0x3FAD] =	sst s3  }
0xc: {  	[smem:$0x3FAE] =	sst s4  }
0xd: {  	[smem:$0x3FAF] =	sst s5  }
0xe: {  	[smem:$0x3FB0] =	sst s6  }
0xf: {  	[smem:$0x3FB1] =	sst s7  }
0x10: {  	[smem:$0x3FB2] =	sst s8  }
0x11: {  	[smem:$0x3FB3] =	sst s9;
	s0 =	simm.s32 @!p0 $0x0  }
0x12: {  	s1 =	sld [smem:$0x3F99];
	s0 =	simm.s32 @p0 $0x1  }
0x13: {  	[smem:$0x3FB4] =	sst s0;
	s0 =	simm.s32 @!p1 $0x0  }
0x14: {  	s2 =	sld [smem:$0x3F98];
	s0 =	simm.s32 @p1 $0x1  }
0x15: {  	[smem:$0x3FB5] =	sst s0;
	s0 =	simm.s32 @!p2 $0x0  }
0x16: {  	s3 =	sld [smem:$0x3FDB];
	s0 =	simm.s32 @p2 $0x1  }
0x17: {  	s4 =	simm.s32 $0x1BF5;
	[smem:$0x3FB7] =	sst s0  }
0x18: {  	s0 =	sld [smem:$0x3F9A];
	_ =	swait.ge [sflag:s4], $0x0  }
0x19: {  	s7 =	sld [smem:$0x3F9B]  }
0x1a: {  	s8 =	sadd.s32 $0xFFFFE003, lr  }
0x1b: {  	s9 =	sadd.s32 $0xFFFFFEF7, lr;
	s5 =	simm.s32 $0xFFFFFFFF;
	p2 =	slt.u32 s8, $0xFFFFF086  }
0x1c: {  	p1 =	slt.u32 s9, $0xF7A;
	s5 =	simm.s32 @!p2 $0x0  }
0x1d: {  	s5 =	simm.s32 @p1 $0x1;
	p0 =	seq.s32 s7, s2  }
0x1e: {  	s7 =	smul.u32 @!p0 $0xF7A, s2;
	p2 =	seq.s32 @!p0 s5, $0x0  }
0x1f: {  	s9 =	smul.u32 $0xF7A, s1;
	s8 =	simm.s32 @!p0 $0x1BF5;
	p2 =	por !p2, p0  }
0x20: {  	[sflag:s8] =	ssyncset.s32 @!p0 $0xFFFFF086;
	s6 =	sadd.s32 @!p0 s3, s7;
	s7 =	simm.s32 @!p0 $0x108  }
0x21: {  	s3 =	sadd.s32 s3, s9;
	s6 =	sadd.s32 @!p0 $0x88, s6;
	s7 =	simm.s32 @p2 $0x1082  }
0x22: {  	[simem:s7], [sflag:s8] =	dma.local @!p0 [hbm:s6], $0xF7A  }
0x23: {  	s9 =	sor.u32 $0xD0000000, s2;
	s6 =	simm.s32 $0x108;
	_ =	swait.ge @!p0 [sflag:s8], $0x0  }
0x24: {  	s3 =	sadd.s32 $0x88, s3;
	s6 =	simm.s32 @!p1 $0x1082;
	[sflag:s4] =	ssyncset.s32 $0xFFFFF086  }
0x25: {  	[simem:s6], [sflag:s4] =	dma.local [hbm:s3], $0xF7A  }
0x26: {  	[smem:$0x3F9B] =	sst s1;
	(tag) =	ssettag s2;
	_ =	strace s9  }
0x27: {  	s1 =	sld [smem:$0x3FAB]  }
0x28: {  	s2 =	sld [smem:$0x3FAC]  }
0x29: {  	s4 =	sld [smem:$0x3FAE]  }
0x2a: {  	p0 =	seq.s32 s5, $0x0;
	s5 =	sld [smem:$0x3FAF]  }
0x2b: {  	s6 =	sld [smem:$0x3FB0]  }
0x2c: {  	s7 =	sld [smem:$0x3FB1]  }
0x2d: {  	s3 =	simm.s32 $0x108;
	s8 =	sld [smem:$0x3FB2]  }
0x2e: {  	s3 =	simm.s32 @!p0 $0x1082;
	s9 =	sld [smem:$0x3FB3]  }
0x2f: {  	lr =	sadd.s32 s0, s3;
	s0 =	sld [smem:$0x3FAA]  }
0x30: {  	s3 =	sld [smem:$0x3FAD]  }
0x31: {  	[smem:$0x3FB6] =	sst s10  }
0x32: {  	s10 =	sld [smem:$0x3FB4];
	_ =	sdelay $0x3  }
0x33: {  	p0 =	seq.s32 s10, $0x1;
	s10 =	sld [smem:$0x3FB6];
	_ =	sdelay $0x3  }
0x34: {  	[smem:$0x3FB6] =	sst s10  }
0x35: {  	s10 =	sld [smem:$0x3FB5];
	_ =	sdelay $0x3  }
0x36: {  	p1 =	seq.s32 s10, $0x1;
	s10 =	sld [smem:$0x3FB6];
	_ =	sdelay $0x3  }
0x37: {  	[smem:$0x3FB6] =	sst s10  }
0x38: {  	s10 =	sld [smem:$0x3FB7]  }
0x39: {  	_ = 	snop;
	(pc) =	sbr.ind lr, $3  }
0x3a: {  	_ = 	snop  }
0x3b: {  	_ = 	snop  }
0x3c: {  	p2 =	seq.s32 s10, $0x1;
	s10 =	sld [smem:$0x3FB6]  }
0x3d: {  	_ =	shalt  }
0x3e: {  	_ =	shalt  }
0x3f: {  	_ =	shalt  }
0x40: {  	_ =	shalt  }
0x41: {  	_ =	shalt  }
0x42: {  	_ =	shalt  }
0x43: {  	_ =	shalt  }
0x44: {  	_ =	shalt  }
0x45: {  	_ =	shalt  }
0x46: {  	_ =	shalt  }
0x47: {  	_ =	shalt  }
0x48: {  	_ =	shalt  }
0x49: {  	_ =	shalt  }
0x4a: {  	_ =	shalt  }
0x4b: {  	_ =	shalt  }
0x4c: {  	_ =	shalt  }
0x4d: {  	_ =	shalt  }
0x4e: {  	_ =	shalt  }
0x4f: {  	_ =	shalt  }
0x50: {  	_ =	shalt  }
0x51: {  	_ =	shalt  }
0x52: {  	_ =	shalt  }
0x53: {  	_ =	shalt  }
0x54: {  	_ =	shalt  }
0x55: {  	_ =	shalt  }
0x56: {  	_ =	shalt  }
0x57: {  	_ =	shalt  }
0x58: {  	_ =	shalt  }
0x59: {  	_ =	shalt  }
0x5a: {  	_ =	shalt  }
0x5b: {  	_ =	shalt  }
0x5c: {  	_ =	shalt  }
0x5d: {  	_ =	shalt  }
0x5e: {  	_ =	shalt  }
0x5f: {  	_ =	shalt  }
0x60: {  	_ =	shalt  }
0x61: {  	_ =	shalt  }
0x62: {  	_ =	shalt  }
0x63: {  	_ =	shalt  }
0x64: {  	_ =	shalt  }
0x65: {  	_ =	shalt  }
0x66: {  	_ =	shalt  }
0x67: {  	_ =	shalt  }
0x68: {  	_ =	shalt  }
0x69: {  	_ =	shalt  }
0x6a: {  	_ =	shalt  }
0x6b: {  	_ =	shalt  }
0x6c: {  	_ =	shalt  }
0x6d: {  	_ =	shalt  }
0x6e: {  	_ =	shalt  }
0x6f: {  	_ =	shalt  }
0x70: {  	_ =	shalt  }
0x71: {  	_ =	shalt  }
0x72: {  	_ =	shalt  }
0x73: {  	_ =	shalt  }
0x74: {  	_ =	shalt  }
0x75: {  	_ =	shalt  }
0x76: {  	_ =	shalt  }
0x77: {  	_ =	shalt  }
0x78: {  	_ =	shalt  }
0x79: {  	_ =	shalt  }
0x7a: {  	_ =	shalt  }
0x7b: {  	_ =	shalt  }
0x7c: {  	_ =	shalt  }
0x7d: {  	_ =	shalt  }
0x7e: {  	_ =	shalt  }
0x7f: {  	_ =	shalt  }
0x80: {  	_ =	shalt  }
0x81: {  	_ =	shalt  }
0x82: {  	_ =	shalt  }
0x83: {  	_ =	shalt  }
0x84: {  	_ =	shalt  }
0x85: {  	_ =	shalt  }
0x86: {  	_ =	shalt  }
0x87: {  	_ =	shalt  }
.Lfunc_end0:
.L_simem_size_0:
called_computation_lowered:
.L_overlay_start_0:
0x88: {  	s2 =	sld [smem:$0x3FD9]  }
0x89: {  	s3 =	sld [smem:$0x3FFE];
	_ =	sdelay $0x1  }
0x8a: {  	s1 =	srdreg.scid  }
0x8b: {  	s0 =	sand.u32 $0x1, s1  }
0x8c: {  	s17 =	sshll.u32 s0, $0xA;
	s2 =	sadd.s32 s3, s2  }
0x8d: {  	s2 =	sadd.s32 s2, s17  }
0x8e: {  	[smem:$0x3FC2] =	sst s2  }
0x8f: {  	_ = 	snop  }
0x90: {  	s2 =	sld [smem:$0x3FD0];
	(tm) =	ssettm $0x1  }
0x91: {  	s18 =	sld [smem:$0x3FFB];
	_ =	sdelay $0x3  }
0x92: {  	_ =	strace s18  }
0x93: {  	s3 =	sld [smem:$0x3FFC];
	_ =	sdelay $0x3  }
0x94: {  	_ =	strace s3  }
0x95: {  	s3 =	sld [smem:$0x3FFD];
	_ =	sdelay $0x3  }
0x96: {  	_ =	strace s3  }
0x97: {  	_ =	strace $0x8FFFFFFF  }
0x98: {  	s19 =	sld [smem:$0x3FDB];
	_ =	sdelay $0x1  }
0x99: {  	s4 =	simm.s32 $_scs_section_size  }
0x9a: {  	s5 =	simm.s32 $_size__tile_overlayer_lowered;
	s6 =	simm.s32 $_tile_overlayer_lowered  }
0x9b: {  	s22 =	simm.s32 $0x1BFF;
	s21 =	sshll.u32 s6, $0x1;
	s3 =	sadd.s32 s4, s19  }
0x9c: {  	s7 =	simm.s32 $0x0;
	s20 =	sshll.u32 s5, $0x1;
	s5 =	sadd.s32 s21, s3  }
0x9d: {  	[timem:s7], [sflag:s22] =	dma.local [hbm:s5], s20  }
0x9e: {  	_ =	swait.ge [sflag:s22], s20  }
0x9f: {  	s4 =	ssub.s32 $0x0, s20;
	[sflag:s22] =	ssyncset.done $0x0  }
0xa0: {  	[sflag:s22] =	ssyncadd.s32 s4;
	_ =	sdelay $0x1  }
0xa1: {  	s23 =	simm.s32 $0x1B8B  }
0xa2: {  	_ =	swait.ge [sflag:s23], $0x1  }
0xa3: {  	[sflag:s23] =	ssyncset.done $0x0  }
0xa4: {  	s25 =	simm.s32 $0x1B8E;
	s24 =	sld [smem:$0x3FFE];
	[sflag:s23] =	ssyncadd.s32 $0xFFFFFFFF  }
0xa5: {  	s26 =	simm.s32 $execute0_lowered;
	[smem:$0x3FD2] =	sst s25  }
0xa6: {  	s5 =	sshll.u32 s26, $0x1;
	_ =	strace $0x80000046;
	[dreg:$0x1] =	wrdreg $0xFFFFFFFF  }
0xa7: {  	s28 =	simm.s32 $_size_execute0_lowered;
	s3 =	sadd.s32 s3, s5;
	[dreg:$0x0] =	wrdreg $0x0  }
0xa8: {  	s5 =	sshll.u32 s28, $0x1;
	[dreg:$0x2] =	wrdreg s3  }
0xa9: {  	[dreg:$0x3] =	wrdreg s5  }
0xaa: {  	[dreg:$0x4] =	wrdreg $0xC0  }
0xab: {  	_ =	task [dreg:s7], $0x5FFFF  }
0xac: {  	[dreg:$0x1] =	wrdreg $0xFFFFFFFF  }
0xad: {  	[dreg:$0x0] =	wrdreg $0x60  }
0xae: {  	[dreg:$0x2] =	wrdreg s24  }
0xaf: {  	[dreg:$0x3] =	wrdreg s2  }
0xb0: {  	[dreg:$0x4] =	wrdreg $0x2B000  }
0xb1: {  	[dreg:$0x5] =	wrdreg $0x2D800  }
0xb2: {  	[dreg:$0x6] =	wrdreg $0x9  }
0xb3: {  	_ =	task.clear_ibuf [dreg:s7], $0x7FFFF;
	_ =	strace $0x90000046  }
0xb4: {  	s29 =	simm.s32 $0x9;
	_ =	strace $0x80000048  }
0xb5: {  	_ =	swait.ge [sflag:s29], $0x1  }
0xb6: {  	[sflag:s29] =	ssyncadd.s32 $0xFFFFFFFF  }
0xb7: {  	_ =	strace $0x90000048  }
0xb8: {  	_ =	sfence  }
0xb9: {  	s30 =	sld [smem:$0x0];
	_ =	sdelay $0x2  }
0xba: {  	s31 =	sshll.u32 s1, $0xD;
	s1 =	sshrl.u32 s1, $0x2  }
0xbb: {  	s3 =	sand.u32 $0x4000, s31;
	s1 =	sadd.s32 s1, s30  }
0xbc: {  	s0 =	sor.u32 s3, s0;
	s1 =	sshll.u32 s1, $0x11  }
0xbd: {  	s0 =	sor.u32 s1, s0  }
0xbe: {  	s0 =	sadd.s32 $0x8F2B, s0  }
0xbf: {  	[sflag:s0] =	ssyncadd.remote.s32 $0x1  }
0xc0: {  	_ =	sfence.sel $0xFFFF  }
0xc1: {  	[dreg:$0x0] =	wrdreg $0xFFFFFFFF;
	(pc) =	sbr.abs _section_cstart, $3  }
0xc2: {  	[dreg:$0x1] =	wrdreg $0xFFFFFFFF  }
0xc3: {  	_ =	task.clear_ibuf [dreg:s7], $0x2FFFF;
	_ =	strace $0x9FFFFFFF  }
0xc4: {  	(tm) =	ssettm $0x7FFFFFFF  }
0xc5: {  	_ =	shalt  }
tec
execute0_lowered:
.L_overlay_start_1:
0x0: {  	(tag) =	ssettag $0x1  }
0x1: {  	s5 =	rddreg [dreg:$0x0]  }
0x2: {  	s9 =	rddreg [dreg:$0x1]  }
0x3: {  	s0 =	srdreg.scid;
	s2 =	rddreg [dreg:$0x2]  }
0x4: {  	s3 =	rddreg [dreg:$0x3];
	s4 =	simm.s32 $0x0;
	s19 =	simm.s32 $0x0  }
0x5: {  	s6 =	sand.u32 $0x1, s0;
	s0 =	stileid.u32;
	[smem:$0x7FF] =	sst s4  }
0x6: {  	s1 =	sshll.u32 s6, $0x4;
	s10 =	smul.u32 $0x500, s6;
	s6 =	ssub.s32 $0x2, s6  }
0x7: {  	s11 =	smul.u32 $0x280, s0;
	s15 =	sshll.u32 s0, $0x6;
	s1 =	sor.u32 s0, s1  }
0x8: {  	s31 =	sshrl.u32 s6, $0x1;
	s15 =	sor.u32 $0x1C01, s15;
	s7 =	smul.u32 $0x500, s1  }
0x9: {  	s1 =	rddreg [dreg:$0x4];
	_ =	strace $0x80000047;
	s12 =	sadd.s32 s10, s5  }
0xa: {  	s13 =	ssub.s32 s6, s31;
	s6 =	sadd.s32 s11, s3;
	s14 =	sadd.s32 s9, s10  }
0xb: {  	s17 =	sshrl.u32 s11, $0x3;
	s10 =	simm.s32 $0x2880;
	s18 =	sadd.s32 $0x15A00, s12  }
0xc: {  	s9 =	smax.u32 s13, $0x1;
	s12 =	simm.s32 $0x80;
	s13 =	simm.s32 $0x2800  }
0xd: {  	s14 =	sadd.s32 s17, s14;
	s8 =	sadd.s32 s7, s5;
	s5 =	sadd.s32 s11, s2  }
0xe: {  	s11 =	simm.s32 $0x1;
	s17 =	sadd.s32 s17, s18;
	s18 =	sshrl.u32 s6, $0x3  }
0xf: {  	v0 =	vimm.f32 $1.000000000e+00;
	v1 =	vimm.f32 $0.0e+00;
	s7 =	sadd.s32 $0xBA00, s8;
	s8 =	sadd.s32 $0x1A00, s8;
	s16 =	sshrl.u32 s5, $0x3  }
.LBB2_1:
0x10: {  	[tilespmem:$0x2800] =	vst v0  }
0x11: {  	[tilespmem:$0x2810] =	vst v0  }
0x12: {  	[tilespmem:$0x2820] =	vst v0  }
0x13: {  	[tilespmem:$0x2830] =	vst v0  }
0x14: {  	[tilespmem:$0x2840] =	vst v0  }
0x15: {  	[tilespmem:$0x2850] =	vst v0  }
0x16: {  	[tilespmem:$0x2860] =	vst v0  }
0x17: {  	[tilespmem:$0x2870] =	vst v0  }
0x18: {  	[tilespmem:$0x2880] =	vst v1  }
0x19: {  	[tilespmem:$0x2890] =	vst v1  }
0x1a: {  	[tilespmem:$0x28A0] =	vst v1  }
0x1b: {  	[tilespmem:$0x28B0] =	vst v1  }
0x1c: {  	[tilespmem:$0x28C0] =	vst v1  }
0x1d: {  	[tilespmem:$0x28D0] =	vst v1  }
0x1e: {  	[tilespmem:$0x28E0] =	vst v1  }
0x1f: {  	[tilespmem:$0x28F0] =	vst v1  }
0x20: {  	[tilespmem:$0x2900] =	vst v1  }
0x21: {  	[tilespmem:$0x2910] =	vst v1  }
0x22: {  	[tilespmem:$0x2920] =	vst v1  }
0x23: {  	[tilespmem:$0x2930] =	vst v1  }
0x24: {  	[tilespmem:$0x2940] =	vst v1  }
0x25: {  	[tilespmem:$0x2950] =	vst v1  }
0x26: {  	[tilespmem:$0x2960] =	vst v1  }
0x27: {  	[tilespmem:$0x2970] =	vst v1  }
0x28: {  	[tilespmem:$0x2980] =	vst v1  }
0x29: {  	[tilespmem:$0x2990] =	vst v1  }
0x2a: {  	[tilespmem:$0x29A0] =	vst v1  }
0x2b: {  	[tilespmem:$0x29B0] =	vst v1  }
0x2c: {  	[tilespmem:$0x29C0] =	vst v1  }
0x2d: {  	[tilespmem:$0x29D0] =	vst v1  }
0x2e: {  	[tilespmem:$0x29E0] =	vst v1  }
0x2f: {  	[tilespmem:$0x29F0] =	vst v1  }
0x30: {  	[tilespmem:$0x2A00] =	vst v1  }
0x31: {  	[tilespmem:$0x2A10] =	vst v1  }
0x32: {  	[tilespmem:$0x2A20] =	vst v1  }
0x33: {  	[tilespmem:$0x2A30] =	vst v1  }
0x34: {  	[tilespmem:$0x2A40] =	vst v1  }
0x35: {  	[tilespmem:$0x2A50] =	vst v1  }
0x36: {  	[tilespmem:$0x2A60] =	vst v1  }
0x37: {  	[tilespmem:$0x2A70] =	vst v1  }
0x38: {  	[tilespmem:$0x2A80] =	vst v1  }
0x39: {  	[tilespmem:$0x2A90] =	vst v1  }
0x3a: {  	[tilespmem:$0x2AA0] =	vst v1  }
0x3b: {  	[tilespmem:$0x2AB0] =	vst v1  }
0x3c: {  	[tilespmem:$0x2AC0] =	vst v1  }
0x3d: {  	[tilespmem:$0x2AD0] =	vst v1  }
0x3e: {  	[tilespmem:$0x2AE0] =	vst v1  }
0x3f: {  	[tilespmem:$0x2AF0] =	vst v1  }
0x40: {  	[spmem:s5] =	stream.linear.scatter [tilespmem:s10], [sflag:$0x1], $0x280, $0x38;
	[tilespmem:$0x3000] =	vst v63  }
0x41: {  	_ =	swait.ge [sflag:s11], $0x280  }
0x42: {  	[sflag:s11] =	ssyncset.done $0x0  }
0x43: {  	[sflag:s11] =	ssyncadd.s32 $0xFFFFFD80  }
0x44: {  	[spmem:s6] =	stream.linear.scatter [tilespmem:s10], [sflag:$0x1], $0x280, $0x38;
	[tilespmem:$0x3000] =	vst v63  }
0x45: {  	_ =	swait.ge [sflag:s11], $0x280  }
0x46: {  	[sflag:s11] =	ssyncset.done $0x0  }
0x47: {  	[sflag:s11] =	ssyncadd.s32 $0xFFFFFD80  }
0x48: {  	[bflag:$0x0] =	sbarrier.arrive $0xFFFF  }
0x49: {  	[tilespmem:s4], [sflag:$0x1] =	stream.linear.gather [hbm4b:s7+s4], $0x2800, $0x38;
	[tilespmem:$0x3000] =	vst v63  }
0x4a: {  	_ =	swait.ge [sflag:s11], $0x2800  }
0x4b: {  	[sflag:s11] =	ssyncset.done $0x0  }
0x4c: {  	s20 =	simm.s32 $0x0;
	[sflag:s11] =	ssyncadd.s32 $0xFFFFD800  }
0x4d: {  	[spmem:s2] =	stream.indirect.scatter.add.f32 [tilespmem:s13], [sflag:$0x1], $0x1, s20, s12, $0xb8;
	[tilespmem:$0x3000] =	vst v63  }
0x4e: {  	_ =	swait.ge [sflag:s11], $0x80  }
0x4f: {  	s20 =	simm.s32 $0x200;
	[sflag:s11] =	ssyncset.done $0x0  }
.LBB2_2:
0x50: {  	s21 =	sshra.s32 s20, $0x2;
	[sflag:s11] =	ssyncadd.s32 $0xFFFFFF80;
	p0 =	sne.s32 s20, $0x9E00  }
0x51: {  	[spmem:s2] =	stream.indirect.scatter.add.f32 [tilespmem:s13], [sflag:$0x1], $0x1, s21, s12, $0xb8;
	[tilespmem:$0x3000] =	vst v63  }
.Ltmp0:
0x52: {  	_ = 	snop;
	(pc) =	sbr.rel @p0 .LBB2_2-.Ltmp0, $4  }
0x53: {  	_ = 	snop  }
0x54: {  	s20 =	sadd.s32 $0x200, s20  }
0x55: {  	_ =	swait.ge [sflag:s11], $0x80  }
0x56: {  	[sflag:s11] =	ssyncset.done $0x0  }
0x57: {  	[sflag:s11] =	ssyncadd.s32 $0xFFFFFF80;
	s20 =	simm.s32 $0x0  }
0x58: {  	[tilespmem:s20], [sflag:$0x1] =	stream.linear.gather [hbm4b:s8+s20], $0x2800, $0x38;
	[tilespmem:$0x3000] =	vst v63  }
0x59: {  	_ =	swait.ge [sflag:s11], $0x2800  }
0x5a: {  	[sflag:s11] =	ssyncset.done $0x0  }
0x5b: {  	s31 =	simm.s32 $0x0;
	[sflag:s11] =	ssyncadd.s32 $0xFFFFD800  }
0x5c: {  	[spmem:s3] =	stream.indirect.scatter.add.f32 [tilespmem:s13], [sflag:$0x1], $0x1, s31, s12, $0xb8;
	[tilespmem:$0x3000] =	vst v63  }
0x5d: {  	_ =	swait.ge [sflag:s11], $0x80  }
0x5e: {  	s20 =	simm.s32 $0x200;
	[sflag:s11] =	ssyncset.done $0x0  }
.LBB2_4:
0x5f: {  	s21 =	sshra.s32 s20, $0x2;
	[sflag:s11] =	ssyncadd.s32 $0xFFFFFF80;
	p0 =	sne.s32 s20, $0x9E00  }
0x60: {  	[spmem:s3] =	stream.indirect.scatter.add.f32 [tilespmem:s13], [sflag:$0x1], $0x1, s21, s12, $0xb8;
	[tilespmem:$0x3000] =	vst v63  }
.Ltmp1:
0x61: {  	_ = 	snop;
	(pc) =	sbr.rel @p0 .LBB2_4-.Ltmp1, $4  }
0x62: {  	_ = 	snop  }
0x63: {  	s20 =	sadd.s32 $0x200, s20  }
0x64: {  	_ =	swait.ge [sflag:s11], $0x80  }
0x65: {  	[sflag:s11] =	ssyncset.done $0x0  }
0x66: {  	[sflag:s11] =	ssyncadd.s32 $0xFFFFFF80  }
0x67: {  	[bflag:$0x0] =	sbarrier.arrive $0xFFFF  }
0x68: {  	[hbm:s14], [sflag:s15] =	dma.local [spmem:s16], $0x50  }
0x69: {  	s19 =	sadd.s32 $0x1, s19;
	_ =	swait.ge [sflag:s11], $0x50  }
0x6a: {  	p0 =	sne.s32 s19, s9;
	[sflag:s11] =	ssyncset.done $0x0  }
.Ltmp2:
0x6b: {  	[sflag:s11] =	ssyncadd.s32 $0xFFFFFFB0;
	(pc) =	sbr.rel @p0 .LBB2_1-.Ltmp2, $4  }
0x6c: {  	[hbm:s17], [sflag:s15] =	dma.local [spmem:s18], $0x50  }
0x6d: {  	_ =	swait.ge [sflag:s11], $0x50  }
0x6e: {  	[sflag:s11] =	ssyncset.done $0x0  }
0x6f: {  	[sflag:s11] =	ssyncadd.s32 $0xFFFFFFB0  }
0x70: {  	_ =	sfence.sel $0x180000  }
0x71: {  	[bflag:$0x0] =	sbarrier.arrive $0xFFFF  }
0x72: {  	p0 =	sne.s32 s0, $0x0;
	_ =	strace $0x90000047  }
0x73: {  	s0 =	sadd.s32 @!p0 $0x100000, s1;
	[bflag:$0x2] =	sbarrier.arrive $0xFFFF  }
0x74: {  	[sflag:s0] =	ssyncadd.tile.s32 @!p0 $0x1;
	_ =	shalt  }
.Lfunc_end2:
_tile_overlayer_lowered:
.L_overlay_start_2:
0x75: {  	(tag) =	ssettag $0x2  }
0x76: {  	s0 =	rddreg [dreg:$0x0];
	s2 =	stileid.u32  }
0x77: {  	s1 =	rddreg [dreg:$0x1];
	p0 =	sne.s32 s2, $0x0  }
0x78: {  	s3 =	rddreg [dreg:$0x2];
	[bflag:$0x3] =	sbarrier.arrive $0xFFFF;
	s2 =	simm.s32 @!p0 $0x1C01  }
0x79: {  	[timem:s3], [sflag:s2] =	dma.local @!p0 [hbm:s0], s1  }
0x7a: {  	s0 =	simm.s32 @!p0 $0x1  }
0x7b: {  	_ =	swait.ge @!p0 [sflag:s0], s1  }
0x7c: {  	s1 =	ssub.s32 @!p0 $0x0, s1;
	[sflag:s0] =	ssyncset.done @!p0 $0x0  }
0x7d: {  	[sflag:s0] =	ssyncadd.s32 @!p0 s1  }
0x7e: {  	[bflag:$0x3] =	sbarrier.arrive $0xFFFF  }
0x7f: {  	_ =	shalt  }

</sc_bundles>
